<compile_context>
chip_gen: v7x
topology: tpu7x:2x2x1
jax: 0.10.2.dev20260603
libtpu: 0.0.44.dev20260713+nightly
codegen_flags: <defaults>
</compile_context>

<pallas_src>
import functools

import jax
import jax.numpy as jnp
from jax import lax
from jax.experimental import pallas as pl
from jax.experimental.pallas import tpu as pltpu
from jax.experimental.pallas import tpu_sc as plsc

N = 10000
D = 256
HALF = 128
E = 160000
NC = 2
NS = 16
CH = 128
NPH = 2
CPP = 40
EPT = E // NS
PADT = NPH * CPP * CH - EPT
RPT = 624
RPT_LAST = N - 15 * RPT
BN = 1000
NBLK = N // BN

_mesh = plsc.VectorSubcoreMesh(core_axis_name="c", subcore_axis_name="s")


def _zero_acc(zeros_hbm, acc_sp, s):
    @pl.when(s < NS - 1)
    def _():
        pltpu.sync_copy(zeros_hbm.at[pl.ds(0, RPT)], acc_sp.at[pl.ds(s * RPT, RPT)])

    @pl.when(s == NS - 1)
    def _():
        pltpu.sync_copy(zeros_hbm, acc_sp.at[pl.ds(15 * RPT, RPT_LAST)])


def _writeback(acc_sp, acc_hbm, c, s):
    @pl.when(s < NS - 1)
    def _():
        pltpu.sync_copy(acc_sp.at[pl.ds(s * RPT, RPT)],
                        acc_hbm.at[pl.ds(c * N + s * RPT, RPT)])

    @pl.when(s == NS - 1)
    def _():
        pltpu.sync_copy(acc_sp.at[pl.ds(15 * RPT, RPT_LAST)],
                        acc_hbm.at[pl.ds(c * N + 15 * RPT, RPT_LAST)])


@functools.partial(
    pl.kernel,
    out_type=jax.ShapeDtypeStruct((2 * N, HALF), jnp.float32),
    mesh=_mesh,
    scratch_types=[
        pltpu.VMEM((NPH * CPP, CH), jnp.int32),
        pltpu.VMEM((CH, HALF), jnp.float32),
        pltpu.VMEM_SHARED((N + 8, HALF), jnp.float32),
    ],
)
def _deg_kernel(dst_hbm, ones_hbm, zeros_hbm, deg_hbm, dst_loc, ones_v, acc_sp):
    c = lax.axis_index("c")
    s = lax.axis_index("s")

    _zero_acc(zeros_hbm, acc_sp, s)
    pltpu.sync_copy(dst_hbm.at[s], dst_loc)
    pltpu.sync_copy(ones_hbm, ones_v)
    plsc.subcore_barrier()

    half = NPH * CPP // 2

    def body(g, carry):
        pltpu.sync_copy(ones_v, acc_sp.at[dst_loc.at[c * half + g]], add=True)
        return carry

    lax.fori_loop(0, half, body, 0)
    plsc.subcore_barrier()
    _writeback(acc_sp, deg_hbm, c, s)


@functools.partial(
    pl.kernel,
    out_type=jax.ShapeDtypeStruct((2 * N, HALF), jnp.float32),
    mesh=_mesh,
    scratch_types=[
        pltpu.VMEM((CPP, CH), jnp.int32),
        pltpu.VMEM((CPP, CH), jnp.int32),
        pltpu.VMEM((2, CH, HALF), jnp.float32),
        pltpu.SemaphoreType.DMA((2,)),
        pltpu.VMEM_SHARED((N + 8, HALF), jnp.float32),
    ],
)
def _agg_kernel(hs_hbm, src_hbm, dst_hbm, zeros_hbm, acc_hbm,
                src_loc, dst_loc, rowbuf, sem, acc_sp):
    c = lax.axis_index("c")
    s = lax.axis_index("s")

    _zero_acc(zeros_hbm, acc_sp, s)
    plsc.subcore_barrier()

    for p in range(NPH):
        pltpu.sync_copy(src_hbm.at[c, s, p], src_loc)
        pltpu.sync_copy(dst_hbm.at[s, p], dst_loc)

        def prime(g, carry):
            pltpu.async_copy(hs_hbm.at[src_loc.at[g]], rowbuf.at[g], sem.at[g])
            return carry

        lax.fori_loop(0, 2, prime, 0)

        def body(g, carry):
            b = lax.rem(g, 2)
            pltpu.make_async_copy(zeros_hbm.at[pl.ds(0, CH)],
                                  rowbuf.at[b], sem.at[b]).wait()
            pltpu.sync_copy(rowbuf.at[b], acc_sp.at[dst_loc.at[g]], add=True)
            pltpu.async_copy(hs_hbm.at[src_loc.at[g + 2]],
                             rowbuf.at[b], sem.at[b])
            return carry

        lax.fori_loop(0, CPP - 2, body, 0)

        def tail(g, carry):
            b = lax.rem(g, 2)
            pltpu.make_async_copy(zeros_hbm.at[pl.ds(0, CH)],
                                  rowbuf.at[b], sem.at[b]).wait()
            pltpu.sync_copy(rowbuf.at[b], acc_sp.at[dst_loc.at[g]], add=True)
            return carry

        lax.fori_loop(CPP - 2, CPP, tail, 0)

    plsc.subcore_barrier()
    _writeback(acc_sp, acc_hbm, c, s)


def _mm1_body(x_ref, w_ref, deg_ref, dhi_ref, h_ref, hs_ref):
    h = jnp.dot(x_ref[...], w_ref[...], preferred_element_type=jnp.float32)
    dinv = lax.rsqrt(deg_ref[:, 0:1] + dhi_ref[:, 0:1] + 1.0)
    h_ref[...] = h
    hs_ref[...] = h * dinv


_mm1 = pl.pallas_call(
    _mm1_body,
    grid=(NBLK, 2),
    in_specs=[
        pl.BlockSpec((BN, D), lambda i, j: (i, 0)),
        pl.BlockSpec((D, HALF), lambda i, j: (0, j)),
        pl.BlockSpec((BN, HALF), lambda i, j: (i, 0)),
        pl.BlockSpec((BN, HALF), lambda i, j: (NBLK + i, 0)),
    ],
    out_specs=[
        pl.BlockSpec((BN, HALF), lambda i, j: (j * NBLK + i, 0)),
        pl.BlockSpec((BN, HALF), lambda i, j: (j * NBLK + i, 0)),
    ],
    out_shape=[
        jax.ShapeDtypeStruct((2 * N, HALF), jnp.float32),
        jax.ShapeDtypeStruct((2 * N, HALF), jnp.float32),
    ],
)


def _mm_mid_body(alo_ref, ahi_ref, hlo_ref, hhi_ref, deg_ref, dhi_ref,
                 b_ref, w_ref, h_ref, hs_ref):
    dinv = lax.rsqrt(deg_ref[:, 0:1] + dhi_ref[:, 0:1] + 1.0)
    acc = jnp.concatenate([alo_ref[...], ahi_ref[...]], axis=1)
    hp = jnp.concatenate([hlo_ref[...], hhi_ref[...]], axis=1)
    z = jnp.maximum(dinv * acc + (dinv * dinv) * hp + b_ref[...], 0.0)
    h = jnp.dot(z, w_ref[...], preferred_element_type=jnp.float32)
    h_ref[...] = h
    hs_ref[...] = h * dinv


_mm_mid = pl.pallas_call(
    _mm_mid_body,
    grid=(NBLK, 2),
    in_specs=[
        pl.BlockSpec((BN, HALF), lambda i, j: (i, 0)),
        pl.BlockSpec((BN, HALF), lambda i, j: (NBLK + i, 0)),
        pl.BlockSpec((BN, HALF), lambda i, j: (i, 0)),
        pl.BlockSpec((BN, HALF), lambda i, j: (NBLK + i, 0)),
        pl.BlockSpec((BN, HALF), lambda i, j: (i, 0)),
        pl.BlockSpec((BN, HALF), lambda i, j: (NBLK + i, 0)),
        pl.BlockSpec((1, D), lambda i, j: (0, 0)),
        pl.BlockSpec((D, HALF), lambda i, j: (0, j)),
    ],
    out_specs=[
        pl.BlockSpec((BN, HALF), lambda i, j: (j * NBLK + i, 0)),
        pl.BlockSpec((BN, HALF), lambda i, j: (j * NBLK + i, 0)),
    ],
    out_shape=[
        jax.ShapeDtypeStruct((2 * N, HALF), jnp.float32),
        jax.ShapeDtypeStruct((2 * N, HALF), jnp.float32),
    ],
)


def _final_body(alo_ref, ahi_ref, hlo_ref, hhi_ref, deg_ref, dhi_ref,
                b_ref, out_ref):
    dinv = lax.rsqrt(deg_ref[:, 0:1] + dhi_ref[:, 0:1] + 1.0)
    acc = jnp.concatenate([alo_ref[...], ahi_ref[...]], axis=1)
    hp = jnp.concatenate([hlo_ref[...], hhi_ref[...]], axis=1)
    out_ref[...] = dinv * acc + (dinv * dinv) * hp + b_ref[...]


_final = pl.pallas_call(
    _final_body,
    grid=(NBLK,),
    in_specs=[
        pl.BlockSpec((BN, HALF), lambda i: (i, 0)),
        pl.BlockSpec((BN, HALF), lambda i: (NBLK + i, 0)),
        pl.BlockSpec((BN, HALF), lambda i: (i, 0)),
        pl.BlockSpec((BN, HALF), lambda i: (NBLK + i, 0)),
        pl.BlockSpec((BN, HALF), lambda i: (i, 0)),
        pl.BlockSpec((BN, HALF), lambda i: (NBLK + i, 0)),
        pl.BlockSpec((1, D), lambda i: (0, 0)),
    ],
    out_specs=pl.BlockSpec((BN, D), lambda i: (i, 0)),
    out_shape=jax.ShapeDtypeStruct((N, D), jnp.float32),
)


def kernel(x, edge_index, W1, b1, W2, b2, W3, b3):
    srcp = jnp.pad(edge_index[0].reshape(NS, EPT), ((0, 0), (0, PADT)))
    dstp = jnp.pad(edge_index[1].reshape(NS, EPT), ((0, 0), (0, PADT)),
                   constant_values=N)
    src = srcp.reshape(NS, NPH, CPP, CH)
    dst = dstp.reshape(NS, NPH, CPP, CH)
    src_off = src[None] + (jnp.arange(NC, dtype=jnp.int32) * N)[:, None, None, None, None]

    zeros_r = jnp.zeros((RPT_LAST, HALF), jnp.float32)
    b1r = b1.reshape(1, D)
    b2r = b2.reshape(1, D)
    b3r = b3.reshape(1, D)

    ones_c = jnp.ones((CH, HALF), jnp.float32)
    deg = _deg_kernel(dst.reshape(NS, NPH * CPP, CH), ones_c, zeros_r)
    h1, hs1 = _mm1(x, W1, deg, deg)
    acc1 = _agg_kernel(hs1, src_off, dst, zeros_r)
    h2, hs2 = _mm_mid(acc1, acc1, h1, h1, deg, deg, b1r, W2)
    acc2 = _agg_kernel(hs2, src_off, dst, zeros_r)
    h3, hs3 = _mm_mid(acc2, acc2, h2, h2, deg, deg, b2r, W3)
    acc3 = _agg_kernel(hs3, src_off, dst, zeros_r)
    return _final(acc3, acc3, h3, h3, deg, deg, b3r)

# --- scband reference (transcript-rebuilt; emitter-appended) ---
"""Pipeline reference for scband-gcn-87608742904032 (READ-ONLY COPY).

The authoritative reference and input builder live on the scoring server;
editing this copy changes nothing except your own understanding.
"""

import jax, jax.numpy as jnp
import numpy as np

N = 10000
D_IN = 256
D_HID = 256
E = 160000


def setup_inputs(seed: int = 0) -> dict:
    key = jax.random.key(seed)
    ks = jax.random.split(key, 9)
    x = jax.random.normal(ks[0], (N, D_IN), dtype=jnp.float32)
    edge_index = jax.random.randint(ks[1], (2, E), 0, N, dtype=jnp.int32)
    s_in = 1.0 / np.sqrt(D_IN)
    s_hid = 1.0 / np.sqrt(D_HID)
    W1 = jax.random.normal(ks[2], (D_IN, D_HID), dtype=jnp.float32) * s_in
    b1 = jnp.zeros((D_HID,), dtype=jnp.float32)
    W2 = jax.random.normal(ks[3], (D_HID, D_HID), dtype=jnp.float32) * s_hid
    b2 = jnp.zeros((D_HID,), dtype=jnp.float32)
    W3 = jax.random.normal(ks[4], (D_HID, D_HID), dtype=jnp.float32) * s_hid
    b3 = jnp.zeros((D_HID,), dtype=jnp.float32)
    return {"x": x, "edge_index": edge_index, "W1": W1, "b1": b1, "W2": W2, "b2": b2, "W3": W3, "b3": b3}


def _gcn_conv(x, edge_index, W, b, num_nodes):
    # PyG-style GCNConv: add self-loops, symmetric normalization,
    # linear transform first, then normalized scatter-add aggregation, then bias.
    loop = jnp.arange(num_nodes, dtype=edge_index.dtype)
    src = jnp.concatenate([edge_index[0], loop])
    dst = jnp.concatenate([edge_index[1], loop])
    deg = jnp.zeros((num_nodes,), dtype=x.dtype).at[dst].add(1.0)
    dinv = jnp.where(deg > 0, jax.lax.rsqrt(deg), 0.0)
    norm = dinv[src] * dinv[dst]
    h = x @ W
    msg = h[src] * norm[:, None]
    out = jnp.zeros((num_nodes, W.shape[1]), dtype=x.dtype).at[dst].add(msg)
    return out + b


def reference(x, edge_index, W1, b1, W2, b2, W3, b3):
    h = _gcn_conv(x, edge_index, W1, b1, N)
    h = jax.nn.relu(h)
    h = _gcn_conv(h, edge_index, W2, b2, N)
    h = jax.nn.relu(h)
    h = _gcn_conv(h, edge_index, W3, b3, N)
    return h

if __name__ == "__main__":
    import jax
    _d = setup_inputs()
    print(jax.jit(kernel)(*tuple(_d.values())))

</pallas_src>

<mosaic_0001>
#map = affine_map<(d0, d1) -> (0, 0, 0)>
#map1 = affine_map<(d0, d1) -> (0, 0)>
module attributes {stable_mosaic.version = 14 : i64} {
  func.func @_deg_kernel(%arg0: i32, %arg1: i32, %arg2: memref<16x80x128xi32, #tpu.memory_space<hbm>>, %arg3: memref<128x128xf32, #tpu.memory_space<hbm>>, %arg4: memref<640x128xf32, #tpu.memory_space<hbm>>, %arg5: memref<20000x128xf32, #tpu.memory_space<hbm>>, %arg6: memref<80x128xi32, #tpu.memory_space<vmem>>, %arg7: memref<128x128xf32, #tpu.memory_space<vmem>>, %arg8: memref<10008x128xf32, #tpu.memory_space<vmem_shared>>) attributes {dimension_semantics = [#tpu.dimension_semantics<core_parallel>, #tpu.dimension_semantics<subcore_parallel>], iteration_bounds = array<i64: 2, 16>, scalar_prefetch = 0 : i64, scratch_operands = 3 : i64, tpu.core_type = #tpu.core_type<sc_vector_subcore>, window_params = [{transform_indices = #map}, {transform_indices = #map1}, {transform_indices = #map1}, {transform_indices = #map1}]} {
    %lt3A = arith.constant 15 : i32
    %lt3A_0 = arith.cmpi slt, %arg1, %lt3A : i32
    %convert_element_type3A = arith.extui %lt3A_0 : i1 to i32
    %cond3A = arith.constant 0 : i32
    %cond3A_1 = arith.cmpi ne, %convert_element_type3A, %cond3A : i32
    scf.if %cond3A_1 {
      %mul3A = arith.constant 624 : i32
      %mul3A_22 = arith.muli %arg1, %mul3A : i32
      "tpu.region"() ({
        %run_scoped3A = tpu.sem_alloc : memref<!tpu.dma_semaphore, #tpu.memory_space<semaphore_mem>>
        %dma_start3A = arith.constant 0 : i32
        %dma_start3A_23 = tpu.memref_slice %arg8[%mul3A_22, %dma_start3A] : memref<10008x128xf32, #tpu.memory_space<vmem_shared>> -> memref<624x128xf32, #tpu.memory_space<vmem_shared>>
        %dma_start3A_24 = arith.constant 0 : i32
        %dma_start3A_25 = arith.constant 0 : i32
        %dma_start3A_26 = tpu.memref_slice %arg4[%dma_start3A_24, %dma_start3A_25] : memref<640x128xf32, #tpu.memory_space<hbm>> -> memref<624x128xf32, #tpu.memory_space<hbm>>
        tpu.enqueue_dma source(%dma_start3A_26 : memref<624x128xf32, #tpu.memory_space<hbm>>) target(%dma_start3A_23 : memref<624x128xf32, #tpu.memory_space<vmem_shared>>) target_semaphore(%run_scoped3A : memref<!tpu.dma_semaphore, #tpu.memory_space<semaphore_mem>>)
        %dma_wait3A = arith.constant 0 : i32
        %dma_wait3A_27 = tpu.memref_slice %arg8[%mul3A_22, %dma_wait3A] : memref<10008x128xf32, #tpu.memory_space<vmem_shared>> -> memref<624x128xf32, #tpu.memory_space<vmem_shared>>
        %dma_wait3A_28 = arith.constant 0 : i32
        %dma_wait3A_29 = arith.constant 0 : i32
        %dma_wait3A_30 = tpu.memref_slice %arg4[%dma_wait3A_28, %dma_wait3A_29] : memref<640x128xf32, #tpu.memory_space<hbm>> -> memref<624x128xf32, #tpu.memory_space<hbm>>
        tpu.wait_dma2 semaphore(%run_scoped3A : memref<!tpu.dma_semaphore, #tpu.memory_space<semaphore_mem>>) src(%dma_wait3A_30 : memref<624x128xf32, #tpu.memory_space<hbm>>) dst(%dma_wait3A_27 : memref<624x128xf32, #tpu.memory_space<vmem_shared>>)
        tpu.yield
      }) : () -> ()
    } else {
    }
    %eq3A = arith.constant 15 : i32
    %eq3A_2 = arith.cmpi eq, %arg1, %eq3A : i32
    %convert_element_type3A_3 = arith.extui %eq3A_2 : i1 to i32
    %cond3A_4 = arith.constant 0 : i32
    %cond3A_5 = arith.cmpi ne, %convert_element_type3A_3, %cond3A_4 : i32
    scf.if %cond3A_5 {
      "tpu.region"() ({
        %run_scoped3A = tpu.sem_alloc : memref<!tpu.dma_semaphore, #tpu.memory_space<semaphore_mem>>
        %dma_start3A = arith.constant 9360 : i32
        %dma_start3A_22 = arith.constant 0 : i32
        %dma_start3A_23 = tpu.memref_slice %arg8[%dma_start3A, %dma_start3A_22] : memref<10008x128xf32, #tpu.memory_space<vmem_shared>> -> memref<640x128xf32, #tpu.memory_space<vmem_shared>>
        tpu.enqueue_dma source(%arg4 : memref<640x128xf32, #tpu.memory_space<hbm>>) target(%dma_start3A_23 : memref<640x128xf32, #tpu.memory_space<vmem_shared>>) target_semaphore(%run_scoped3A : memref<!tpu.dma_semaphore, #tpu.memory_space<semaphore_mem>>)
        %dma_wait3A = arith.constant 9360 : i32
        %dma_wait3A_24 = arith.constant 0 : i32
        %dma_wait3A_25 = tpu.memref_slice %arg8[%dma_wait3A, %dma_wait3A_24] : memref<10008x128xf32, #tpu.memory_space<vmem_shared>> -> memref<640x128xf32, #tpu.memory_space<vmem_shared>>
        tpu.wait_dma2 semaphore(%run_scoped3A : memref<!tpu.dma_semaphore, #tpu.memory_space<semaphore_mem>>) src(%arg4 : memref<640x128xf32, #tpu.memory_space<hbm>>) dst(%dma_wait3A_25 : memref<640x128xf32, #tpu.memory_space<vmem_shared>>)
        tpu.yield
      }) : () -> ()
    } else {
    }
    "tpu.region"() ({
      %run_scoped3A = tpu.sem_alloc : memref<!tpu.dma_semaphore, #tpu.memory_space<semaphore_mem>>
      %dma_start3A = arith.constant 0 : i32
      %dma_start3A_22 = arith.constant 0 : i32
      %dma_start3A_23 = tpu.memref_slice %arg2[%arg1, %dma_start3A, %dma_start3A_22] : memref<16x80x128xi32, #tpu.memory_space<hbm>> -> memref<1x80x128xi32, #tpu.memory_space<hbm>>
      %dma_start3A_24 = tpu.memref_squeeze %dma_start3A_23 : memref<1x80x128xi32, #tpu.memory_space<hbm>> -> memref<80x128xi32, #tpu.memory_space<hbm>>
      %dma_start3A_25 = arith.constant 0 : i32
      %dma_start3A_26 = arith.constant 0 : i32
      %dma_start3A_27 = tpu.memref_slice %arg2[%arg1, %dma_start3A_25, %dma_start3A_26] : memref<16x80x128xi32, #tpu.memory_space<hbm>> -> memref<1x80x128xi32, #tpu.memory_space<hbm>>
      %dma_start3A_28 = tpu.memref_squeeze %dma_start3A_27 : memref<1x80x128xi32, #tpu.memory_space<hbm>> -> memref<80x128xi32, #tpu.memory_space<hbm>>
      tpu.enqueue_dma source(%dma_start3A_28 : memref<80x128xi32, #tpu.memory_space<hbm>>) target(%arg6 : memref<80x128xi32, #tpu.memory_space<vmem>>) target_semaphore(%run_scoped3A : memref<!tpu.dma_semaphore, #tpu.memory_space<semaphore_mem>>)
      %dma_wait3A = arith.constant 0 : i32
      %dma_wait3A_29 = arith.constant 0 : i32
      %dma_wait3A_30 = tpu.memref_slice %arg2[%arg1, %dma_wait3A, %dma_wait3A_29] : memref<16x80x128xi32, #tpu.memory_space<hbm>> -> memref<1x80x128xi32, #tpu.memory_space<hbm>>
      %dma_wait3A_31 = tpu.memref_squeeze %dma_wait3A_30 : memref<1x80x128xi32, #tpu.memory_space<hbm>> -> memref<80x128xi32, #tpu.memory_space<hbm>>
      %dma_wait3A_32 = arith.constant 0 : i32
      %dma_wait3A_33 = arith.constant 0 : i32
      %dma_wait3A_34 = tpu.memref_slice %arg2[%arg1, %dma_wait3A_32, %dma_wait3A_33] : memref<16x80x128xi32, #tpu.memory_space<hbm>> -> memref<1x80x128xi32, #tpu.memory_space<hbm>>
      %dma_wait3A_35 = tpu.memref_squeeze %dma_wait3A_34 : memref<1x80x128xi32, #tpu.memory_space<hbm>> -> memref<80x128xi32, #tpu.memory_space<hbm>>
      tpu.wait_dma2 semaphore(%run_scoped3A : memref<!tpu.dma_semaphore, #tpu.memory_space<semaphore_mem>>) src(%dma_wait3A_35 : memref<80x128xi32, #tpu.memory_space<hbm>>) dst(%arg6 : memref<80x128xi32, #tpu.memory_space<vmem>>)
      tpu.yield
    }) : () -> ()
    "tpu.region"() ({
      %run_scoped3A = tpu.sem_alloc : memref<!tpu.dma_semaphore, #tpu.memory_space<semaphore_mem>>
      tpu.enqueue_dma source(%arg3 : memref<128x128xf32, #tpu.memory_space<hbm>>) target(%arg7 : memref<128x128xf32, #tpu.memory_space<vmem>>) target_semaphore(%run_scoped3A : memref<!tpu.dma_semaphore, #tpu.memory_space<semaphore_mem>>)
      tpu.wait_dma2 semaphore(%run_scoped3A : memref<!tpu.dma_semaphore, #tpu.memory_space<semaphore_mem>>) src(%arg3 : memref<128x128xf32, #tpu.memory_space<hbm>>) dst(%arg7 : memref<128x128xf32, #tpu.memory_space<vmem>>)
      tpu.yield
    }) : () -> ()
    %barrier3A = arith.constant 0 : index
    tpu.barrier barrier_id(%barrier3A)
    %scan3A = arith.constant 0 : i32
    %scan3A_6 = arith.constant 0 : i32
    %scan3A_7 = arith.constant 40 : i32
    %scan3A_8 = arith.addi %scan3A_6, %scan3A_7 : i32
    %scan3A_9 = arith.constant 1 : i32
    scf.for %scan3A_22 = %scan3A_6 to %scan3A_8 step %scan3A_9  : i32 {
      %mul3A = arith.constant 40 : i32
      %mul3A_23 = arith.muli %arg0, %mul3A : i32
      %add3A = arith.addi %mul3A_23, %scan3A_22 : i32
      "tpu.region"() ({
        %run_scoped3A = tpu.sem_alloc : memref<!tpu.dma_semaphore, #tpu.memory_space<semaphore_mem>>
        %dma_start3A = arith.constant 0 : i32
        %dma_start3A_24 = tpu.memref_slice %arg6[%add3A, %dma_start3A] : memref<80x128xi32, #tpu.memory_space<vmem>> -> memref<1x128xi32, #tpu.memory_space<vmem>>
        %dma_start3A_25 = tpu.memref_squeeze %dma_start3A_24 : memref<1x128xi32, #tpu.memory_space<vmem>> -> memref<128xi32, #tpu.memory_space<vmem>>
        %dma_start3A_26 = arith.constant 0 : i32
        %dma_start3A_27 = arith.constant 0 : i32
        %dma_start3A_28 = tpu.memref_slice %arg8[%dma_start3A_26, %dma_start3A_27] : memref<10008x128xf32, #tpu.memory_space<vmem_shared>> -> memref<10008x128xf32, #tpu.memory_space<vmem_shared>>
        tpu.enqueue_indirect_dma source(%arg7 : memref<128x128xf32, #tpu.memory_space<vmem>>) target(%dma_start3A_28 : memref<10008x128xf32, #tpu.memory_space<vmem_shared>>) offsets(%dma_start3A_25 : memref<128xi32, #tpu.memory_space<vmem>>) semaphore(%run_scoped3A : memref<!tpu.dma_semaphore, #tpu.memory_space<semaphore_mem>>) {add = true}
        %dma_wait3A = arith.constant 0 : i32
        %dma_wait3A_29 = tpu.memref_slice %arg6[%add3A, %dma_wait3A] : memref<80x128xi32, #tpu.memory_space<vmem>> -> memref<1x128xi32, #tpu.memory_space<vmem>>
        %dma_wait3A_30 = tpu.memref_squeeze %dma_wait3A_29 : memref<1x128xi32, #tpu.memory_space<vmem>> -> memref<128xi32, #tpu.memory_space<vmem>>
        %dma_wait3A_31 = arith.constant 0 : i32
        %dma_wait3A_32 = arith.constant 0 : i32
        %dma_wait3A_33 = tpu.memref_slice %arg8[%dma_wait3A_31, %dma_wait3A_32] : memref<10008x128xf32, #tpu.memory_space<vmem_shared>> -> memref<10008x128xf32, #tpu.memory_space<vmem_shared>>
        tpu.wait_indirect_dma semaphore(%run_scoped3A : memref<!tpu.dma_semaphore, #tpu.memory_space<semaphore_mem>>) src(%arg7 : memref<128x128xf32, #tpu.memory_space<vmem>>) dst(%dma_wait3A_33 : memref<10008x128xf32, #tpu.memory_space<vmem_shared>>)
        tpu.yield
      }) : () -> ()
    }
    %scan3A_10 = arith.constant 40 : i32
    %barrier3A_11 = arith.constant 0 : index
    tpu.barrier barrier_id(%barrier3A_11)
    %lt3A_12 = arith.constant 15 : i32
    %lt3A_13 = arith.cmpi slt, %arg1, %lt3A_12 : i32
    %convert_element_type3A_14 = arith.extui %lt3A_13 : i1 to i32
    %cond3A_15 = arith.constant 0 : i32
    %cond3A_16 = arith.cmpi ne, %convert_element_type3A_14, %cond3A_15 : i32
    scf.if %cond3A_16 {
      %mul3A = arith.constant 624 : i32
      %mul3A_22 = arith.muli %arg1, %mul3A : i32
      %mul3A_23 = arith.constant 10000 : i32
      %mul3A_24 = arith.muli %arg0, %mul3A_23 : i32
      %mul3A_25 = arith.constant 624 : i32
      %mul3A_26 = arith.muli %arg1, %mul3A_25 : i32
      %add3A = arith.addi %mul3A_24, %mul3A_26 : i32
      "tpu.region"() ({
        %run_scoped3A = tpu.sem_alloc : memref<!tpu.dma_semaphore, #tpu.memory_space<semaphore_mem>>
        %dma_start3A = arith.constant 0 : i32
        %dma_start3A_27 = tpu.memref_slice %arg5[%add3A, %dma_start3A] : memref<20000x128xf32, #tpu.memory_space<hbm>> -> memref<624x128xf32, #tpu.memory_space<hbm>>
        %dma_start3A_28 = arith.constant 0 : i32
        %dma_start3A_29 = tpu.memref_slice %arg8[%mul3A_22, %dma_start3A_28] : memref<10008x128xf32, #tpu.memory_space<vmem_shared>> -> memref<624x128xf32, #tpu.memory_space<vmem_shared>>
        tpu.enqueue_dma source(%dma_start3A_29 : memref<624x128xf32, #tpu.memory_space<vmem_shared>>) target(%dma_start3A_27 : memref<624x128xf32, #tpu.memory_space<hbm>>) target_semaphore(%run_scoped3A : memref<!tpu.dma_semaphore, #tpu.memory_space<semaphore_mem>>)
        %dma_wait3A = arith.constant 0 : i32
        %dma_wait3A_30 = tpu.memref_slice %arg5[%add3A, %dma_wait3A] : memref<20000x128xf32, #tpu.memory_space<hbm>> -> memref<624x128xf32, #tpu.memory_space<hbm>>
        %dma_wait3A_31 = arith.constant 0 : i32
        %dma_wait3A_32 = tpu.memref_slice %arg8[%mul3A_22, %dma_wait3A_31] : memref<10008x128xf32, #tpu.memory_space<vmem_shared>> -> memref<624x128xf32, #tpu.memory_space<vmem_shared>>
        tpu.wait_dma2 semaphore(%run_scoped3A : memref<!tpu.dma_semaphore, #tpu.memory_space<semaphore_mem>>) src(%dma_wait3A_32 : memref<624x128xf32, #tpu.memory_space<vmem_shared>>) dst(%dma_wait3A_30 : memref<624x128xf32, #tpu.memory_space<hbm>>)
        tpu.yield
      }) : () -> ()
    } else {
    }
    %eq3A_17 = arith.constant 15 : i32
    %eq3A_18 = arith.cmpi eq, %arg1, %eq3A_17 : i32
    %convert_element_type3A_19 = arith.extui %eq3A_18 : i1 to i32
    %cond3A_20 = arith.constant 0 : i32
    %cond3A_21 = arith.cmpi ne, %convert_element_type3A_19, %cond3A_20 : i32
    scf.if %cond3A_21 {
      %mul3A = arith.constant 10000 : i32
      %mul3A_22 = arith.muli %arg0, %mul3A : i32
      %add3A = arith.constant 9360 : i32
      %add3A_23 = arith.addi %mul3A_22, %add3A : i32
      "tpu.region"() ({
        %run_scoped3A = tpu.sem_alloc : memref<!tpu.dma_semaphore, #tpu.memory_space<semaphore_mem>>
        %dma_start3A = arith.constant 0 : i32
        %dma_start3A_24 = tpu.memref_slice %arg5[%add3A_23, %dma_start3A] : memref<20000x128xf32, #tpu.memory_space<hbm>> -> memref<640x128xf32, #tpu.memory_space<hbm>>
        %dma_start3A_25 = arith.constant 9360 : i32
        %dma_start3A_26 = arith.constant 0 : i32
        %dma_start3A_27 = tpu.memref_slice %arg8[%dma_start3A_25, %dma_start3A_26] : memref<10008x128xf32, #tpu.memory_space<vmem_shared>> -> memref<640x128xf32, #tpu.memory_space<vmem_shared>>
        tpu.enqueue_dma source(%dma_start3A_27 : memref<640x128xf32, #tpu.memory_space<vmem_shared>>) target(%dma_start3A_24 : memref<640x128xf32, #tpu.memory_space<hbm>>) target_semaphore(%run_scoped3A : memref<!tpu.dma_semaphore, #tpu.memory_space<semaphore_mem>>)
        %dma_wait3A = arith.constant 0 : i32
        %dma_wait3A_28 = tpu.memref_slice %arg5[%add3A_23, %dma_wait3A] : memref<20000x128xf32, #tpu.memory_space<hbm>> -> memref<640x128xf32, #tpu.memory_space<hbm>>
        %dma_wait3A_29 = arith.constant 9360 : i32
        %dma_wait3A_30 = arith.constant 0 : i32
        %dma_wait3A_31 = tpu.memref_slice %arg8[%dma_wait3A_29, %dma_wait3A_30] : memref<10008x128xf32, #tpu.memory_space<vmem_shared>> -> memref<640x128xf32, #tpu.memory_space<vmem_shared>>
        tpu.wait_dma2 semaphore(%run_scoped3A : memref<!tpu.dma_semaphore, #tpu.memory_space<semaphore_mem>>) src(%dma_wait3A_31 : memref<640x128xf32, #tpu.memory_space<vmem_shared>>) dst(%dma_wait3A_28 : memref<640x128xf32, #tpu.memory_space<hbm>>)
        tpu.yield
      }) : () -> ()
    } else {
    }
    return
  }
}

#map = affine_map<(d0, d1) -> (0, 0)>
#map1 = affine_map<(d0, d1) -> (0, 0, 0, 0, 0)>
#map2 = affine_map<(d0, d1) -> (0, 0, 0, 0)>
module attributes {stable_mosaic.version = 14 : i64} {
  func.func @_agg_kernel(%arg0: i32, %arg1: i32, %arg2: memref<20000x128xf32, #tpu.memory_space<hbm>>, %arg3: memref<2x16x2x40x128xi32, #tpu.memory_space<hbm>>, %arg4: memref<16x2x40x128xi32, #tpu.memory_space<hbm>>, %arg5: memref<640x128xf32, #tpu.memory_space<hbm>>, %arg6: memref<20000x128xf32, #tpu.memory_space<hbm>>, %arg7: memref<40x128xi32, #tpu.memory_space<vmem>>, %arg8: memref<40x128xi32, #tpu.memory_space<vmem>>, %arg9: memref<2x128x128xf32, #tpu.memory_space<vmem>>, %arg10: memref<2x!tpu.dma_semaphore, #tpu.memory_space<semaphore_mem>>, %arg11: memref<10008x128xf32, #tpu.memory_space<vmem_shared>>) attributes {dimension_semantics = [#tpu.dimension_semantics<core_parallel>, #tpu.dimension_semantics<subcore_parallel>], iteration_bounds = array<i64: 2, 16>, scalar_prefetch = 0 : i64, scratch_operands = 5 : i64, tpu.core_type = #tpu.core_type<sc_vector_subcore>, window_params = [{transform_indices = #map}, {transform_indices = #map1}, {transform_indices = #map2}, {transform_indices = #map}, {transform_indices = #map}]} {
    %lt3A = arith.constant 15 : i32
    %lt3A_0 = arith.cmpi slt, %arg1, %lt3A : i32
    %convert_element_type3A = arith.extui %lt3A_0 : i1 to i32
    %cond3A = arith.constant 0 : i32
    %cond3A_1 = arith.cmpi ne, %convert_element_type3A, %cond3A : i32
    scf.if %cond3A_1 {
      %mul3A = arith.constant 624 : i32
      %mul3A_55 = arith.muli %arg1, %mul3A : i32
      "tpu.region"() ({
        %run_scoped3A_56 = tpu.sem_alloc : memref<!tpu.dma_semaphore, #tpu.memory_space<semaphore_mem>>
        %dma_start3A = arith.constant 0 : i32
        %dma_start3A_57 = tpu.memref_slice %arg11[%mul3A_55, %dma_start3A] : memref<10008x128xf32, #tpu.memory_space<vmem_shared>> -> memref<624x128xf32, #tpu.memory_space<vmem_shared>>
        %dma_start3A_58 = arith.constant 0 : i32
        %dma_start3A_59 = arith.constant 0 : i32
        %dma_start3A_60 = tpu.memref_slice %arg5[%dma_start3A_58, %dma_start3A_59] : memref<640x128xf32, #tpu.memory_space<hbm>> -> memref<624x128xf32, #tpu.memory_space<hbm>>
        tpu.enqueue_dma source(%dma_start3A_60 : memref<624x128xf32, #tpu.memory_space<hbm>>) target(%dma_start3A_57 : memref<624x128xf32, #tpu.memory_space<vmem_shared>>) target_semaphore(%run_scoped3A_56 : memref<!tpu.dma_semaphore, #tpu.memory_space<semaphore_mem>>)
        %dma_wait3A = arith.constant 0 : i32
        %dma_wait3A_61 = tpu.memref_slice %arg11[%mul3A_55, %dma_wait3A] : memref<10008x128xf32, #tpu.memory_space<vmem_shared>> -> memref<624x128xf32, #tpu.memory_space<vmem_shared>>
        %dma_wait3A_62 = arith.constant 0 : i32
        %dma_wait3A_63 = arith.constant 0 : i32
        %dma_wait3A_64 = tpu.memref_slice %arg5[%dma_wait3A_62, %dma_wait3A_63] : memref<640x128xf32, #tpu.memory_space<hbm>> -> memref<624x128xf32, #tpu.memory_space<hbm>>
        tpu.wait_dma2 semaphore(%run_scoped3A_56 : memref<!tpu.dma_semaphore, #tpu.memory_space<semaphore_mem>>) src(%dma_wait3A_64 : memref<624x128xf32, #tpu.memory_space<hbm>>) dst(%dma_wait3A_61 : memref<624x128xf32, #tpu.memory_space<vmem_shared>>)
        tpu.yield
      }) : () -> ()
    } else {
    }
    %eq3A = arith.constant 15 : i32
    %eq3A_2 = arith.cmpi eq, %arg1, %eq3A : i32
    %convert_element_type3A_3 = arith.extui %eq3A_2 : i1 to i32
    %cond3A_4 = arith.constant 0 : i32
    %cond3A_5 = arith.cmpi ne, %convert_element_type3A_3, %cond3A_4 : i32
    scf.if %cond3A_5 {
      "tpu.region"() ({
        %run_scoped3A_55 = tpu.sem_alloc : memref<!tpu.dma_semaphore, #tpu.memory_space<semaphore_mem>>
        %dma_start3A = arith.constant 9360 : i32
        %dma_start3A_56 = arith.constant 0 : i32
        %dma_start3A_57 = tpu.memref_slice %arg11[%dma_start3A, %dma_start3A_56] : memref<10008x128xf32, #tpu.memory_space<vmem_shared>> -> memref<640x128xf32, #tpu.memory_space<vmem_shared>>
        tpu.enqueue_dma source(%arg5 : memref<640x128xf32, #tpu.memory_space<hbm>>) target(%dma_start3A_57 : memref<640x128xf32, #tpu.memory_space<vmem_shared>>) target_semaphore(%run_scoped3A_55 : memref<!tpu.dma_semaphore, #tpu.memory_space<semaphore_mem>>)
        %dma_wait3A = arith.constant 9360 : i32
        %dma_wait3A_58 = arith.constant 0 : i32
        %dma_wait3A_59 = tpu.memref_slice %arg11[%dma_wait3A, %dma_wait3A_58] : memref<10008x128xf32, #tpu.memory_space<vmem_shared>> -> memref<640x128xf32, #tpu.memory_space<vmem_shared>>
        tpu.wait_dma2 semaphore(%run_scoped3A_55 : memref<!tpu.dma_semaphore, #tpu.memory_space<semaphore_mem>>) src(%arg5 : memref<640x128xf32, #tpu.memory_space<hbm>>) dst(%dma_wait3A_59 : memref<640x128xf32, #tpu.memory_space<vmem_shared>>)
        tpu.yield
      }) : () -> ()
    } else {
    }
    %barrier3A = arith.constant 0 : index
    tpu.barrier barrier_id(%barrier3A)
    %run_scoped3A = arith.constant 0 : i32
    "tpu.region"() ({
      %run_scoped3A_55 = tpu.sem_alloc : memref<!tpu.dma_semaphore, #tpu.memory_space<semaphore_mem>>
      %dma_start3A = arith.constant 0 : i32
      %dma_start3A_56 = arith.constant 0 : i32
      %dma_start3A_57 = tpu.memref_slice %arg3[%arg0, %arg1, %run_scoped3A, %dma_start3A, %dma_start3A_56] : memref<2x16x2x40x128xi32, #tpu.memory_space<hbm>> -> memref<1x1x1x40x128xi32, #tpu.memory_space<hbm>>
      %dma_start3A_58 = tpu.memref_squeeze %dma_start3A_57 : memref<1x1x1x40x128xi32, #tpu.memory_space<hbm>> -> memref<40x128xi32, #tpu.memory_space<hbm>>
      %dma_start3A_59 = arith.constant 0 : i32
      %dma_start3A_60 = arith.constant 0 : i32
      %dma_start3A_61 = tpu.memref_slice %arg3[%arg0, %arg1, %run_scoped3A, %dma_start3A_59, %dma_start3A_60] : memref<2x16x2x40x128xi32, #tpu.memory_space<hbm>> -> memref<1x1x1x40x128xi32, #tpu.memory_space<hbm>>
      %dma_start3A_62 = tpu.memref_squeeze %dma_start3A_61 : memref<1x1x1x40x128xi32, #tpu.memory_space<hbm>> -> memref<40x128xi32, #tpu.memory_space<hbm>>
      tpu.enqueue_dma source(%dma_start3A_62 : memref<40x128xi32, #tpu.memory_space<hbm>>) target(%arg7 : memref<40x128xi32, #tpu.memory_space<vmem>>) target_semaphore(%run_scoped3A_55 : memref<!tpu.dma_semaphore, #tpu.memory_space<semaphore_mem>>)
      %dma_wait3A = arith.constant 0 : i32
      %dma_wait3A_63 = arith.constant 0 : i32
      %dma_wait3A_64 = tpu.memref_slice %arg3[%arg0, %arg1, %run_scoped3A, %dma_wait3A, %dma_wait3A_63] : memref<2x16x2x40x128xi32, #tpu.memory_space<hbm>> -> memref<1x1x1x40x128xi32, #tpu.memory_space<hbm>>
      %dma_wait3A_65 = tpu.memref_squeeze %dma_wait3A_64 : memref<1x1x1x40x128xi32, #tpu.memory_space<hbm>> -> memref<40x128xi32, #tpu.memory_space<hbm>>
      %dma_wait3A_66 = arith.constant 0 : i32
      %dma_wait3A_67 = arith.constant 0 : i32
      %dma_wait3A_68 = tpu.memref_slice %arg3[%arg0, %arg1, %run_scoped3A, %dma_wait3A_66, %dma_wait3A_67] : memref<2x16x2x40x128xi32, #tpu.memory_space<hbm>> -> memref<1x1x1x40x128xi32, #tpu.memory_space<hbm>>
      %dma_wait3A_69 = tpu.memref_squeeze %dma_wait3A_68 : memref<1x1x1x40x128xi32, #tpu.memory_space<hbm>> -> memref<40x128xi32, #tpu.memory_space<hbm>>
      tpu.wait_dma2 semaphore(%run_scoped3A_55 : memref<!tpu.dma_semaphore, #tpu.memory_space<semaphore_mem>>) src(%dma_wait3A_69 : memref<40x128xi32, #tpu.memory_space<hbm>>) dst(%arg7 : memref<40x128xi32, #tpu.memory_space<vmem>>)
      tpu.yield
    }) : () -> ()
    %run_scoped3A_6 = arith.constant 0 : i32
    "tpu.region"() ({
      %run_scoped3A_55 = tpu.sem_alloc : memref<!tpu.dma_semaphore, #tpu.memory_space<semaphore_mem>>
      %dma_start3A = arith.constant 0 : i32
      %dma_start3A_56 = arith.constant 0 : i32
      %dma_start3A_57 = tpu.memref_slice %arg4[%arg1, %run_scoped3A_6, %dma_start3A, %dma_start3A_56] : memref<16x2x40x128xi32, #tpu.memory_space<hbm>> -> memref<1x1x40x128xi32, #tpu.memory_space<hbm>>
      %dma_start3A_58 = tpu.memref_squeeze %dma_start3A_57 : memref<1x1x40x128xi32, #tpu.memory_space<hbm>> -> memref<40x128xi32, #tpu.memory_space<hbm>>
      %dma_start3A_59 = arith.constant 0 : i32
      %dma_start3A_60 = arith.constant 0 : i32
      %dma_start3A_61 = tpu.memref_slice %arg4[%arg1, %run_scoped3A_6, %dma_start3A_59, %dma_start3A_60] : memref<16x2x40x128xi32, #tpu.memory_space<hbm>> -> memref<1x1x40x128xi32, #tpu.memory_space<hbm>>
      %dma_start3A_62 = tpu.memref_squeeze %dma_start3A_61 : memref<1x1x40x128xi32, #tpu.memory_space<hbm>> -> memref<40x128xi32, #tpu.memory_space<hbm>>
      tpu.enqueue_dma source(%dma_start3A_62 : memref<40x128xi32, #tpu.memory_space<hbm>>) target(%arg8 : memref<40x128xi32, #tpu.memory_space<vmem>>) target_semaphore(%run_scoped3A_55 : memref<!tpu.dma_semaphore, #tpu.memory_space<semaphore_mem>>)
      %dma_wait3A = arith.constant 0 : i32
      %dma_wait3A_63 = arith.constant 0 : i32
      %dma_wait3A_64 = tpu.memref_slice %arg4[%arg1, %run_scoped3A_6, %dma_wait3A, %dma_wait3A_63] : memref<16x2x40x128xi32, #tpu.memory_space<hbm>> -> memref<1x1x40x128xi32, #tpu.memory_space<hbm>>
      %dma_wait3A_65 = tpu.memref_squeeze %dma_wait3A_64 : memref<1x1x40x128xi32, #tpu.memory_space<hbm>> -> memref<40x128xi32, #tpu.memory_space<hbm>>
      %dma_wait3A_66 = arith.constant 0 : i32
      %dma_wait3A_67 = arith.constant 0 : i32
      %dma_wait3A_68 = tpu.memref_slice %arg4[%arg1, %run_scoped3A_6, %dma_wait3A_66, %dma_wait3A_67] : memref<16x2x40x128xi32, #tpu.memory_space<hbm>> -> memref<1x1x40x128xi32, #tpu.memory_space<hbm>>
      %dma_wait3A_69 = tpu.memref_squeeze %dma_wait3A_68 : memref<1x1x40x128xi32, #tpu.memory_space<hbm>> -> memref<40x128xi32, #tpu.memory_space<hbm>>
      tpu.wait_dma2 semaphore(%run_scoped3A_55 : memref<!tpu.dma_semaphore, #tpu.memory_space<semaphore_mem>>) src(%dma_wait3A_69 : memref<40x128xi32, #tpu.memory_space<hbm>>) dst(%arg8 : memref<40x128xi32, #tpu.memory_space<vmem>>)
      tpu.yield
    }) : () -> ()
    %scan3A = arith.constant 0 : i32
    %scan3A_7 = arith.constant 0 : i32
    %scan3A_8 = arith.constant 2 : i32
    %scan3A_9 = arith.addi %scan3A_7, %scan3A_8 : i32
    %scan3A_10 = arith.constant 1 : i32
    scf.for %scan3A_55 = %scan3A_7 to %scan3A_9 step %scan3A_10  : i32 {
      %dma_start3A = arith.constant 0 : i32
      %dma_start3A_56 = arith.constant 0 : i32
      %dma_start3A_57 = tpu.memref_slice %arg9[%scan3A_55, %dma_start3A, %dma_start3A_56] : memref<2x128x128xf32, #tpu.memory_space<vmem>> -> memref<1x128x128xf32, #tpu.memory_space<vmem>>
      %dma_start3A_58 = tpu.memref_squeeze %dma_start3A_57 : memref<1x128x128xf32, #tpu.memory_space<vmem>> -> memref<128x128xf32, #tpu.memory_space<vmem>>
      %dma_start3A_59 = arith.constant 0 : i32
      %dma_start3A_60 = tpu.memref_slice %arg7[%scan3A_55, %dma_start3A_59] : memref<40x128xi32, #tpu.memory_space<vmem>> -> memref<1x128xi32, #tpu.memory_space<vmem>>
      %dma_start3A_61 = tpu.memref_squeeze %dma_start3A_60 : memref<1x128xi32, #tpu.memory_space<vmem>> -> memref<128xi32, #tpu.memory_space<vmem>>
      %dma_start3A_62 = arith.constant 0 : i32
      %dma_start3A_63 = arith.constant 0 : i32
      %dma_start3A_64 = tpu.memref_slice %arg2[%dma_start3A_62, %dma_start3A_63] : memref<20000x128xf32, #tpu.memory_space<hbm>> -> memref<20000x128xf32, #tpu.memory_space<hbm>>
      %dma_start3A_65 = tpu.memref_slice %arg10[%scan3A_55] : memref<2x!tpu.dma_semaphore, #tpu.memory_space<semaphore_mem>> -> memref<1x!tpu.dma_semaphore, #tpu.memory_space<semaphore_mem>>
      %dma_start3A_66 = tpu.memref_squeeze %dma_start3A_65 : memref<1x!tpu.dma_semaphore, #tpu.memory_space<semaphore_mem>> -> memref<!tpu.dma_semaphore, #tpu.memory_space<semaphore_mem>>
      tpu.enqueue_indirect_dma source(%dma_start3A_64 : memref<20000x128xf32, #tpu.memory_space<hbm>>) target(%dma_start3A_58 : memref<128x128xf32, #tpu.memory_space<vmem>>) offsets(%dma_start3A_61 : memref<128xi32, #tpu.memory_space<vmem>>) semaphore(%dma_start3A_66 : memref<!tpu.dma_semaphore, #tpu.memory_space<semaphore_mem>>)
    }
    %scan3A_11 = arith.constant 2 : i32
    %scan3A_12 = arith.constant 0 : i32
    %scan3A_13 = arith.constant 0 : i32
    %scan3A_14 = arith.constant 38 : i32
    %scan3A_15 = arith.addi %scan3A_13, %scan3A_14 : i32
    %scan3A_16 = arith.constant 1 : i32
    scf.for %scan3A_55 = %scan3A_13 to %scan3A_15 step %scan3A_16  : i32 {
      %rem3A = arith.constant 2 : i32
      %rem3A_56 = arith.remsi %scan3A_55, %rem3A : i32
      %dma_wait3A = arith.constant 0 : i32
      %dma_wait3A_57 = arith.constant 0 : i32
      %dma_wait3A_58 = tpu.memref_slice %arg9[%rem3A_56, %dma_wait3A, %dma_wait3A_57] : memref<2x128x128xf32, #tpu.memory_space<vmem>> -> memref<1x128x128xf32, #tpu.memory_space<vmem>>
      %dma_wait3A_59 = tpu.memref_squeeze %dma_wait3A_58 : memref<1x128x128xf32, #tpu.memory_space<vmem>> -> memref<128x128xf32, #tpu.memory_space<vmem>>
      %dma_wait3A_60 = arith.constant 0 : i32
      %dma_wait3A_61 = arith.constant 0 : i32
      %dma_wait3A_62 = tpu.memref_slice %arg5[%dma_wait3A_60, %dma_wait3A_61] : memref<640x128xf32, #tpu.memory_space<hbm>> -> memref<128x128xf32, #tpu.memory_space<hbm>>
      %dma_wait3A_63 = tpu.memref_slice %arg10[%rem3A_56] : memref<2x!tpu.dma_semaphore, #tpu.memory_space<semaphore_mem>> -> memref<1x!tpu.dma_semaphore, #tpu.memory_space<semaphore_mem>>
      %dma_wait3A_64 = tpu.memref_squeeze %dma_wait3A_63 : memref<1x!tpu.dma_semaphore, #tpu.memory_space<semaphore_mem>> -> memref<!tpu.dma_semaphore, #tpu.memory_space<semaphore_mem>>
      %dma_wait3A_65 = arith.constant 0 : i32
      %dma_wait3A_66 = arith.constant 0 : i32
      %dma_wait3A_67 = tpu.memref_slice %arg9[%rem3A_56, %dma_wait3A_65, %dma_wait3A_66] : memref<2x128x128xf32, #tpu.memory_space<vmem>> -> memref<1x128x128xf32, #tpu.memory_space<vmem>>
      %dma_wait3A_68 = tpu.memref_squeeze %dma_wait3A_67 : memref<1x128x128xf32, #tpu.memory_space<vmem>> -> memref<128x128xf32, #tpu.memory_space<vmem>>
      %dma_wait3A_69 = arith.constant 0 : i32
      %dma_wait3A_70 = arith.constant 0 : i32
      %dma_wait3A_71 = tpu.memref_slice %arg5[%dma_wait3A_69, %dma_wait3A_70] : memref<640x128xf32, #tpu.memory_space<hbm>> -> memref<128x128xf32, #tpu.memory_space<hbm>>
      tpu.wait_dma2 semaphore(%dma_wait3A_64 : memref<!tpu.dma_semaphore, #tpu.memory_space<semaphore_mem>>) src(%dma_wait3A_71 : memref<128x128xf32, #tpu.memory_space<hbm>>) dst(%dma_wait3A_68 : memref<128x128xf32, #tpu.memory_space<vmem>>)
      "tpu.region"() ({
        %run_scoped3A_84 = tpu.sem_alloc : memref<!tpu.dma_semaphore, #tpu.memory_space<semaphore_mem>>
        %dma_start3A_85 = arith.constant 0 : i32
        %dma_start3A_86 = arith.constant 0 : i32
        %dma_start3A_87 = tpu.memref_slice %arg9[%rem3A_56, %dma_start3A_85, %dma_start3A_86] : memref<2x128x128xf32, #tpu.memory_space<vmem>> -> memref<1x128x128xf32, #tpu.memory_space<vmem>>
        %dma_start3A_88 = tpu.memref_squeeze %dma_start3A_87 : memref<1x128x128xf32, #tpu.memory_space<vmem>> -> memref<128x128xf32, #tpu.memory_space<vmem>>
        %dma_start3A_89 = arith.constant 0 : i32
        %dma_start3A_90 = tpu.memref_slice %arg8[%scan3A_55, %dma_start3A_89] : memref<40x128xi32, #tpu.memory_space<vmem>> -> memref<1x128xi32, #tpu.memory_space<vmem>>
        %dma_start3A_91 = tpu.memref_squeeze %dma_start3A_90 : memref<1x128xi32, #tpu.memory_space<vmem>> -> memref<128xi32, #tpu.memory_space<vmem>>
        %dma_start3A_92 = arith.constant 0 : i32
        %dma_start3A_93 = arith.constant 0 : i32
        %dma_start3A_94 = tpu.memref_slice %arg11[%dma_start3A_92, %dma_start3A_93] : memref<10008x128xf32, #tpu.memory_space<vmem_shared>> -> memref<10008x128xf32, #tpu.memory_space<vmem_shared>>
        tpu.enqueue_indirect_dma source(%dma_start3A_88 : memref<128x128xf32, #tpu.memory_space<vmem>>) target(%dma_start3A_94 : memref<10008x128xf32, #tpu.memory_space<vmem_shared>>) offsets(%dma_start3A_91 : memref<128xi32, #tpu.memory_space<vmem>>) semaphore(%run_scoped3A_84 : memref<!tpu.dma_semaphore, #tpu.memory_space<semaphore_mem>>) {add = true}
        %dma_wait3A_95 = arith.constant 0 : i32
        %dma_wait3A_96 = arith.constant 0 : i32
        %dma_wait3A_97 = tpu.memref_slice %arg9[%rem3A_56, %dma_wait3A_95, %dma_wait3A_96] : memref<2x128x128xf32, #tpu.memory_space<vmem>> -> memref<1x128x128xf32, #tpu.memory_space<vmem>>
        %dma_wait3A_98 = tpu.memref_squeeze %dma_wait3A_97 : memref<1x128x128xf32, #tpu.memory_space<vmem>> -> memref<128x128xf32, #tpu.memory_space<vmem>>
        %dma_wait3A_99 = arith.constant 0 : i32
        %dma_wait3A_100 = tpu.memref_slice %arg8[%scan3A_55, %dma_wait3A_99] : memref<40x128xi32, #tpu.memory_space<vmem>> -> memref<1x128xi32, #tpu.memory_space<vmem>>
        %dma_wait3A_101 = tpu.memref_squeeze %dma_wait3A_100 : memref<1x128xi32, #tpu.memory_space<vmem>> -> memref<128xi32, #tpu.memory_space<vmem>>
        %dma_wait3A_102 = arith.constant 0 : i32
        %dma_wait3A_103 = arith.constant 0 : i32
        %dma_wait3A_104 = tpu.memref_slice %arg11[%dma_wait3A_102, %dma_wait3A_103] : memref<10008x128xf32, #tpu.memory_space<vmem_shared>> -> memref<10008x128xf32, #tpu.memory_space<vmem_shared>>
        tpu.wait_indirect_dma semaphore(%run_scoped3A_84 : memref<!tpu.dma_semaphore, #tpu.memory_space<semaphore_mem>>) src(%dma_wait3A_98 : memref<128x128xf32, #tpu.memory_space<vmem>>) dst(%dma_wait3A_104 : memref<10008x128xf32, #tpu.memory_space<vmem_shared>>)
        tpu.yield
      }) : () -> ()
      %add3A = arith.constant 2 : i32
      %add3A_72 = arith.addi %scan3A_55, %add3A : i32
      %dma_start3A = arith.constant 0 : i32
      %dma_start3A_73 = arith.constant 0 : i32
      %dma_start3A_74 = tpu.memref_slice %arg9[%rem3A_56, %dma_start3A, %dma_start3A_73] : memref<2x128x128xf32, #tpu.memory_space<vmem>> -> memref<1x128x128xf32, #tpu.memory_space<vmem>>
      %dma_start3A_75 = tpu.memref_squeeze %dma_start3A_74 : memref<1x128x128xf32, #tpu.memory_space<vmem>> -> memref<128x128xf32, #tpu.memory_space<vmem>>
      %dma_start3A_76 = arith.constant 0 : i32
      %dma_start3A_77 = tpu.memref_slice %arg7[%add3A_72, %dma_start3A_76] : memref<40x128xi32, #tpu.memory_space<vmem>> -> memref<1x128xi32, #tpu.memory_space<vmem>>
      %dma_start3A_78 = tpu.memref_squeeze %dma_start3A_77 : memref<1x128xi32, #tpu.memory_space<vmem>> -> memref<128xi32, #tpu.memory_space<vmem>>
      %dma_start3A_79 = arith.constant 0 : i32
      %dma_start3A_80 = arith.constant 0 : i32
      %dma_start3A_81 = tpu.memref_slice %arg2[%dma_start3A_79, %dma_start3A_80] : memref<20000x128xf32, #tpu.memory_space<hbm>> -> memref<20000x128xf32, #tpu.memory_space<hbm>>
      %dma_start3A_82 = tpu.memref_slice %arg10[%rem3A_56] : memref<2x!tpu.dma_semaphore, #tpu.memory_space<semaphore_mem>> -> memref<1x!tpu.dma_semaphore, #tpu.memory_space<semaphore_mem>>
      %dma_start3A_83 = tpu.memref_squeeze %dma_start3A_82 : memref<1x!tpu.dma_semaphore, #tpu.memory_space<semaphore_mem>> -> memref<!tpu.dma_semaphore, #tpu.memory_space<semaphore_mem>>
      tpu.enqueue_indirect_dma source(%dma_start3A_81 : memref<20000x128xf32, #tpu.memory_space<hbm>>) target(%dma_start3A_75 : memref<128x128xf32, #tpu.memory_space<vmem>>) offsets(%dma_start3A_78 : memref<128xi32, #tpu.memory_space<vmem>>) semaphore(%dma_start3A_83 : memref<!tpu.dma_semaphore, #tpu.memory_space<semaphore_mem>>)
    }
    %scan3A_17 = arith.constant 38 : i32
    %scan3A_18 = arith.constant 0 : i32
    %scan3A_19 = arith.constant 38 : i32
    %scan3A_20 = arith.constant 2 : i32
    %scan3A_21 = arith.addi %scan3A_19, %scan3A_20 : i32
    %scan3A_22 = arith.constant 1 : i32
    scf.for %scan3A_55 = %scan3A_19 to %scan3A_21 step %scan3A_22  : i32 {
      %rem3A = arith.constant 2 : i32
      %rem3A_56 = arith.remsi %scan3A_55, %rem3A : i32
      %dma_wait3A = arith.constant 0 : i32
      %dma_wait3A_57 = arith.constant 0 : i32
      %dma_wait3A_58 = tpu.memref_slice %arg9[%rem3A_56, %dma_wait3A, %dma_wait3A_57] : memref<2x128x128xf32, #tpu.memory_space<vmem>> -> memref<1x128x128xf32, #tpu.memory_space<vmem>>
      %dma_wait3A_59 = tpu.memref_squeeze %dma_wait3A_58 : memref<1x128x128xf32, #tpu.memory_space<vmem>> -> memref<128x128xf32, #tpu.memory_space<vmem>>
      %dma_wait3A_60 = arith.constant 0 : i32
      %dma_wait3A_61 = arith.constant 0 : i32
      %dma_wait3A_62 = tpu.memref_slice %arg5[%dma_wait3A_60, %dma_wait3A_61] : memref<640x128xf32, #tpu.memory_space<hbm>> -> memref<128x128xf32, #tpu.memory_space<hbm>>
      %dma_wait3A_63 = tpu.memref_slice %arg10[%rem3A_56] : memref<2x!tpu.dma_semaphore, #tpu.memory_space<semaphore_mem>> -> memref<1x!tpu.dma_semaphore, #tpu.memory_space<semaphore_mem>>
      %dma_wait3A_64 = tpu.memref_squeeze %dma_wait3A_63 : memref<1x!tpu.dma_semaphore, #tpu.memory_space<semaphore_mem>> -> memref<!tpu.dma_semaphore, #tpu.memory_space<semaphore_mem>>
      %dma_wait3A_65 = arith.constant 0 : i32
      %dma_wait3A_66 = arith.constant 0 : i32
      %dma_wait3A_67 = tpu.memref_slice %arg9[%rem3A_56, %dma_wait3A_65, %dma_wait3A_66] : memref<2x128x128xf32, #tpu.memory_space<vmem>> -> memref<1x128x128xf32, #tpu.memory_space<vmem>>
      %dma_wait3A_68 = tpu.memref_squeeze %dma_wait3A_67 : memref<1x128x128xf32, #tpu.memory_space<vmem>> -> memref<128x128xf32, #tpu.memory_space<vmem>>
      %dma_wait3A_69 = arith.constant 0 : i32
      %dma_wait3A_70 = arith.constant 0 : i32
      %dma_wait3A_71 = tpu.memref_slice %arg5[%dma_wait3A_69, %dma_wait3A_70] : memref<640x128xf32, #tpu.memory_space<hbm>> -> memref<128x128xf32, #tpu.memory_space<hbm>>
      tpu.wait_dma2 semaphore(%dma_wait3A_64 : memref<!tpu.dma_semaphore, #tpu.memory_space<semaphore_mem>>) src(%dma_wait3A_71 : memref<128x128xf32, #tpu.memory_space<hbm>>) dst(%dma_wait3A_68 : memref<128x128xf32, #tpu.memory_space<vmem>>)
      "tpu.region"() ({
        %run_scoped3A_72 = tpu.sem_alloc : memref<!tpu.dma_semaphore, #tpu.memory_space<semaphore_mem>>
        %dma_start3A = arith.constant 0 : i32
        %dma_start3A_73 = arith.constant 0 : i32
        %dma_start3A_74 = tpu.memref_slice %arg9[%rem3A_56, %dma_start3A, %dma_start3A_73] : memref<2x128x128xf32, #tpu.memory_space<vmem>> -> memref<1x128x128xf32, #tpu.memory_space<vmem>>
        %dma_start3A_75 = tpu.memref_squeeze %dma_start3A_74 : memref<1x128x128xf32, #tpu.memory_space<vmem>> -> memref<128x128xf32, #tpu.memory_space<vmem>>
        %dma_start3A_76 = arith.constant 0 : i32
        %dma_start3A_77 = tpu.memref_slice %arg8[%scan3A_55, %dma_start3A_76] : memref<40x128xi32, #tpu.memory_space<vmem>> -> memref<1x128xi32, #tpu.memory_space<vmem>>
        %dma_start3A_78 = tpu.memref_squeeze %dma_start3A_77 : memref<1x128xi32, #tpu.memory_space<vmem>> -> memref<128xi32, #tpu.memory_space<vmem>>
        %dma_start3A_79 = arith.constant 0 : i32
        %dma_start3A_80 = arith.constant 0 : i32
        %dma_start3A_81 = tpu.memref_slice %arg11[%dma_start3A_79, %dma_start3A_80] : memref<10008x128xf32, #tpu.memory_space<vmem_shared>> -> memref<10008x128xf32, #tpu.memory_space<vmem_shared>>
        tpu.enqueue_indirect_dma source(%dma_start3A_75 : memref<128x128xf32, #tpu.memory_space<vmem>>) target(%dma_start3A_81 : memref<10008x128xf32, #tpu.memory_space<vmem_shared>>) offsets(%dma_start3A_78 : memref<128xi32, #tpu.memory_space<vmem>>) semaphore(%run_scoped3A_72 : memref<!tpu.dma_semaphore, #tpu.memory_space<semaphore_mem>>) {add = true}
        %dma_wait3A_82 = arith.constant 0 : i32
        %dma_wait3A_83 = arith.constant 0 : i32
        %dma_wait3A_84 = tpu.memref_slice %arg9[%rem3A_56, %dma_wait3A_82, %dma_wait3A_83] : memref<2x128x128xf32, #tpu.memory_space<vmem>> -> memref<1x128x128xf32, #tpu.memory_space<vmem>>
        %dma_wait3A_85 = tpu.memref_squeeze %dma_wait3A_84 : memref<1x128x128xf32, #tpu.memory_space<vmem>> -> memref<128x128xf32, #tpu.memory_space<vmem>>
        %dma_wait3A_86 = arith.constant 0 : i32
        %dma_wait3A_87 = tpu.memref_slice %arg8[%scan3A_55, %dma_wait3A_86] : memref<40x128xi32, #tpu.memory_space<vmem>> -> memref<1x128xi32, #tpu.memory_space<vmem>>
        %dma_wait3A_88 = tpu.memref_squeeze %dma_wait3A_87 : memref<1x128xi32, #tpu.memory_space<vmem>> -> memref<128xi32, #tpu.memory_space<vmem>>
        %dma_wait3A_89 = arith.constant 0 : i32
        %dma_wait3A_90 = arith.constant 0 : i32
        %dma_wait3A_91 = tpu.memref_slice %arg11[%dma_wait3A_89, %dma_wait3A_90] : memref<10008x128xf32, #tpu.memory_space<vmem_shared>> -> memref<10008x128xf32, #tpu.memory_space<vmem_shared>>
        tpu.wait_indirect_dma semaphore(%run_scoped3A_72 : memref<!tpu.dma_semaphore, #tpu.memory_space<semaphore_mem>>) src(%dma_wait3A_85 : memref<128x128xf32, #tpu.memory_space<vmem>>) dst(%dma_wait3A_91 : memref<10008x128xf32, #tpu.memory_space<vmem_shared>>)
        tpu.yield
      }) : () -> ()
    }
    %scan3A_23 = arith.constant 2 : i32
    %run_scoped3A_24 = arith.constant 1 : i32
    "tpu.region"() ({
      %run_scoped3A_55 = tpu.sem_alloc : memref<!tpu.dma_semaphore, #tpu.memory_space<semaphore_mem>>
      %dma_start3A = arith.constant 0 : i32
      %dma_start3A_56 = arith.constant 0 : i32
      %dma_start3A_57 = tpu.memref_slice %arg3[%arg0, %arg1, %run_scoped3A_24, %dma_start3A, %dma_start3A_56] : memref<2x16x2x40x128xi32, #tpu.memory_space<hbm>> -> memref<1x1x1x40x128xi32, #tpu.memory_space<hbm>>
      %dma_start3A_58 = tpu.memref_squeeze %dma_start3A_57 : memref<1x1x1x40x128xi32, #tpu.memory_space<hbm>> -> memref<40x128xi32, #tpu.memory_space<hbm>>
      %dma_start3A_59 = arith.constant 0 : i32
      %dma_start3A_60 = arith.constant 0 : i32
      %dma_start3A_61 = tpu.memref_slice %arg3[%arg0, %arg1, %run_scoped3A_24, %dma_start3A_59, %dma_start3A_60] : memref<2x16x2x40x128xi32, #tpu.memory_space<hbm>> -> memref<1x1x1x40x128xi32, #tpu.memory_space<hbm>>
      %dma_start3A_62 = tpu.memref_squeeze %dma_start3A_61 : memref<1x1x1x40x128xi32, #tpu.memory_space<hbm>> -> memref<40x128xi32, #tpu.memory_space<hbm>>
      tpu.enqueue_dma source(%dma_start3A_62 : memref<40x128xi32, #tpu.memory_space<hbm>>) target(%arg7 : memref<40x128xi32, #tpu.memory_space<vmem>>) target_semaphore(%run_scoped3A_55 : memref<!tpu.dma_semaphore, #tpu.memory_space<semaphore_mem>>)
      %dma_wait3A = arith.constant 0 : i32
      %dma_wait3A_63 = arith.constant 0 : i32
      %dma_wait3A_64 = tpu.memref_slice %arg3[%arg0, %arg1, %run_scoped3A_24, %dma_wait3A, %dma_wait3A_63] : memref<2x16x2x40x128xi32, #tpu.memory_space<hbm>> -> memref<1x1x1x40x128xi32, #tpu.memory_space<hbm>>
      %dma_wait3A_65 = tpu.memref_squeeze %dma_wait3A_64 : memref<1x1x1x40x128xi32, #tpu.memory_space<hbm>> -> memref<40x128xi32, #tpu.memory_space<hbm>>
      %dma_wait3A_66 = arith.constant 0 : i32
      %dma_wait3A_67 = arith.constant 0 : i32
      %dma_wait3A_68 = tpu.memref_slice %arg3[%arg0, %arg1, %run_scoped3A_24, %dma_wait3A_66, %dma_wait3A_67] : memref<2x16x2x40x128xi32, #tpu.memory_space<hbm>> -> memref<1x1x1x40x128xi32, #tpu.memory_space<hbm>>
      %dma_wait3A_69 = tpu.memref_squeeze %dma_wait3A_68 : memref<1x1x1x40x128xi32, #tpu.memory_space<hbm>> -> memref<40x128xi32, #tpu.memory_space<hbm>>
      tpu.wait_dma2 semaphore(%run_scoped3A_55 : memref<!tpu.dma_semaphore, #tpu.memory_space<semaphore_mem>>) src(%dma_wait3A_69 : memref<40x128xi32, #tpu.memory_space<hbm>>) dst(%arg7 : memref<40x128xi32, #tpu.memory_space<vmem>>)
      tpu.yield
    }) : () -> ()
    %run_scoped3A_25 = arith.constant 1 : i32
    "tpu.region"() ({
      %run_scoped3A_55 = tpu.sem_alloc : memref<!tpu.dma_semaphore, #tpu.memory_space<semaphore_mem>>
      %dma_start3A = arith.constant 0 : i32
      %dma_start3A_56 = arith.constant 0 : i32
      %dma_start3A_57 = tpu.memref_slice %arg4[%arg1, %run_scoped3A_25, %dma_start3A, %dma_start3A_56] : memref<16x2x40x128xi32, #tpu.memory_space<hbm>> -> memref<1x1x40x128xi32, #tpu.memory_space<hbm>>
      %dma_start3A_58 = tpu.memref_squeeze %dma_start3A_57 : memref<1x1x40x128xi32, #tpu.memory_space<hbm>> -> memref<40x128xi32, #tpu.memory_space<hbm>>
      %dma_start3A_59 = arith.constant 0 : i32
      %dma_start3A_60 = arith.constant 0 : i32
      %dma_start3A_61 = tpu.memref_slice %arg4[%arg1, %run_scoped3A_25, %dma_start3A_59, %dma_start3A_60] : memref<16x2x40x128xi32, #tpu.memory_space<hbm>> -> memref<1x1x40x128xi32, #tpu.memory_space<hbm>>
      %dma_start3A_62 = tpu.memref_squeeze %dma_start3A_61 : memref<1x1x40x128xi32, #tpu.memory_space<hbm>> -> memref<40x128xi32, #tpu.memory_space<hbm>>
      tpu.enqueue_dma source(%dma_start3A_62 : memref<40x128xi32, #tpu.memory_space<hbm>>) target(%arg8 : memref<40x128xi32, #tpu.memory_space<vmem>>) target_semaphore(%run_scoped3A_55 : memref<!tpu.dma_semaphore, #tpu.memory_space<semaphore_mem>>)
      %dma_wait3A = arith.constant 0 : i32
      %dma_wait3A_63 = arith.constant 0 : i32
      %dma_wait3A_64 = tpu.memref_slice %arg4[%arg1, %run_scoped3A_25, %dma_wait3A, %dma_wait3A_63] : memref<16x2x40x128xi32, #tpu.memory_space<hbm>> -> memref<1x1x40x128xi32, #tpu.memory_space<hbm>>
      %dma_wait3A_65 = tpu.memref_squeeze %dma_wait3A_64 : memref<1x1x40x128xi32, #tpu.memory_space<hbm>> -> memref<40x128xi32, #tpu.memory_space<hbm>>
      %dma_wait3A_66 = arith.constant 0 : i32
      %dma_wait3A_67 = arith.constant 0 : i32
      %dma_wait3A_68 = tpu.memref_slice %arg4[%arg1, %run_scoped3A_25, %dma_wait3A_66, %dma_wait3A_67] : memref<16x2x40x128xi32, #tpu.memory_space<hbm>> -> memref<1x1x40x128xi32, #tpu.memory_space<hbm>>
      %dma_wait3A_69 = tpu.memref_squeeze %dma_wait3A_68 : memref<1x1x40x128xi32, #tpu.memory_space<hbm>> -> memref<40x128xi32, #tpu.memory_space<hbm>>
      tpu.wait_dma2 semaphore(%run_scoped3A_55 : memref<!tpu.dma_semaphore, #tpu.memory_space<semaphore_mem>>) src(%dma_wait3A_69 : memref<40x128xi32, #tpu.memory_space<hbm>>) dst(%arg8 : memref<40x128xi32, #tpu.memory_space<vmem>>)
      tpu.yield
    }) : () -> ()
    %scan3A_26 = arith.constant 0 : i32
    %scan3A_27 = arith.constant 0 : i32
    %scan3A_28 = arith.constant 2 : i32
    %scan3A_29 = arith.addi %scan3A_27, %scan3A_28 : i32
    %scan3A_30 = arith.constant 1 : i32
    scf.for %scan3A_55 = %scan3A_27 to %scan3A_29 step %scan3A_30  : i32 {
      %dma_start3A = arith.constant 0 : i32
      %dma_start3A_56 = arith.constant 0 : i32
      %dma_start3A_57 = tpu.memref_slice %arg9[%scan3A_55, %dma_start3A, %dma_start3A_56] : memref<2x128x128xf32, #tpu.memory_space<vmem>> -> memref<1x128x128xf32, #tpu.memory_space<vmem>>
      %dma_start3A_58 = tpu.memref_squeeze %dma_start3A_57 : memref<1x128x128xf32, #tpu.memory_space<vmem>> -> memref<128x128xf32, #tpu.memory_space<vmem>>
      %dma_start3A_59 = arith.constant 0 : i32
      %dma_start3A_60 = tpu.memref_slice %arg7[%scan3A_55, %dma_start3A_59] : memref<40x128xi32, #tpu.memory_space<vmem>> -> memref<1x128xi32, #tpu.memory_space<vmem>>
      %dma_start3A_61 = tpu.memref_squeeze %dma_start3A_60 : memref<1x128xi32, #tpu.memory_space<vmem>> -> memref<128xi32, #tpu.memory_space<vmem>>
      %dma_start3A_62 = arith.constant 0 : i32
      %dma_start3A_63 = arith.constant 0 : i32
      %dma_start3A_64 = tpu.memref_slice %arg2[%dma_start3A_62, %dma_start3A_63] : memref<20000x128xf32, #tpu.memory_space<hbm>> -> memref<20000x128xf32, #tpu.memory_space<hbm>>
      %dma_start3A_65 = tpu.memref_slice %arg10[%scan3A_55] : memref<2x!tpu.dma_semaphore, #tpu.memory_space<semaphore_mem>> -> memref<1x!tpu.dma_semaphore, #tpu.memory_space<semaphore_mem>>
      %dma_start3A_66 = tpu.memref_squeeze %dma_start3A_65 : memref<1x!tpu.dma_semaphore, #tpu.memory_space<semaphore_mem>> -> memref<!tpu.dma_semaphore, #tpu.memory_space<semaphore_mem>>
      tpu.enqueue_indirect_dma source(%dma_start3A_64 : memref<20000x128xf32, #tpu.memory_space<hbm>>) target(%dma_start3A_58 : memref<128x128xf32, #tpu.memory_space<vmem>>) offsets(%dma_start3A_61 : memref<128xi32, #tpu.memory_space<vmem>>) semaphore(%dma_start3A_66 : memref<!tpu.dma_semaphore, #tpu.memory_space<semaphore_mem>>)
    }
    %scan3A_31 = arith.constant 2 : i32
    %scan3A_32 = arith.constant 0 : i32
    %scan3A_33 = arith.constant 0 : i32
    %scan3A_34 = arith.constant 38 : i32
    %scan3A_35 = arith.addi %scan3A_33, %scan3A_34 : i32
    %scan3A_36 = arith.constant 1 : i32
    scf.for %scan3A_55 = %scan3A_33 to %scan3A_35 step %scan3A_36  : i32 {
      %rem3A = arith.constant 2 : i32
      %rem3A_56 = arith.remsi %scan3A_55, %rem3A : i32
      %dma_wait3A = arith.constant 0 : i32
      %dma_wait3A_57 = arith.constant 0 : i32
      %dma_wait3A_58 = tpu.memref_slice %arg9[%rem3A_56, %dma_wait3A, %dma_wait3A_57] : memref<2x128x128xf32, #tpu.memory_space<vmem>> -> memref<1x128x128xf32, #tpu.memory_space<vmem>>
      %dma_wait3A_59 = tpu.memref_squeeze %dma_wait3A_58 : memref<1x128x128xf32, #tpu.memory_space<vmem>> -> memref<128x128xf32, #tpu.memory_space<vmem>>
      %dma_wait3A_60 = arith.constant 0 : i32
      %dma_wait3A_61 = arith.constant 0 : i32
      %dma_wait3A_62 = tpu.memref_slice %arg5[%dma_wait3A_60, %dma_wait3A_61] : memref<640x128xf32, #tpu.memory_space<hbm>> -> memref<128x128xf32, #tpu.memory_space<hbm>>
      %dma_wait3A_63 = tpu.memref_slice %arg10[%rem3A_56] : memref<2x!tpu.dma_semaphore, #tpu.memory_space<semaphore_mem>> -> memref<1x!tpu.dma_semaphore, #tpu.memory_space<semaphore_mem>>
      %dma_wait3A_64 = tpu.memref_squeeze %dma_wait3A_63 : memref<1x!tpu.dma_semaphore, #tpu.memory_space<semaphore_mem>> -> memref<!tpu.dma_semaphore, #tpu.memory_space<semaphore_mem>>
      %dma_wait3A_65 = arith.constant 0 : i32
      %dma_wait3A_66 = arith.constant 0 : i32
      %dma_wait3A_67 = tpu.memref_slice %arg9[%rem3A_56, %dma_wait3A_65, %dma_wait3A_66] : memref<2x128x128xf32, #tpu.memory_space<vmem>> -> memref<1x128x128xf32, #tpu.memory_space<vmem>>
      %dma_wait3A_68 = tpu.memref_squeeze %dma_wait3A_67 : memref<1x128x128xf32, #tpu.memory_space<vmem>> -> memref<128x128xf32, #tpu.memory_space<vmem>>
      %dma_wait3A_69 = arith.constant 0 : i32
      %dma_wait3A_70 = arith.constant 0 : i32
      %dma_wait3A_71 = tpu.memref_slice %arg5[%dma_wait3A_69, %dma_wait3A_70] : memref<640x128xf32, #tpu.memory_space<hbm>> -> memref<128x128xf32, #tpu.memory_space<hbm>>
      tpu.wait_dma2 semaphore(%dma_wait3A_64 : memref<!tpu.dma_semaphore, #tpu.memory_space<semaphore_mem>>) src(%dma_wait3A_71 : memref<128x128xf32, #tpu.memory_space<hbm>>) dst(%dma_wait3A_68 : memref<128x128xf32, #tpu.memory_space<vmem>>)
      "tpu.region"() ({
        %run_scoped3A_84 = tpu.sem_alloc : memref<!tpu.dma_semaphore, #tpu.memory_space<semaphore_mem>>
        %dma_start3A_85 = arith.constant 0 : i32
        %dma_start3A_86 = arith.constant 0 : i32
        %dma_start3A_87 = tpu.memref_slice %arg9[%rem3A_56, %dma_start3A_85, %dma_start3A_86] : memref<2x128x128xf32, #tpu.memory_space<vmem>> -> memref<1x128x128xf32, #tpu.memory_space<vmem>>
        %dma_start3A_88 = tpu.memref_squeeze %dma_start3A_87 : memref<1x128x128xf32, #tpu.memory_space<vmem>> -> memref<128x128xf32, #tpu.memory_space<vmem>>
        %dma_start3A_89 = arith.constant 0 : i32
        %dma_start3A_90 = tpu.memref_slice %arg8[%scan3A_55, %dma_start3A_89] : memref<40x128xi32, #tpu.memory_space<vmem>> -> memref<1x128xi32, #tpu.memory_space<vmem>>
        %dma_start3A_91 = tpu.memref_squeeze %dma_start3A_90 : memref<1x128xi32, #tpu.memory_space<vmem>> -> memref<128xi32, #tpu.memory_space<vmem>>
        %dma_start3A_92 = arith.constant 0 : i32
        %dma_start3A_93 = arith.constant 0 : i32
        %dma_start3A_94 = tpu.memref_slice %arg11[%dma_start3A_92, %dma_start3A_93] : memref<10008x128xf32, #tpu.memory_space<vmem_shared>> -> memref<10008x128xf32, #tpu.memory_space<vmem_shared>>
        tpu.enqueue_indirect_dma source(%dma_start3A_88 : memref<128x128xf32, #tpu.memory_space<vmem>>) target(%dma_start3A_94 : memref<10008x128xf32, #tpu.memory_space<vmem_shared>>) offsets(%dma_start3A_91 : memref<128xi32, #tpu.memory_space<vmem>>) semaphore(%run_scoped3A_84 : memref<!tpu.dma_semaphore, #tpu.memory_space<semaphore_mem>>) {add = true}
        %dma_wait3A_95 = arith.constant 0 : i32
        %dma_wait3A_96 = arith.constant 0 : i32
        %dma_wait3A_97 = tpu.memref_slice %arg9[%rem3A_56, %dma_wait3A_95, %dma_wait3A_96] : memref<2x128x128xf32, #tpu.memory_space<vmem>> -> memref<1x128x128xf32, #tpu.memory_space<vmem>>
        %dma_wait3A_98 = tpu.memref_squeeze %dma_wait3A_97 : memref<1x128x128xf32, #tpu.memory_space<vmem>> -> memref<128x128xf32, #tpu.memory_space<vmem>>
        %dma_wait3A_99 = arith.constant 0 : i32
        %dma_wait3A_100 = tpu.memref_slice %arg8[%scan3A_55, %dma_wait3A_99] : memref<40x128xi32, #tpu.memory_space<vmem>> -> memref<1x128xi32, #tpu.memory_space<vmem>>
        %dma_wait3A_101 = tpu.memref_squeeze %dma_wait3A_100 : memref<1x128xi32, #tpu.memory_space<vmem>> -> memref<128xi32, #tpu.memory_space<vmem>>
        %dma_wait3A_102 = arith.constant 0 : i32
        %dma_wait3A_103 = arith.constant 0 : i32
        %dma_wait3A_104 = tpu.memref_slice %arg11[%dma_wait3A_102, %dma_wait3A_103] : memref<10008x128xf32, #tpu.memory_space<vmem_shared>> -> memref<10008x128xf32, #tpu.memory_space<vmem_shared>>
        tpu.wait_indirect_dma semaphore(%run_scoped3A_84 : memref<!tpu.dma_semaphore, #tpu.memory_space<semaphore_mem>>) src(%dma_wait3A_98 : memref<128x128xf32, #tpu.memory_space<vmem>>) dst(%dma_wait3A_104 : memref<10008x128xf32, #tpu.memory_space<vmem_shared>>)
        tpu.yield
      }) : () -> ()
      %add3A = arith.constant 2 : i32
      %add3A_72 = arith.addi %scan3A_55, %add3A : i32
      %dma_start3A = arith.constant 0 : i32
      %dma_start3A_73 = arith.constant 0 : i32
      %dma_start3A_74 = tpu.memref_slice %arg9[%rem3A_56, %dma_start3A, %dma_start3A_73] : memref<2x128x128xf32, #tpu.memory_space<vmem>> -> memref<1x128x128xf32, #tpu.memory_space<vmem>>
      %dma_start3A_75 = tpu.memref_squeeze %dma_start3A_74 : memref<1x128x128xf32, #tpu.memory_space<vmem>> -> memref<128x128xf32, #tpu.memory_space<vmem>>
      %dma_start3A_76 = arith.constant 0 : i32
      %dma_start3A_77 = tpu.memref_slice %arg7[%add3A_72, %dma_start3A_76] : memref<40x128xi32, #tpu.memory_space<vmem>> -> memref<1x128xi32, #tpu.memory_space<vmem>>
      %dma_start3A_78 = tpu.memref_squeeze %dma_start3A_77 : memref<1x128xi32, #tpu.memory_space<vmem>> -> memref<128xi32, #tpu.memory_space<vmem>>
      %dma_start3A_79 = arith.constant 0 : i32
      %dma_start3A_80 = arith.constant 0 : i32
      %dma_start3A_81 = tpu.memref_slice %arg2[%dma_start3A_79, %dma_start3A_80] : memref<20000x128xf32, #tpu.memory_space<hbm>> -> memref<20000x128xf32, #tpu.memory_space<hbm>>
      %dma_start3A_82 = tpu.memref_slice %arg10[%rem3A_56] : memref<2x!tpu.dma_semaphore, #tpu.memory_space<semaphore_mem>> -> memref<1x!tpu.dma_semaphore, #tpu.memory_space<semaphore_mem>>
      %dma_start3A_83 = tpu.memref_squeeze %dma_start3A_82 : memref<1x!tpu.dma_semaphore, #tpu.memory_space<semaphore_mem>> -> memref<!tpu.dma_semaphore, #tpu.memory_space<semaphore_mem>>
      tpu.enqueue_indirect_dma source(%dma_start3A_81 : memref<20000x128xf32, #tpu.memory_space<hbm>>) target(%dma_start3A_75 : memref<128x128xf32, #tpu.memory_space<vmem>>) offsets(%dma_start3A_78 : memref<128xi32, #tpu.memory_space<vmem>>) semaphore(%dma_start3A_83 : memref<!tpu.dma_semaphore, #tpu.memory_space<semaphore_mem>>)
    }
    %scan3A_37 = arith.constant 38 : i32
    %scan3A_38 = arith.constant 0 : i32
    %scan3A_39 = arith.constant 38 : i32
    %scan3A_40 = arith.constant 2 : i32
    %scan3A_41 = arith.addi %scan3A_39, %scan3A_40 : i32
    %scan3A_42 = arith.constant 1 : i32
    scf.for %scan3A_55 = %scan3A_39 to %scan3A_41 step %scan3A_42  : i32 {
      %rem3A = arith.constant 2 : i32
      %rem3A_56 = arith.remsi %scan3A_55, %rem3A : i32
      %dma_wait3A = arith.constant 0 : i32
      %dma_wait3A_57 = arith.constant 0 : i32
      %dma_wait3A_58 = tpu.memref_slice %arg9[%rem3A_56, %dma_wait3A, %dma_wait3A_57] : memref<2x128x128xf32, #tpu.memory_space<vmem>> -> memref<1x128x128xf32, #tpu.memory_space<vmem>>
      %dma_wait3A_59 = tpu.memref_squeeze %dma_wait3A_58 : memref<1x128x128xf32, #tpu.memory_space<vmem>> -> memref<128x128xf32, #tpu.memory_space<vmem>>
      %dma_wait3A_60 = arith.constant 0 : i32
      %dma_wait3A_61 = arith.constant 0 : i32
      %dma_wait3A_62 = tpu.memref_slice %arg5[%dma_wait3A_60, %dma_wait3A_61] : memref<640x128xf32, #tpu.memory_space<hbm>> -> memref<128x128xf32, #tpu.memory_space<hbm>>
      %dma_wait3A_63 = tpu.memref_slice %arg10[%rem3A_56] : memref<2x!tpu.dma_semaphore, #tpu.memory_space<semaphore_mem>> -> memref<1x!tpu.dma_semaphore, #tpu.memory_space<semaphore_mem>>
      %dma_wait3A_64 = tpu.memref_squeeze %dma_wait3A_63 : memref<1x!tpu.dma_semaphore, #tpu.memory_space<semaphore_mem>> -> memref<!tpu.dma_semaphore, #tpu.memory_space<semaphore_mem>>
      %dma_wait3A_65 = arith.constant 0 : i32
      %dma_wait3A_66 = arith.constant 0 : i32
      %dma_wait3A_67 = tpu.memref_slice %arg9[%rem3A_56, %dma_wait3A_65, %dma_wait3A_66] : memref<2x128x128xf32, #tpu.memory_space<vmem>> -> memref<1x128x128xf32, #tpu.memory_space<vmem>>
      %dma_wait3A_68 = tpu.memref_squeeze %dma_wait3A_67 : memref<1x128x128xf32, #tpu.memory_space<vmem>> -> memref<128x128xf32, #tpu.memory_space<vmem>>
      %dma_wait3A_69 = arith.constant 0 : i32
      %dma_wait3A_70 = arith.constant 0 : i32
      %dma_wait3A_71 = tpu.memref_slice %arg5[%dma_wait3A_69, %dma_wait3A_70] : memref<640x128xf32, #tpu.memory_space<hbm>> -> memref<128x128xf32, #tpu.memory_space<hbm>>
      tpu.wait_dma2 semaphore(%dma_wait3A_64 : memref<!tpu.dma_semaphore, #tpu.memory_space<semaphore_mem>>) src(%dma_wait3A_71 : memref<128x128xf32, #tpu.memory_space<hbm>>) dst(%dma_wait3A_68 : memref<128x128xf32, #tpu.memory_space<vmem>>)
      "tpu.region"() ({
        %run_scoped3A_72 = tpu.sem_alloc : memref<!tpu.dma_semaphore, #tpu.memory_space<semaphore_mem>>
        %dma_start3A = arith.constant 0 : i32
        %dma_start3A_73 = arith.constant 0 : i32
        %dma_start3A_74 = tpu.memref_slice %arg9[%rem3A_56, %dma_start3A, %dma_start3A_73] : memref<2x128x128xf32, #tpu.memory_space<vmem>> -> memref<1x128x128xf32, #tpu.memory_space<vmem>>
        %dma_start3A_75 = tpu.memref_squeeze %dma_start3A_74 : memref<1x128x128xf32, #tpu.memory_space<vmem>> -> memref<128x128xf32, #tpu.memory_space<vmem>>
        %dma_start3A_76 = arith.constant 0 : i32
        %dma_start3A_77 = tpu.memref_slice %arg8[%scan3A_55, %dma_start3A_76] : memref<40x128xi32, #tpu.memory_space<vmem>> -> memref<1x128xi32, #tpu.memory_space<vmem>>
        %dma_start3A_78 = tpu.memref_squeeze %dma_start3A_77 : memref<1x128xi32, #tpu.memory_space<vmem>> -> memref<128xi32, #tpu.memory_space<vmem>>
        %dma_start3A_79 = arith.constant 0 : i32
        %dma_start3A_80 = arith.constant 0 : i32
        %dma_start3A_81 = tpu.memref_slice %arg11[%dma_start3A_79, %dma_start3A_80] : memref<10008x128xf32, #tpu.memory_space<vmem_shared>> -> memref<10008x128xf32, #tpu.memory_space<vmem_shared>>
        tpu.enqueue_indirect_dma source(%dma_start3A_75 : memref<128x128xf32, #tpu.memory_space<vmem>>) target(%dma_start3A_81 : memref<10008x128xf32, #tpu.memory_space<vmem_shared>>) offsets(%dma_start3A_78 : memref<128xi32, #tpu.memory_space<vmem>>) semaphore(%run_scoped3A_72 : memref<!tpu.dma_semaphore, #tpu.memory_space<semaphore_mem>>) {add = true}
        %dma_wait3A_82 = arith.constant 0 : i32
        %dma_wait3A_83 = arith.constant 0 : i32
        %dma_wait3A_84 = tpu.memref_slice %arg9[%rem3A_56, %dma_wait3A_82, %dma_wait3A_83] : memref<2x128x128xf32, #tpu.memory_space<vmem>> -> memref<1x128x128xf32, #tpu.memory_space<vmem>>
        %dma_wait3A_85 = tpu.memref_squeeze %dma_wait3A_84 : memref<1x128x128xf32, #tpu.memory_space<vmem>> -> memref<128x128xf32, #tpu.memory_space<vmem>>
        %dma_wait3A_86 = arith.constant 0 : i32
        %dma_wait3A_87 = tpu.memref_slice %arg8[%scan3A_55, %dma_wait3A_86] : memref<40x128xi32, #tpu.memory_space<vmem>> -> memref<1x128xi32, #tpu.memory_space<vmem>>
        %dma_wait3A_88 = tpu.memref_squeeze %dma_wait3A_87 : memref<1x128xi32, #tpu.memory_space<vmem>> -> memref<128xi32, #tpu.memory_space<vmem>>
        %dma_wait3A_89 = arith.constant 0 : i32
        %dma_wait3A_90 = arith.constant 0 : i32
        %dma_wait3A_91 = tpu.memref_slice %arg11[%dma_wait3A_89, %dma_wait3A_90] : memref<10008x128xf32, #tpu.memory_space<vmem_shared>> -> memref<10008x128xf32, #tpu.memory_space<vmem_shared>>
        tpu.wait_indirect_dma semaphore(%run_scoped3A_72 : memref<!tpu.dma_semaphore, #tpu.memory_space<semaphore_mem>>) src(%dma_wait3A_85 : memref<128x128xf32, #tpu.memory_space<vmem>>) dst(%dma_wait3A_91 : memref<10008x128xf32, #tpu.memory_space<vmem_shared>>)
        tpu.yield
      }) : () -> ()
    }
    %scan3A_43 = arith.constant 2 : i32
    %barrier3A_44 = arith.constant 0 : index
    tpu.barrier barrier_id(%barrier3A_44)
    %lt3A_45 = arith.constant 15 : i32
    %lt3A_46 = arith.cmpi slt, %arg1, %lt3A_45 : i32
    %convert_element_type3A_47 = arith.extui %lt3A_46 : i1 to i32
    %cond3A_48 = arith.constant 0 : i32
    %cond3A_49 = arith.cmpi ne, %convert_element_type3A_47, %cond3A_48 : i32
    scf.if %cond3A_49 {
      %mul3A = arith.constant 624 : i32
      %mul3A_55 = arith.muli %arg1, %mul3A : i32
      %mul3A_56 = arith.constant 10000 : i32
      %mul3A_57 = arith.muli %arg0, %mul3A_56 : i32
      %mul3A_58 = arith.constant 624 : i32
      %mul3A_59 = arith.muli %arg1, %mul3A_58 : i32
      %add3A = arith.addi %mul3A_57, %mul3A_59 : i32
      "tpu.region"() ({
        %run_scoped3A_60 = tpu.sem_alloc : memref<!tpu.dma_semaphore, #tpu.memory_space<semaphore_mem>>
        %dma_start3A = arith.constant 0 : i32
        %dma_start3A_61 = tpu.memref_slice %arg6[%add3A, %dma_start3A] : memref<20000x128xf32, #tpu.memory_space<hbm>> -> memref<624x128xf32, #tpu.memory_space<hbm>>
        %dma_start3A_62 = arith.constant 0 : i32
        %dma_start3A_63 = tpu.memref_slice %arg11[%mul3A_55, %dma_start3A_62] : memref<10008x128xf32, #tpu.memory_space<vmem_shared>> -> memref<624x128xf32, #tpu.memory_space<vmem_shared>>
        tpu.enqueue_dma source(%dma_start3A_63 : memref<624x128xf32, #tpu.memory_space<vmem_shared>>) target(%dma_start3A_61 : memref<624x128xf32, #tpu.memory_space<hbm>>) target_semaphore(%run_scoped3A_60 : memref<!tpu.dma_semaphore, #tpu.memory_space<semaphore_mem>>)
        %dma_wait3A = arith.constant 0 : i32
        %dma_wait3A_64 = tpu.memref_slice %arg6[%add3A, %dma_wait3A] : memref<20000x128xf32, #tpu.memory_space<hbm>> -> memref<624x128xf32, #tpu.memory_space<hbm>>
        %dma_wait3A_65 = arith.constant 0 : i32
        %dma_wait3A_66 = tpu.memref_slice %arg11[%mul3A_55, %dma_wait3A_65] : memref<10008x128xf32, #tpu.memory_space<vmem_shared>> -> memref<624x128xf32, #tpu.memory_space<vmem_shared>>
        tpu.wait_dma2 semaphore(%run_scoped3A_60 : memref<!tpu.dma_semaphore, #tpu.memory_space<semaphore_mem>>) src(%dma_wait3A_66 : memref<624x128xf32, #tpu.memory_space<vmem_shared>>) dst(%dma_wait3A_64 : memref<624x128xf32, #tpu.memory_space<hbm>>)
        tpu.yield
      }) : () -> ()
    } else {
    }
    %eq3A_50 = arith.constant 15 : i32
    %eq3A_51 = arith.cmpi eq, %arg1, %eq3A_50 : i32
    %convert_element_type3A_52 = arith.extui %eq3A_51 : i1 to i32
    %cond3A_53 = arith.constant 0 : i32
    %cond3A_54 = arith.cmpi ne, %convert_element_type3A_52, %cond3A_53 : i32
    scf.if %cond3A_54 {
      %mul3A = arith.constant 10000 : i32
      %mul3A_55 = arith.muli %arg0, %mul3A : i32
      %add3A = arith.constant 9360 : i32
      %add3A_56 = arith.addi %mul3A_55, %add3A : i32
      "tpu.region"() ({
        %run_scoped3A_57 = tpu.sem_alloc : memref<!tpu.dma_semaphore, #tpu.memory_space<semaphore_mem>>
        %dma_start3A = arith.constant 0 : i32
        %dma_start3A_58 = tpu.memref_slice %arg6[%add3A_56, %dma_start3A] : memref<20000x128xf32, #tpu.memory_space<hbm>> -> memref<640x128xf32, #tpu.memory_space<hbm>>
        %dma_start3A_59 = arith.constant 9360 : i32
        %dma_start3A_60 = arith.constant 0 : i32
        %dma_start3A_61 = tpu.memref_slice %arg11[%dma_start3A_59, %dma_start3A_60] : memref<10008x128xf32, #tpu.memory_space<vmem_shared>> -> memref<640x128xf32, #tpu.memory_space<vmem_shared>>
        tpu.enqueue_dma source(%dma_start3A_61 : memref<640x128xf32, #tpu.memory_space<vmem_shared>>) target(%dma_start3A_58 : memref<640x128xf32, #tpu.memory_space<hbm>>) target_semaphore(%run_scoped3A_57 : memref<!tpu.dma_semaphore, #tpu.memory_space<semaphore_mem>>)
        %dma_wait3A = arith.constant 0 : i32
        %dma_wait3A_62 = tpu.memref_slice %arg6[%add3A_56, %dma_wait3A] : memref<20000x128xf32, #tpu.memory_space<hbm>> -> memref<640x128xf32, #tpu.memory_space<hbm>>
        %dma_wait3A_63 = arith.constant 9360 : i32
        %dma_wait3A_64 = arith.constant 0 : i32
        %dma_wait3A_65 = tpu.memref_slice %arg11[%dma_wait3A_63, %dma_wait3A_64] : memref<10008x128xf32, #tpu.memory_space<vmem_shared>> -> memref<640x128xf32, #tpu.memory_space<vmem_shared>>
        tpu.wait_dma2 semaphore(%run_scoped3A_57 : memref<!tpu.dma_semaphore, #tpu.memory_space<semaphore_mem>>) src(%dma_wait3A_65 : memref<640x128xf32, #tpu.memory_space<vmem_shared>>) dst(%dma_wait3A_62 : memref<640x128xf32, #tpu.memory_space<hbm>>)
        tpu.yield
      }) : () -> ()
    } else {
    }
    return
  }
}

#map = affine_map<(d0, d1) -> (0, 0)>
#map1 = affine_map<(d0, d1) -> (0, 0, 0, 0, 0)>
#map2 = affine_map<(d0, d1) -> (0, 0, 0, 0)>
module attributes {stable_mosaic.version = 14 : i64} {
  func.func @_agg_kernel(%arg0: i32, %arg1: i32, %arg2: memref<20000x128xf32, #tpu.memory_space<hbm>>, %arg3: memref<2x16x2x40x128xi32, #tpu.memory_space<hbm>>, %arg4: memref<16x2x40x128xi32, #tpu.memory_space<hbm>>, %arg5: memref<640x128xf32, #tpu.memory_space<hbm>>, %arg6: memref<20000x128xf32, #tpu.memory_space<hbm>>, %arg7: memref<40x128xi32, #tpu.memory_space<vmem>>, %arg8: memref<40x128xi32, #tpu.memory_space<vmem>>, %arg9: memref<2x128x128xf32, #tpu.memory_space<vmem>>, %arg10: memref<2x!tpu.dma_semaphore, #tpu.memory_space<semaphore_mem>>, %arg11: memref<10008x128xf32, #tpu.memory_space<vmem_shared>>) attributes {dimension_semantics = [#tpu.dimension_semantics<core_parallel>, #tpu.dimension_semantics<subcore_parallel>], iteration_bounds = array<i64: 2, 16>, scalar_prefetch = 0 : i64, scratch_operands = 5 : i64, tpu.core_type = #tpu.core_type<sc_vector_subcore>, window_params = [{transform_indices = #map}, {transform_indices = #map1}, {transform_indices = #map2}, {transform_indices = #map}, {transform_indices = #map}]} {
    %lt3A = arith.constant 15 : i32
    %lt3A_0 = arith.cmpi slt, %arg1, %lt3A : i32
    %convert_element_type3A = arith.extui %lt3A_0 : i1 to i32
    %cond3A = arith.constant 0 : i32
    %cond3A_1 = arith.cmpi ne, %convert_element_type3A, %cond3A : i32
    scf.if %cond3A_1 {
      %mul3A = arith.constant 624 : i32
      %mul3A_55 = arith.muli %arg1, %mul3A : i32
      "tpu.region"() ({
        %run_scoped3A_56 = tpu.sem_alloc : memref<!tpu.dma_semaphore, #tpu.memory_space<semaphore_mem>>
        %dma_start3A = arith.constant 0 : i32
        %dma_start3A_57 = tpu.memref_slice %arg11[%mul3A_55, %dma_start3A] : memref<10008x128xf32, #tpu.memory_space<vmem_shared>> -> memref<624x128xf32, #tpu.memory_space<vmem_shared>>
        %dma_start3A_58 = arith.constant 0 : i32
        %dma_start3A_59 = arith.constant 0 : i32
        %dma_start3A_60 = tpu.memref_slice %arg5[%dma_start3A_58, %dma_start3A_59] : memref<640x128xf32, #tpu.memory_space<hbm>> -> memref<624x128xf32, #tpu.memory_space<hbm>>
        tpu.enqueue_dma source(%dma_start3A_60 : memref<624x128xf32, #tpu.memory_space<hbm>>) target(%dma_start3A_57 : memref<624x128xf32, #tpu.memory_space<vmem_shared>>) target_semaphore(%run_scoped3A_56 : memref<!tpu.dma_semaphore, #tpu.memory_space<semaphore_mem>>)
        %dma_wait3A = arith.constant 0 : i32
        %dma_wait3A_61 = tpu.memref_slice %arg11[%mul3A_55, %dma_wait3A] : memref<10008x128xf32, #tpu.memory_space<vmem_shared>> -> memref<624x128xf32, #tpu.memory_space<vmem_shared>>
        %dma_wait3A_62 = arith.constant 0 : i32
        %dma_wait3A_63 = arith.constant 0 : i32
        %dma_wait3A_64 = tpu.memref_slice %arg5[%dma_wait3A_62, %dma_wait3A_63] : memref<640x128xf32, #tpu.memory_space<hbm>> -> memref<624x128xf32, #tpu.memory_space<hbm>>
        tpu.wait_dma2 semaphore(%run_scoped3A_56 : memref<!tpu.dma_semaphore, #tpu.memory_space<semaphore_mem>>) src(%dma_wait3A_64 : memref<624x128xf32, #tpu.memory_space<hbm>>) dst(%dma_wait3A_61 : memref<624x128xf32, #tpu.memory_space<vmem_shared>>)
        tpu.yield
      }) : () -> ()
    } else {
    }
    %eq3A = arith.constant 15 : i32
    %eq3A_2 = arith.cmpi eq, %arg1, %eq3A : i32
    %convert_element_type3A_3 = arith.extui %eq3A_2 : i1 to i32
    %cond3A_4 = arith.constant 0 : i32
    %cond3A_5 = arith.cmpi ne, %convert_element_type3A_3, %cond3A_4 : i32
    scf.if %cond3A_5 {
      "tpu.region"() ({
        %run_scoped3A_55 = tpu.sem_alloc : memref<!tpu.dma_semaphore, #tpu.memory_space<semaphore_mem>>
        %dma_start3A = arith.constant 9360 : i32
        %dma_start3A_56 = arith.constant 0 : i32
        %dma_start3A_57 = tpu.memref_slice %arg11[%dma_start3A, %dma_start3A_56] : memref<10008x128xf32, #tpu.memory_space<vmem_shared>> -> memref<640x128xf32, #tpu.memory_space<vmem_shared>>
        tpu.enqueue_dma source(%arg5 : memref<640x128xf32, #tpu.memory_space<hbm>>) target(%dma_start3A_57 : memref<640x128xf32, #tpu.memory_space<vmem_shared>>) target_semaphore(%run_scoped3A_55 : memref<!tpu.dma_semaphore, #tpu.memory_space<semaphore_mem>>)
        %dma_wait3A = arith.constant 9360 : i32
        %dma_wait3A_58 = arith.constant 0 : i32
        %dma_wait3A_59 = tpu.memref_slice %arg11[%dma_wait3A, %dma_wait3A_58] : memref<10008x128xf32, #tpu.memory_space<vmem_shared>> -> memref<640x128xf32, #tpu.memory_space<vmem_shared>>
        tpu.wait_dma2 semaphore(%run_scoped3A_55 : memref<!tpu.dma_semaphore, #tpu.memory_space<semaphore_mem>>) src(%arg5 : memref<640x128xf32, #tpu.memory_space<hbm>>) dst(%dma_wait3A_59 : memref<640x128xf32, #tpu.memory_space<vmem_shared>>)
        tpu.yield
      }) : () -> ()
    } else {
    }
    %barrier3A = arith.constant 0 : index
    tpu.barrier barrier_id(%barrier3A)
    %run_scoped3A = arith.constant 0 : i32
    "tpu.region"() ({
      %run_scoped3A_55 = tpu.sem_alloc : memref<!tpu.dma_semaphore, #tpu.memory_space<semaphore_mem>>
      %dma_start3A = arith.constant 0 : i32
      %dma_start3A_56 = arith.constant 0 : i32
      %dma_start3A_57 = tpu.memref_slice %arg3[%arg0, %arg1, %run_scoped3A, %dma_start3A, %dma_start3A_56] : memref<2x16x2x40x128xi32, #tpu.memory_space<hbm>> -> memref<1x1x1x40x128xi32, #tpu.memory_space<hbm>>
      %dma_start3A_58 = tpu.memref_squeeze %dma_start3A_57 : memref<1x1x1x40x128xi32, #tpu.memory_space<hbm>> -> memref<40x128xi32, #tpu.memory_space<hbm>>
      %dma_start3A_59 = arith.constant 0 : i32
      %dma_start3A_60 = arith.constant 0 : i32
      %dma_start3A_61 = tpu.memref_slice %arg3[%arg0, %arg1, %run_scoped3A, %dma_start3A_59, %dma_start3A_60] : memref<2x16x2x40x128xi32, #tpu.memory_space<hbm>> -> memref<1x1x1x40x128xi32, #tpu.memory_space<hbm>>
      %dma_start3A_62 = tpu.memref_squeeze %dma_start3A_61 : memref<1x1x1x40x128xi32, #tpu.memory_space<hbm>> -> memref<40x128xi32, #tpu.memory_space<hbm>>
      tpu.enqueue_dma source(%dma_start3A_62 : memref<40x128xi32, #tpu.memory_space<hbm>>) target(%arg7 : memref<40x128xi32, #tpu.memory_space<vmem>>) target_semaphore(%run_scoped3A_55 : memref<!tpu.dma_semaphore, #tpu.memory_space<semaphore_mem>>)
      %dma_wait3A = arith.constant 0 : i32
      %dma_wait3A_63 = arith.constant 0 : i32
      %dma_wait3A_64 = tpu.memref_slice %arg3[%arg0, %arg1, %run_scoped3A, %dma_wait3A, %dma_wait3A_63] : memref<2x16x2x40x128xi32, #tpu.memory_space<hbm>> -> memref<1x1x1x40x128xi32, #tpu.memory_space<hbm>>
      %dma_wait3A_65 = tpu.memref_squeeze %dma_wait3A_64 : memref<1x1x1x40x128xi32, #tpu.memory_space<hbm>> -> memref<40x128xi32, #tpu.memory_space<hbm>>
      %dma_wait3A_66 = arith.constant 0 : i32
      %dma_wait3A_67 = arith.constant 0 : i32
      %dma_wait3A_68 = tpu.memref_slice %arg3[%arg0, %arg1, %run_scoped3A, %dma_wait3A_66, %dma_wait3A_67] : memref<2x16x2x40x128xi32, #tpu.memory_space<hbm>> -> memref<1x1x1x40x128xi32, #tpu.memory_space<hbm>>
      %dma_wait3A_69 = tpu.memref_squeeze %dma_wait3A_68 : memref<1x1x1x40x128xi32, #tpu.memory_space<hbm>> -> memref<40x128xi32, #tpu.memory_space<hbm>>
      tpu.wait_dma2 semaphore(%run_scoped3A_55 : memref<!tpu.dma_semaphore, #tpu.memory_space<semaphore_mem>>) src(%dma_wait3A_69 : memref<40x128xi32, #tpu.memory_space<hbm>>) dst(%arg7 : memref<40x128xi32, #tpu.memory_space<vmem>>)
      tpu.yield
    }) : () -> ()
    %run_scoped3A_6 = arith.constant 0 : i32
    "tpu.region"() ({
      %run_scoped3A_55 = tpu.sem_alloc : memref<!tpu.dma_semaphore, #tpu.memory_space<semaphore_mem>>
      %dma_start3A = arith.constant 0 : i32
      %dma_start3A_56 = arith.constant 0 : i32
      %dma_start3A_57 = tpu.memref_slice %arg4[%arg1, %run_scoped3A_6, %dma_start3A, %dma_start3A_56] : memref<16x2x40x128xi32, #tpu.memory_space<hbm>> -> memref<1x1x40x128xi32, #tpu.memory_space<hbm>>
      %dma_start3A_58 = tpu.memref_squeeze %dma_start3A_57 : memref<1x1x40x128xi32, #tpu.memory_space<hbm>> -> memref<40x128xi32, #tpu.memory_space<hbm>>
      %dma_start3A_59 = arith.constant 0 : i32
      %dma_start3A_60 = arith.constant 0 : i32
      %dma_start3A_61 = tpu.memref_slice %arg4[%arg1, %run_scoped3A_6, %dma_start3A_59, %dma_start3A_60] : memref<16x2x40x128xi32, #tpu.memory_space<hbm>> -> memref<1x1x40x128xi32, #tpu.memory_space<hbm>>
      %dma_start3A_62 = tpu.memref_squeeze %dma_start3A_61 : memref<1x1x40x128xi32, #tpu.memory_space<hbm>> -> memref<40x128xi32, #tpu.memory_space<hbm>>
      tpu.enqueue_dma source(%dma_start3A_62 : memref<40x128xi32, #tpu.memory_space<hbm>>) target(%arg8 : memref<40x128xi32, #tpu.memory_space<vmem>>) target_semaphore(%run_scoped3A_55 : memref<!tpu.dma_semaphore, #tpu.memory_space<semaphore_mem>>)
      %dma_wait3A = arith.constant 0 : i32
      %dma_wait3A_63 = arith.constant 0 : i32
      %dma_wait3A_64 = tpu.memref_slice %arg4[%arg1, %run_scoped3A_6, %dma_wait3A, %dma_wait3A_63] : memref<16x2x40x128xi32, #tpu.memory_space<hbm>> -> memref<1x1x40x128xi32, #tpu.memory_space<hbm>>
      %dma_wait3A_65 = tpu.memref_squeeze %dma_wait3A_64 : memref<1x1x40x128xi32, #tpu.memory_space<hbm>> -> memref<40x128xi32, #tpu.memory_space<hbm>>
      %dma_wait3A_66 = arith.constant 0 : i32
      %dma_wait3A_67 = arith.constant 0 : i32
      %dma_wait3A_68 = tpu.memref_slice %arg4[%arg1, %run_scoped3A_6, %dma_wait3A_66, %dma_wait3A_67] : memref<16x2x40x128xi32, #tpu.memory_space<hbm>> -> memref<1x1x40x128xi32, #tpu.memory_space<hbm>>
      %dma_wait3A_69 = tpu.memref_squeeze %dma_wait3A_68 : memref<1x1x40x128xi32, #tpu.memory_space<hbm>> -> memref<40x128xi32, #tpu.memory_space<hbm>>
      tpu.wait_dma2 semaphore(%run_scoped3A_55 : memref<!tpu.dma_semaphore, #tpu.memory_space<semaphore_mem>>) src(%dma_wait3A_69 : memref<40x128xi32, #tpu.memory_space<hbm>>) dst(%arg8 : memref<40x128xi32, #tpu.memory_space<vmem>>)
      tpu.yield
    }) : () -> ()
    %scan3A = arith.constant 0 : i32
    %scan3A_7 = arith.constant 0 : i32
    %scan3A_8 = arith.constant 2 : i32
    %scan3A_9 = arith.addi %scan3A_7, %scan3A_8 : i32
    %scan3A_10 = arith.constant 1 : i32
    scf.for %scan3A_55 = %scan3A_7 to %scan3A_9 step %scan3A_10  : i32 {
      %dma_start3A = arith.constant 0 : i32
      %dma_start3A_56 = arith.constant 0 : i32
      %dma_start3A_57 = tpu.memref_slice %arg9[%scan3A_55, %dma_start3A, %dma_start3A_56] : memref<2x128x128xf32, #tpu.memory_space<vmem>> -> memref<1x128x128xf32, #tpu.memory_space<vmem>>
      %dma_start3A_58 = tpu.memref_squeeze %dma_start3A_57 : memref<1x128x128xf32, #tpu.memory_space<vmem>> -> memref<128x128xf32, #tpu.memory_space<vmem>>
      %dma_start3A_59 = arith.constant 0 : i32
      %dma_start3A_60 = tpu.memref_slice %arg7[%scan3A_55, %dma_start3A_59] : memref<40x128xi32, #tpu.memory_space<vmem>> -> memref<1x128xi32, #tpu.memory_space<vmem>>
      %dma_start3A_61 = tpu.memref_squeeze %dma_start3A_60 : memref<1x128xi32, #tpu.memory_space<vmem>> -> memref<128xi32, #tpu.memory_space<vmem>>
      %dma_start3A_62 = arith.constant 0 : i32
      %dma_start3A_63 = arith.constant 0 : i32
      %dma_start3A_64 = tpu.memref_slice %arg2[%dma_start3A_62, %dma_start3A_63] : memref<20000x128xf32, #tpu.memory_space<hbm>> -> memref<20000x128xf32, #tpu.memory_space<hbm>>
      %dma_start3A_65 = tpu.memref_slice %arg10[%scan3A_55] : memref<2x!tpu.dma_semaphore, #tpu.memory_space<semaphore_mem>> -> memref<1x!tpu.dma_semaphore, #tpu.memory_space<semaphore_mem>>
      %dma_start3A_66 = tpu.memref_squeeze %dma_start3A_65 : memref<1x!tpu.dma_semaphore, #tpu.memory_space<semaphore_mem>> -> memref<!tpu.dma_semaphore, #tpu.memory_space<semaphore_mem>>
      tpu.enqueue_indirect_dma source(%dma_start3A_64 : memref<20000x128xf32, #tpu.memory_space<hbm>>) target(%dma_start3A_58 : memref<128x128xf32, #tpu.memory_space<vmem>>) offsets(%dma_start3A_61 : memref<128xi32, #tpu.memory_space<vmem>>) semaphore(%dma_start3A_66 : memref<!tpu.dma_semaphore, #tpu.memory_space<semaphore_mem>>)
    }
    %scan3A_11 = arith.constant 2 : i32
    %scan3A_12 = arith.constant 0 : i32
    %scan3A_13 = arith.constant 0 : i32
    %scan3A_14 = arith.constant 38 : i32
    %scan3A_15 = arith.addi %scan3A_13, %scan3A_14 : i32
    %scan3A_16 = arith.constant 1 : i32
    scf.for %scan3A_55 = %scan3A_13 to %scan3A_15 step %scan3A_16  : i32 {
      %rem3A = arith.constant 2 : i32
      %rem3A_56 = arith.remsi %scan3A_55, %rem3A : i32
      %dma_wait3A = arith.constant 0 : i32
      %dma_wait3A_57 = arith.constant 0 : i32
      %dma_wait3A_58 = tpu.memref_slice %arg9[%rem3A_56, %dma_wait3A, %dma_wait3A_57] : memref<2x128x128xf32, #tpu.memory_space<vmem>> -> memref<1x128x128xf32, #tpu.memory_space<vmem>>
      %dma_wait3A_59 = tpu.memref_squeeze %dma_wait3A_58 : memref<1x128x128xf32, #tpu.memory_space<vmem>> -> memref<128x128xf32, #tpu.memory_space<vmem>>
      %dma_wait3A_60 = arith.constant 0 : i32
      %dma_wait3A_61 = arith.constant 0 : i32
      %dma_wait3A_62 = tpu.memref_slice %arg5[%dma_wait3A_60, %dma_wait3A_61] : memref<640x128xf32, #tpu.memory_space<hbm>> -> memref<128x128xf32, #tpu.memory_space<hbm>>
      %dma_wait3A_63 = tpu.memref_slice %arg10[%rem3A_56] : memref<2x!tpu.dma_semaphore, #tpu.memory_space<semaphore_mem>> -> memref<1x!tpu.dma_semaphore, #tpu.memory_space<semaphore_mem>>
      %dma_wait3A_64 = tpu.memref_squeeze %dma_wait3A_63 : memref<1x!tpu.dma_semaphore, #tpu.memory_space<semaphore_mem>> -> memref<!tpu.dma_semaphore, #tpu.memory_space<semaphore_mem>>
      %dma_wait3A_65 = arith.constant 0 : i32
      %dma_wait3A_66 = arith.constant 0 : i32
      %dma_wait3A_67 = tpu.memref_slice %arg9[%rem3A_56, %dma_wait3A_65, %dma_wait3A_66] : memref<2x128x128xf32, #tpu.memory_space<vmem>> -> memref<1x128x128xf32, #tpu.memory_space<vmem>>
      %dma_wait3A_68 = tpu.memref_squeeze %dma_wait3A_67 : memref<1x128x128xf32, #tpu.memory_space<vmem>> -> memref<128x128xf32, #tpu.memory_space<vmem>>
      %dma_wait3A_69 = arith.constant 0 : i32
      %dma_wait3A_70 = arith.constant 0 : i32
      %dma_wait3A_71 = tpu.memref_slice %arg5[%dma_wait3A_69, %dma_wait3A_70] : memref<640x128xf32, #tpu.memory_space<hbm>> -> memref<128x128xf32, #tpu.memory_space<hbm>>
      tpu.wait_dma2 semaphore(%dma_wait3A_64 : memref<!tpu.dma_semaphore, #tpu.memory_space<semaphore_mem>>) src(%dma_wait3A_71 : memref<128x128xf32, #tpu.memory_space<hbm>>) dst(%dma_wait3A_68 : memref<128x128xf32, #tpu.memory_space<vmem>>)
      "tpu.region"() ({
        %run_scoped3A_84 = tpu.sem_alloc : memref<!tpu.dma_semaphore, #tpu.memory_space<semaphore_mem>>
        %dma_start3A_85 = arith.constant 0 : i32
        %dma_start3A_86 = arith.constant 0 : i32
        %dma_start3A_87 = tpu.memref_slice %arg9[%rem3A_56, %dma_start3A_85, %dma_start3A_86] : memref<2x128x128xf32, #tpu.memory_space<vmem>> -> memref<1x128x128xf32, #tpu.memory_space<vmem>>
        %dma_start3A_88 = tpu.memref_squeeze %dma_start3A_87 : memref<1x128x128xf32, #tpu.memory_space<vmem>> -> memref<128x128xf32, #tpu.memory_space<vmem>>
        %dma_start3A_89 = arith.constant 0 : i32
        %dma_start3A_90 = tpu.memref_slice %arg8[%scan3A_55, %dma_start3A_89] : memref<40x128xi32, #tpu.memory_space<vmem>> -> memref<1x128xi32, #tpu.memory_space<vmem>>
        %dma_start3A_91 = tpu.memref_squeeze %dma_start3A_90 : memref<1x128xi32, #tpu.memory_space<vmem>> -> memref<128xi32, #tpu.memory_space<vmem>>
        %dma_start3A_92 = arith.constant 0 : i32
        %dma_start3A_93 = arith.constant 0 : i32
        %dma_start3A_94 = tpu.memref_slice %arg11[%dma_start3A_92, %dma_start3A_93] : memref<10008x128xf32, #tpu.memory_space<vmem_shared>> -> memref<10008x128xf32, #tpu.memory_space<vmem_shared>>
        tpu.enqueue_indirect_dma source(%dma_start3A_88 : memref<128x128xf32, #tpu.memory_space<vmem>>) target(%dma_start3A_94 : memref<10008x128xf32, #tpu.memory_space<vmem_shared>>) offsets(%dma_start3A_91 : memref<128xi32, #tpu.memory_space<vmem>>) semaphore(%run_scoped3A_84 : memref<!tpu.dma_semaphore, #tpu.memory_space<semaphore_mem>>) {add = true}
        %dma_wait3A_95 = arith.constant 0 : i32
        %dma_wait3A_96 = arith.constant 0 : i32
        %dma_wait3A_97 = tpu.memref_slice %arg9[%rem3A_56, %dma_wait3A_95, %dma_wait3A_96] : memref<2x128x128xf32, #tpu.memory_space<vmem>> -> memref<1x128x128xf32, #tpu.memory_space<vmem>>
        %dma_wait3A_98 = tpu.memref_squeeze %dma_wait3A_97 : memref<1x128x128xf32, #tpu.memory_space<vmem>> -> memref<128x128xf32, #tpu.memory_space<vmem>>
        %dma_wait3A_99 = arith.constant 0 : i32
        %dma_wait3A_100 = tpu.memref_slice %arg8[%scan3A_55, %dma_wait3A_99] : memref<40x128xi32, #tpu.memory_space<vmem>> -> memref<1x128xi32, #tpu.memory_space<vmem>>
        %dma_wait3A_101 = tpu.memref_squeeze %dma_wait3A_100 : memref<1x128xi32, #tpu.memory_space<vmem>> -> memref<128xi32, #tpu.memory_space<vmem>>
        %dma_wait3A_102 = arith.constant 0 : i32
        %dma_wait3A_103 = arith.constant 0 : i32
        %dma_wait3A_104 = tpu.memref_slice %arg11[%dma_wait3A_102, %dma_wait3A_103] : memref<10008x128xf32, #tpu.memory_space<vmem_shared>> -> memref<10008x128xf32, #tpu.memory_space<vmem_shared>>
        tpu.wait_indirect_dma semaphore(%run_scoped3A_84 : memref<!tpu.dma_semaphore, #tpu.memory_space<semaphore_mem>>) src(%dma_wait3A_98 : memref<128x128xf32, #tpu.memory_space<vmem>>) dst(%dma_wait3A_104 : memref<10008x128xf32, #tpu.memory_space<vmem_shared>>)
        tpu.yield
      }) : () -> ()
      %add3A = arith.constant 2 : i32
      %add3A_72 = arith.addi %scan3A_55, %add3A : i32
      %dma_start3A = arith.constant 0 : i32
      %dma_start3A_73 = arith.constant 0 : i32
      %dma_start3A_74 = tpu.memref_slice %arg9[%rem3A_56, %dma_start3A, %dma_start3A_73] : memref<2x128x128xf32, #tpu.memory_space<vmem>> -> memref<1x128x128xf32, #tpu.memory_space<vmem>>
      %dma_start3A_75 = tpu.memref_squeeze %dma_start3A_74 : memref<1x128x128xf32, #tpu.memory_space<vmem>> -> memref<128x128xf32, #tpu.memory_space<vmem>>
      %dma_start3A_76 = arith.constant 0 : i32
      %dma_start3A_77 = tpu.memref_slice %arg7[%add3A_72, %dma_start3A_76] : memref<40x128xi32, #tpu.memory_space<vmem>> -> memref<1x128xi32, #tpu.memory_space<vmem>>
      %dma_start3A_78 = tpu.memref_squeeze %dma_start3A_77 : memref<1x128xi32, #tpu.memory_space<vmem>> -> memref<128xi32, #tpu.memory_space<vmem>>
      %dma_start3A_79 = arith.constant 0 : i32
      %dma_start3A_80 = arith.constant 0 : i32
      %dma_start3A_81 = tpu.memref_slice %arg2[%dma_start3A_79, %dma_start3A_80] : memref<20000x128xf32, #tpu.memory_space<hbm>> -> memref<20000x128xf32, #tpu.memory_space<hbm>>
      %dma_start3A_82 = tpu.memref_slice %arg10[%rem3A_56] : memref<2x!tpu.dma_semaphore, #tpu.memory_space<semaphore_mem>> -> memref<1x!tpu.dma_semaphore, #tpu.memory_space<semaphore_mem>>
      %dma_start3A_83 = tpu.memref_squeeze %dma_start3A_82 : memref<1x!tpu.dma_semaphore, #tpu.memory_space<semaphore_mem>> -> memref<!tpu.dma_semaphore, #tpu.memory_space<semaphore_mem>>
      tpu.enqueue_indirect_dma source(%dma_start3A_81 : memref<20000x128xf32, #tpu.memory_space<hbm>>) target(%dma_start3A_75 : memref<128x128xf32, #tpu.memory_space<vmem>>) offsets(%dma_start3A_78 : memref<128xi32, #tpu.memory_space<vmem>>) semaphore(%dma_start3A_83 : memref<!tpu.dma_semaphore, #tpu.memory_space<semaphore_mem>>)
    }
    %scan3A_17 = arith.constant 38 : i32
    %scan3A_18 = arith.constant 0 : i32
    %scan3A_19 = arith.constant 38 : i32
    %scan3A_20 = arith.constant 2 : i32
    %scan3A_21 = arith.addi %scan3A_19, %scan3A_20 : i32
    %scan3A_22 = arith.constant 1 : i32
    scf.for %scan3A_55 = %scan3A_19 to %scan3A_21 step %scan3A_22  : i32 {
      %rem3A = arith.constant 2 : i32
      %rem3A_56 = arith.remsi %scan3A_55, %rem3A : i32
      %dma_wait3A = arith.constant 0 : i32
      %dma_wait3A_57 = arith.constant 0 : i32
      %dma_wait3A_58 = tpu.memref_slice %arg9[%rem3A_56, %dma_wait3A, %dma_wait3A_57] : memref<2x128x128xf32, #tpu.memory_space<vmem>> -> memref<1x128x128xf32, #tpu.memory_space<vmem>>
      %dma_wait3A_59 = tpu.memref_squeeze %dma_wait3A_58 : memref<1x128x128xf32, #tpu.memory_space<vmem>> -> memref<128x128xf32, #tpu.memory_space<vmem>>
      %dma_wait3A_60 = arith.constant 0 : i32
      %dma_wait3A_61 = arith.constant 0 : i32
      %dma_wait3A_62 = tpu.memref_slice %arg5[%dma_wait3A_60, %dma_wait3A_61] : memref<640x128xf32, #tpu.memory_space<hbm>> -> memref<128x128xf32, #tpu.memory_space<hbm>>
      %dma_wait3A_63 = tpu.memref_slice %arg10[%rem3A_56] : memref<2x!tpu.dma_semaphore, #tpu.memory_space<semaphore_mem>> -> memref<1x!tpu.dma_semaphore, #tpu.memory_space<semaphore_mem>>
      %dma_wait3A_64 = tpu.memref_squeeze %dma_wait3A_63 : memref<1x!tpu.dma_semaphore, #tpu.memory_space<semaphore_mem>> -> memref<!tpu.dma_semaphore, #tpu.memory_space<semaphore_mem>>
      %dma_wait3A_65 = arith.constant 0 : i32
      %dma_wait3A_66 = arith.constant 0 : i32
      %dma_wait3A_67 = tpu.memref_slice %arg9[%rem3A_56, %dma_wait3A_65, %dma_wait3A_66] : memref<2x128x128xf32, #tpu.memory_space<vmem>> -> memref<1x128x128xf32, #tpu.memory_space<vmem>>
      %dma_wait3A_68 = tpu.memref_squeeze %dma_wait3A_67 : memref<1x128x128xf32, #tpu.memory_space<vmem>> -> memref<128x128xf32, #tpu.memory_space<vmem>>
      %dma_wait3A_69 = arith.constant 0 : i32
      %dma_wait3A_70 = arith.constant 0 : i32
      %dma_wait3A_71 = tpu.memref_slice %arg5[%dma_wait3A_69, %dma_wait3A_70] : memref<640x128xf32, #tpu.memory_space<hbm>> -> memref<128x128xf32, #tpu.memory_space<hbm>>
      tpu.wait_dma2 semaphore(%dma_wait3A_64 : memref<!tpu.dma_semaphore, #tpu.memory_space<semaphore_mem>>) src(%dma_wait3A_71 : memref<128x128xf32, #tpu.memory_space<hbm>>) dst(%dma_wait3A_68 : memref<128x128xf32, #tpu.memory_space<vmem>>)
      "tpu.region"() ({
        %run_scoped3A_72 = tpu.sem_alloc : memref<!tpu.dma_semaphore, #tpu.memory_space<semaphore_mem>>
        %dma_start3A = arith.constant 0 : i32
        %dma_start3A_73 = arith.constant 0 : i32
        %dma_start3A_74 = tpu.memref_slice %arg9[%rem3A_56, %dma_start3A, %dma_start3A_73] : memref<2x128x128xf32, #tpu.memory_space<vmem>> -> memref<1x128x128xf32, #tpu.memory_space<vmem>>
        %dma_start3A_75 = tpu.memref_squeeze %dma_start3A_74 : memref<1x128x128xf32, #tpu.memory_space<vmem>> -> memref<128x128xf32, #tpu.memory_space<vmem>>
        %dma_start3A_76 = arith.constant 0 : i32
        %dma_start3A_77 = tpu.memref_slice %arg8[%scan3A_55, %dma_start3A_76] : memref<40x128xi32, #tpu.memory_space<vmem>> -> memref<1x128xi32, #tpu.memory_space<vmem>>
        %dma_start3A_78 = tpu.memref_squeeze %dma_start3A_77 : memref<1x128xi32, #tpu.memory_space<vmem>> -> memref<128xi32, #tpu.memory_space<vmem>>
        %dma_start3A_79 = arith.constant 0 : i32
        %dma_start3A_80 = arith.constant 0 : i32
        %dma_start3A_81 = tpu.memref_slice %arg11[%dma_start3A_79, %dma_start3A_80] : memref<10008x128xf32, #tpu.memory_space<vmem_shared>> -> memref<10008x128xf32, #tpu.memory_space<vmem_shared>>
        tpu.enqueue_indirect_dma source(%dma_start3A_75 : memref<128x128xf32, #tpu.memory_space<vmem>>) target(%dma_start3A_81 : memref<10008x128xf32, #tpu.memory_space<vmem_shared>>) offsets(%dma_start3A_78 : memref<128xi32, #tpu.memory_space<vmem>>) semaphore(%run_scoped3A_72 : memref<!tpu.dma_semaphore, #tpu.memory_space<semaphore_mem>>) {add = true}
        %dma_wait3A_82 = arith.constant 0 : i32
        %dma_wait3A_83 = arith.constant 0 : i32
        %dma_wait3A_84 = tpu.memref_slice %arg9[%rem3A_56, %dma_wait3A_82, %dma_wait3A_83] : memref<2x128x128xf32, #tpu.memory_space<vmem>> -> memref<1x128x128xf32, #tpu.memory_space<vmem>>
        %dma_wait3A_85 = tpu.memref_squeeze %dma_wait3A_84 : memref<1x128x128xf32, #tpu.memory_space<vmem>> -> memref<128x128xf32, #tpu.memory_space<vmem>>
        %dma_wait3A_86 = arith.constant 0 : i32
        %dma_wait3A_87 = tpu.memref_slice %arg8[%scan3A_55, %dma_wait3A_86] : memref<40x128xi32, #tpu.memory_space<vmem>> -> memref<1x128xi32, #tpu.memory_space<vmem>>
        %dma_wait3A_88 = tpu.memref_squeeze %dma_wait3A_87 : memref<1x128xi32, #tpu.memory_space<vmem>> -> memref<128xi32, #tpu.memory_space<vmem>>
        %dma_wait3A_89 = arith.constant 0 : i32
        %dma_wait3A_90 = arith.constant 0 : i32
        %dma_wait3A_91 = tpu.memref_slice %arg11[%dma_wait3A_89, %dma_wait3A_90] : memref<10008x128xf32, #tpu.memory_space<vmem_shared>> -> memref<10008x128xf32, #tpu.memory_space<vmem_shared>>
        tpu.wait_indirect_dma semaphore(%run_scoped3A_72 : memref<!tpu.dma_semaphore, #tpu.memory_space<semaphore_mem>>) src(%dma_wait3A_85 : memref<128x128xf32, #tpu.memory_space<vmem>>) dst(%dma_wait3A_91 : memref<10008x128xf32, #tpu.memory_space<vmem_shared>>)
        tpu.yield
      }) : () -> ()
    }
    %scan3A_23 = arith.constant 2 : i32
    %run_scoped3A_24 = arith.constant 1 : i32
    "tpu.region"() ({
      %run_scoped3A_55 = tpu.sem_alloc : memref<!tpu.dma_semaphore, #tpu.memory_space<semaphore_mem>>
      %dma_start3A = arith.constant 0 : i32
      %dma_start3A_56 = arith.constant 0 : i32
      %dma_start3A_57 = tpu.memref_slice %arg3[%arg0, %arg1, %run_scoped3A_24, %dma_start3A, %dma_start3A_56] : memref<2x16x2x40x128xi32, #tpu.memory_space<hbm>> -> memref<1x1x1x40x128xi32, #tpu.memory_space<hbm>>
      %dma_start3A_58 = tpu.memref_squeeze %dma_start3A_57 : memref<1x1x1x40x128xi32, #tpu.memory_space<hbm>> -> memref<40x128xi32, #tpu.memory_space<hbm>>
      %dma_start3A_59 = arith.constant 0 : i32
      %dma_start3A_60 = arith.constant 0 : i32
      %dma_start3A_61 = tpu.memref_slice %arg3[%arg0, %arg1, %run_scoped3A_24, %dma_start3A_59, %dma_start3A_60] : memref<2x16x2x40x128xi32, #tpu.memory_space<hbm>> -> memref<1x1x1x40x128xi32, #tpu.memory_space<hbm>>
      %dma_start3A_62 = tpu.memref_squeeze %dma_start3A_61 : memref<1x1x1x40x128xi32, #tpu.memory_space<hbm>> -> memref<40x128xi32, #tpu.memory_space<hbm>>
      tpu.enqueue_dma source(%dma_start3A_62 : memref<40x128xi32, #tpu.memory_space<hbm>>) target(%arg7 : memref<40x128xi32, #tpu.memory_space<vmem>>) target_semaphore(%run_scoped3A_55 : memref<!tpu.dma_semaphore, #tpu.memory_space<semaphore_mem>>)
      %dma_wait3A = arith.constant 0 : i32
      %dma_wait3A_63 = arith.constant 0 : i32
      %dma_wait3A_64 = tpu.memref_slice %arg3[%arg0, %arg1, %run_scoped3A_24, %dma_wait3A, %dma_wait3A_63] : memref<2x16x2x40x128xi32, #tpu.memory_space<hbm>> -> memref<1x1x1x40x128xi32, #tpu.memory_space<hbm>>
      %dma_wait3A_65 = tpu.memref_squeeze %dma_wait3A_64 : memref<1x1x1x40x128xi32, #tpu.memory_space<hbm>> -> memref<40x128xi32, #tpu.memory_space<hbm>>
      %dma_wait3A_66 = arith.constant 0 : i32
      %dma_wait3A_67 = arith.constant 0 : i32
      %dma_wait3A_68 = tpu.memref_slice %arg3[%arg0, %arg1, %run_scoped3A_24, %dma_wait3A_66, %dma_wait3A_67] : memref<2x16x2x40x128xi32, #tpu.memory_space<hbm>> -> memref<1x1x1x40x128xi32, #tpu.memory_space<hbm>>
      %dma_wait3A_69 = tpu.memref_squeeze %dma_wait3A_68 : memref<1x1x1x40x128xi32, #tpu.memory_space<hbm>> -> memref<40x128xi32, #tpu.memory_space<hbm>>
      tpu.wait_dma2 semaphore(%run_scoped3A_55 : memref<!tpu.dma_semaphore, #tpu.memory_space<semaphore_mem>>) src(%dma_wait3A_69 : memref<40x128xi32, #tpu.memory_space<hbm>>) dst(%arg7 : memref<40x128xi32, #tpu.memory_space<vmem>>)
      tpu.yield
    }) : () -> ()
    %run_scoped3A_25 = arith.constant 1 : i32
    "tpu.region"() ({
      %run_scoped3A_55 = tpu.sem_alloc : memref<!tpu.dma_semaphore, #tpu.memory_space<semaphore_mem>>
      %dma_start3A = arith.constant 0 : i32
      %dma_start3A_56 = arith.constant 0 : i32
      %dma_start3A_57 = tpu.memref_slice %arg4[%arg1, %run_scoped3A_25, %dma_start3A, %dma_start3A_56] : memref<16x2x40x128xi32, #tpu.memory_space<hbm>> -> memref<1x1x40x128xi32, #tpu.memory_space<hbm>>
      %dma_start3A_58 = tpu.memref_squeeze %dma_start3A_57 : memref<1x1x40x128xi32, #tpu.memory_space<hbm>> -> memref<40x128xi32, #tpu.memory_space<hbm>>
      %dma_start3A_59 = arith.constant 0 : i32
      %dma_start3A_60 = arith.constant 0 : i32
      %dma_start3A_61 = tpu.memref_slice %arg4[%arg1, %run_scoped3A_25, %dma_start3A_59, %dma_start3A_60] : memref<16x2x40x128xi32, #tpu.memory_space<hbm>> -> memref<1x1x40x128xi32, #tpu.memory_space<hbm>>
      %dma_start3A_62 = tpu.memref_squeeze %dma_start3A_61 : memref<1x1x40x128xi32, #tpu.memory_space<hbm>> -> memref<40x128xi32, #tpu.memory_space<hbm>>
      tpu.enqueue_dma source(%dma_start3A_62 : memref<40x128xi32, #tpu.memory_space<hbm>>) target(%arg8 : memref<40x128xi32, #tpu.memory_space<vmem>>) target_semaphore(%run_scoped3A_55 : memref<!tpu.dma_semaphore, #tpu.memory_space<semaphore_mem>>)
      %dma_wait3A = arith.constant 0 : i32
      %dma_wait3A_63 = arith.constant 0 : i32
      %dma_wait3A_64 = tpu.memref_slice %arg4[%arg1, %run_scoped3A_25, %dma_wait3A, %dma_wait3A_63] : memref<16x2x40x128xi32, #tpu.memory_space<hbm>> -> memref<1x1x40x128xi32, #tpu.memory_space<hbm>>
      %dma_wait3A_65 = tpu.memref_squeeze %dma_wait3A_64 : memref<1x1x40x128xi32, #tpu.memory_space<hbm>> -> memref<40x128xi32, #tpu.memory_space<hbm>>
      %dma_wait3A_66 = arith.constant 0 : i32
      %dma_wait3A_67 = arith.constant 0 : i32
      %dma_wait3A_68 = tpu.memref_slice %arg4[%arg1, %run_scoped3A_25, %dma_wait3A_66, %dma_wait3A_67] : memref<16x2x40x128xi32, #tpu.memory_space<hbm>> -> memref<1x1x40x128xi32, #tpu.memory_space<hbm>>
      %dma_wait3A_69 = tpu.memref_squeeze %dma_wait3A_68 : memref<1x1x40x128xi32, #tpu.memory_space<hbm>> -> memref<40x128xi32, #tpu.memory_space<hbm>>
      tpu.wait_dma2 semaphore(%run_scoped3A_55 : memref<!tpu.dma_semaphore, #tpu.memory_space<semaphore_mem>>) src(%dma_wait3A_69 : memref<40x128xi32, #tpu.memory_space<hbm>>) dst(%arg8 : memref<40x128xi32, #tpu.memory_space<vmem>>)
      tpu.yield
    }) : () -> ()
    %scan3A_26 = arith.constant 0 : i32
    %scan3A_27 = arith.constant 0 : i32
    %scan3A_28 = arith.constant 2 : i32
    %scan3A_29 = arith.addi %scan3A_27, %scan3A_28 : i32
    %scan3A_30 = arith.constant 1 : i32
    scf.for %scan3A_55 = %scan3A_27 to %scan3A_29 step %scan3A_30  : i32 {
      %dma_start3A = arith.constant 0 : i32
      %dma_start3A_56 = arith.constant 0 : i32
      %dma_start3A_57 = tpu.memref_slice %arg9[%scan3A_55, %dma_start3A, %dma_start3A_56] : memref<2x128x128xf32, #tpu.memory_space<vmem>> -> memref<1x128x128xf32, #tpu.memory_space<vmem>>
      %dma_start3A_58 = tpu.memref_squeeze %dma_start3A_57 : memref<1x128x128xf32, #tpu.memory_space<vmem>> -> memref<128x128xf32, #tpu.memory_space<vmem>>
      %dma_start3A_59 = arith.constant 0 : i32
      %dma_start3A_60 = tpu.memref_slice %arg7[%scan3A_55, %dma_start3A_59] : memref<40x128xi32, #tpu.memory_space<vmem>> -> memref<1x128xi32, #tpu.memory_space<vmem>>
      %dma_start3A_61 = tpu.memref_squeeze %dma_start3A_60 : memref<1x128xi32, #tpu.memory_space<vmem>> -> memref<128xi32, #tpu.memory_space<vmem>>
      %dma_start3A_62 = arith.constant 0 : i32
      %dma_start3A_63 = arith.constant 0 : i32
      %dma_start3A_64 = tpu.memref_slice %arg2[%dma_start3A_62, %dma_start3A_63] : memref<20000x128xf32, #tpu.memory_space<hbm>> -> memref<20000x128xf32, #tpu.memory_space<hbm>>
      %dma_start3A_65 = tpu.memref_slice %arg10[%scan3A_55] : memref<2x!tpu.dma_semaphore, #tpu.memory_space<semaphore_mem>> -> memref<1x!tpu.dma_semaphore, #tpu.memory_space<semaphore_mem>>
      %dma_start3A_66 = tpu.memref_squeeze %dma_start3A_65 : memref<1x!tpu.dma_semaphore, #tpu.memory_space<semaphore_mem>> -> memref<!tpu.dma_semaphore, #tpu.memory_space<semaphore_mem>>
      tpu.enqueue_indirect_dma source(%dma_start3A_64 : memref<20000x128xf32, #tpu.memory_space<hbm>>) target(%dma_start3A_58 : memref<128x128xf32, #tpu.memory_space<vmem>>) offsets(%dma_start3A_61 : memref<128xi32, #tpu.memory_space<vmem>>) semaphore(%dma_start3A_66 : memref<!tpu.dma_semaphore, #tpu.memory_space<semaphore_mem>>)
    }
    %scan3A_31 = arith.constant 2 : i32
    %scan3A_32 = arith.constant 0 : i32
    %scan3A_33 = arith.constant 0 : i32
    %scan3A_34 = arith.constant 38 : i32
    %scan3A_35 = arith.addi %scan3A_33, %scan3A_34 : i32
    %scan3A_36 = arith.constant 1 : i32
    scf.for %scan3A_55 = %scan3A_33 to %scan3A_35 step %scan3A_36  : i32 {
      %rem3A = arith.constant 2 : i32
      %rem3A_56 = arith.remsi %scan3A_55, %rem3A : i32
      %dma_wait3A = arith.constant 0 : i32
      %dma_wait3A_57 = arith.constant 0 : i32
      %dma_wait3A_58 = tpu.memref_slice %arg9[%rem3A_56, %dma_wait3A, %dma_wait3A_57] : memref<2x128x128xf32, #tpu.memory_space<vmem>> -> memref<1x128x128xf32, #tpu.memory_space<vmem>>
      %dma_wait3A_59 = tpu.memref_squeeze %dma_wait3A_58 : memref<1x128x128xf32, #tpu.memory_space<vmem>> -> memref<128x128xf32, #tpu.memory_space<vmem>>
      %dma_wait3A_60 = arith.constant 0 : i32
      %dma_wait3A_61 = arith.constant 0 : i32
      %dma_wait3A_62 = tpu.memref_slice %arg5[%dma_wait3A_60, %dma_wait3A_61] : memref<640x128xf32, #tpu.memory_space<hbm>> -> memref<128x128xf32, #tpu.memory_space<hbm>>
      %dma_wait3A_63 = tpu.memref_slice %arg10[%rem3A_56] : memref<2x!tpu.dma_semaphore, #tpu.memory_space<semaphore_mem>> -> memref<1x!tpu.dma_semaphore, #tpu.memory_space<semaphore_mem>>
      %dma_wait3A_64 = tpu.memref_squeeze %dma_wait3A_63 : memref<1x!tpu.dma_semaphore, #tpu.memory_space<semaphore_mem>> -> memref<!tpu.dma_semaphore, #tpu.memory_space<semaphore_mem>>
      %dma_wait3A_65 = arith.constant 0 : i32
      %dma_wait3A_66 = arith.constant 0 : i32
      %dma_wait3A_67 = tpu.memref_slice %arg9[%rem3A_56, %dma_wait3A_65, %dma_wait3A_66] : memref<2x128x128xf32, #tpu.memory_space<vmem>> -> memref<1x128x128xf32, #tpu.memory_space<vmem>>
      %dma_wait3A_68 = tpu.memref_squeeze %dma_wait3A_67 : memref<1x128x128xf32, #tpu.memory_space<vmem>> -> memref<128x128xf32, #tpu.memory_space<vmem>>
      %dma_wait3A_69 = arith.constant 0 : i32
      %dma_wait3A_70 = arith.constant 0 : i32
      %dma_wait3A_71 = tpu.memref_slice %arg5[%dma_wait3A_69, %dma_wait3A_70] : memref<640x128xf32, #tpu.memory_space<hbm>> -> memref<128x128xf32, #tpu.memory_space<hbm>>
      tpu.wait_dma2 semaphore(%dma_wait3A_64 : memref<!tpu.dma_semaphore, #tpu.memory_space<semaphore_mem>>) src(%dma_wait3A_71 : memref<128x128xf32, #tpu.memory_space<hbm>>) dst(%dma_wait3A_68 : memref<128x128xf32, #tpu.memory_space<vmem>>)
      "tpu.region"() ({
        %run_scoped3A_84 = tpu.sem_alloc : memref<!tpu.dma_semaphore, #tpu.memory_space<semaphore_mem>>
        %dma_start3A_85 = arith.constant 0 : i32
        %dma_start3A_86 = arith.constant 0 : i32
        %dma_start3A_87 = tpu.memref_slice %arg9[%rem3A_56, %dma_start3A_85, %dma_start3A_86] : memref<2x128x128xf32, #tpu.memory_space<vmem>> -> memref<1x128x128xf32, #tpu.memory_space<vmem>>
        %dma_start3A_88 = tpu.memref_squeeze %dma_start3A_87 : memref<1x128x128xf32, #tpu.memory_space<vmem>> -> memref<128x128xf32, #tpu.memory_space<vmem>>
        %dma_start3A_89 = arith.constant 0 : i32
        %dma_start3A_90 = tpu.memref_slice %arg8[%scan3A_55, %dma_start3A_89] : memref<40x128xi32, #tpu.memory_space<vmem>> -> memref<1x128xi32, #tpu.memory_space<vmem>>
        %dma_start3A_91 = tpu.memref_squeeze %dma_start3A_90 : memref<1x128xi32, #tpu.memory_space<vmem>> -> memref<128xi32, #tpu.memory_space<vmem>>
        %dma_start3A_92 = arith.constant 0 : i32
        %dma_start3A_93 = arith.constant 0 : i32
        %dma_start3A_94 = tpu.memref_slice %arg11[%dma_start3A_92, %dma_start3A_93] : memref<10008x128xf32, #tpu.memory_space<vmem_shared>> -> memref<10008x128xf32, #tpu.memory_space<vmem_shared>>
        tpu.enqueue_indirect_dma source(%dma_start3A_88 : memref<128x128xf32, #tpu.memory_space<vmem>>) target(%dma_start3A_94 : memref<10008x128xf32, #tpu.memory_space<vmem_shared>>) offsets(%dma_start3A_91 : memref<128xi32, #tpu.memory_space<vmem>>) semaphore(%run_scoped3A_84 : memref<!tpu.dma_semaphore, #tpu.memory_space<semaphore_mem>>) {add = true}
        %dma_wait3A_95 = arith.constant 0 : i32
        %dma_wait3A_96 = arith.constant 0 : i32
        %dma_wait3A_97 = tpu.memref_slice %arg9[%rem3A_56, %dma_wait3A_95, %dma_wait3A_96] : memref<2x128x128xf32, #tpu.memory_space<vmem>> -> memref<1x128x128xf32, #tpu.memory_space<vmem>>
        %dma_wait3A_98 = tpu.memref_squeeze %dma_wait3A_97 : memref<1x128x128xf32, #tpu.memory_space<vmem>> -> memref<128x128xf32, #tpu.memory_space<vmem>>
        %dma_wait3A_99 = arith.constant 0 : i32
        %dma_wait3A_100 = tpu.memref_slice %arg8[%scan3A_55, %dma_wait3A_99] : memref<40x128xi32, #tpu.memory_space<vmem>> -> memref<1x128xi32, #tpu.memory_space<vmem>>
        %dma_wait3A_101 = tpu.memref_squeeze %dma_wait3A_100 : memref<1x128xi32, #tpu.memory_space<vmem>> -> memref<128xi32, #tpu.memory_space<vmem>>
        %dma_wait3A_102 = arith.constant 0 : i32
        %dma_wait3A_103 = arith.constant 0 : i32
        %dma_wait3A_104 = tpu.memref_slice %arg11[%dma_wait3A_102, %dma_wait3A_103] : memref<10008x128xf32, #tpu.memory_space<vmem_shared>> -> memref<10008x128xf32, #tpu.memory_space<vmem_shared>>
        tpu.wait_indirect_dma semaphore(%run_scoped3A_84 : memref<!tpu.dma_semaphore, #tpu.memory_space<semaphore_mem>>) src(%dma_wait3A_98 : memref<128x128xf32, #tpu.memory_space<vmem>>) dst(%dma_wait3A_104 : memref<10008x128xf32, #tpu.memory_space<vmem_shared>>)
        tpu.yield
      }) : () -> ()
      %add3A = arith.constant 2 : i32
      %add3A_72 = arith.addi %scan3A_55, %add3A : i32
      %dma_start3A = arith.constant 0 : i32
      %dma_start3A_73 = arith.constant 0 : i32
      %dma_start3A_74 = tpu.memref_slice %arg9[%rem3A_56, %dma_start3A, %dma_start3A_73] : memref<2x128x128xf32, #tpu.memory_space<vmem>> -> memref<1x128x128xf32, #tpu.memory_space<vmem>>
      %dma_start3A_75 = tpu.memref_squeeze %dma_start3A_74 : memref<1x128x128xf32, #tpu.memory_space<vmem>> -> memref<128x128xf32, #tpu.memory_space<vmem>>
      %dma_start3A_76 = arith.constant 0 : i32
      %dma_start3A_77 = tpu.memref_slice %arg7[%add3A_72, %dma_start3A_76] : memref<40x128xi32, #tpu.memory_space<vmem>> -> memref<1x128xi32, #tpu.memory_space<vmem>>
      %dma_start3A_78 = tpu.memref_squeeze %dma_start3A_77 : memref<1x128xi32, #tpu.memory_space<vmem>> -> memref<128xi32, #tpu.memory_space<vmem>>
      %dma_start3A_79 = arith.constant 0 : i32
      %dma_start3A_80 = arith.constant 0 : i32
      %dma_start3A_81 = tpu.memref_slice %arg2[%dma_start3A_79, %dma_start3A_80] : memref<20000x128xf32, #tpu.memory_space<hbm>> -> memref<20000x128xf32, #tpu.memory_space<hbm>>
      %dma_start3A_82 = tpu.memref_slice %arg10[%rem3A_56] : memref<2x!tpu.dma_semaphore, #tpu.memory_space<semaphore_mem>> -> memref<1x!tpu.dma_semaphore, #tpu.memory_space<semaphore_mem>>
      %dma_start3A_83 = tpu.memref_squeeze %dma_start3A_82 : memref<1x!tpu.dma_semaphore, #tpu.memory_space<semaphore_mem>> -> memref<!tpu.dma_semaphore, #tpu.memory_space<semaphore_mem>>
      tpu.enqueue_indirect_dma source(%dma_start3A_81 : memref<20000x128xf32, #tpu.memory_space<hbm>>) target(%dma_start3A_75 : memref<128x128xf32, #tpu.memory_space<vmem>>) offsets(%dma_start3A_78 : memref<128xi32, #tpu.memory_space<vmem>>) semaphore(%dma_start3A_83 : memref<!tpu.dma_semaphore, #tpu.memory_space<semaphore_mem>>)
    }
    %scan3A_37 = arith.constant 38 : i32
    %scan3A_38 = arith.constant 0 : i32
    %scan3A_39 = arith.constant 38 : i32
    %scan3A_40 = arith.constant 2 : i32
    %scan3A_41 = arith.addi %scan3A_39, %scan3A_40 : i32
    %scan3A_42 = arith.constant 1 : i32
    scf.for %scan3A_55 = %scan3A_39 to %scan3A_41 step %scan3A_42  : i32 {
      %rem3A = arith.constant 2 : i32
      %rem3A_56 = arith.remsi %scan3A_55, %rem3A : i32
      %dma_wait3A = arith.constant 0 : i32
      %dma_wait3A_57 = arith.constant 0 : i32
      %dma_wait3A_58 = tpu.memref_slice %arg9[%rem3A_56, %dma_wait3A, %dma_wait3A_57] : memref<2x128x128xf32, #tpu.memory_space<vmem>> -> memref<1x128x128xf32, #tpu.memory_space<vmem>>
      %dma_wait3A_59 = tpu.memref_squeeze %dma_wait3A_58 : memref<1x128x128xf32, #tpu.memory_space<vmem>> -> memref<128x128xf32, #tpu.memory_space<vmem>>
      %dma_wait3A_60 = arith.constant 0 : i32
      %dma_wait3A_61 = arith.constant 0 : i32
      %dma_wait3A_62 = tpu.memref_slice %arg5[%dma_wait3A_60, %dma_wait3A_61] : memref<640x128xf32, #tpu.memory_space<hbm>> -> memref<128x128xf32, #tpu.memory_space<hbm>>
      %dma_wait3A_63 = tpu.memref_slice %arg10[%rem3A_56] : memref<2x!tpu.dma_semaphore, #tpu.memory_space<semaphore_mem>> -> memref<1x!tpu.dma_semaphore, #tpu.memory_space<semaphore_mem>>
      %dma_wait3A_64 = tpu.memref_squeeze %dma_wait3A_63 : memref<1x!tpu.dma_semaphore, #tpu.memory_space<semaphore_mem>> -> memref<!tpu.dma_semaphore, #tpu.memory_space<semaphore_mem>>
      %dma_wait3A_65 = arith.constant 0 : i32
      %dma_wait3A_66 = arith.constant 0 : i32
      %dma_wait3A_67 = tpu.memref_slice %arg9[%rem3A_56, %dma_wait3A_65, %dma_wait3A_66] : memref<2x128x128xf32, #tpu.memory_space<vmem>> -> memref<1x128x128xf32, #tpu.memory_space<vmem>>
      %dma_wait3A_68 = tpu.memref_squeeze %dma_wait3A_67 : memref<1x128x128xf32, #tpu.memory_space<vmem>> -> memref<128x128xf32, #tpu.memory_space<vmem>>
      %dma_wait3A_69 = arith.constant 0 : i32
      %dma_wait3A_70 = arith.constant 0 : i32
      %dma_wait3A_71 = tpu.memref_slice %arg5[%dma_wait3A_69, %dma_wait3A_70] : memref<640x128xf32, #tpu.memory_space<hbm>> -> memref<128x128xf32, #tpu.memory_space<hbm>>
      tpu.wait_dma2 semaphore(%dma_wait3A_64 : memref<!tpu.dma_semaphore, #tpu.memory_space<semaphore_mem>>) src(%dma_wait3A_71 : memref<128x128xf32, #tpu.memory_space<hbm>>) dst(%dma_wait3A_68 : memref<128x128xf32, #tpu.memory_space<vmem>>)
      "tpu.region"() ({
        %run_scoped3A_72 = tpu.sem_alloc : memref<!tpu.dma_semaphore, #tpu.memory_space<semaphore_mem>>
        %dma_start3A = arith.constant 0 : i32
        %dma_start3A_73 = arith.constant 0 : i32
        %dma_start3A_74 = tpu.memref_slice %arg9[%rem3A_56, %dma_start3A, %dma_start3A_73] : memref<2x128x128xf32, #tpu.memory_space<vmem>> -> memref<1x128x128xf32, #tpu.memory_space<vmem>>
        %dma_start3A_75 = tpu.memref_squeeze %dma_start3A_74 : memref<1x128x128xf32, #tpu.memory_space<vmem>> -> memref<128x128xf32, #tpu.memory_space<vmem>>
        %dma_start3A_76 = arith.constant 0 : i32
        %dma_start3A_77 = tpu.memref_slice %arg8[%scan3A_55, %dma_start3A_76] : memref<40x128xi32, #tpu.memory_space<vmem>> -> memref<1x128xi32, #tpu.memory_space<vmem>>
        %dma_start3A_78 = tpu.memref_squeeze %dma_start3A_77 : memref<1x128xi32, #tpu.memory_space<vmem>> -> memref<128xi32, #tpu.memory_space<vmem>>
        %dma_start3A_79 = arith.constant 0 : i32
        %dma_start3A_80 = arith.constant 0 : i32
        %dma_start3A_81 = tpu.memref_slice %arg11[%dma_start3A_79, %dma_start3A_80] : memref<10008x128xf32, #tpu.memory_space<vmem_shared>> -> memref<10008x128xf32, #tpu.memory_space<vmem_shared>>
        tpu.enqueue_indirect_dma source(%dma_start3A_75 : memref<128x128xf32, #tpu.memory_space<vmem>>) target(%dma_start3A_81 : memref<10008x128xf32, #tpu.memory_space<vmem_shared>>) offsets(%dma_start3A_78 : memref<128xi32, #tpu.memory_space<vmem>>) semaphore(%run_scoped3A_72 : memref<!tpu.dma_semaphore, #tpu.memory_space<semaphore_mem>>) {add = true}
        %dma_wait3A_82 = arith.constant 0 : i32
        %dma_wait3A_83 = arith.constant 0 : i32
        %dma_wait3A_84 = tpu.memref_slice %arg9[%rem3A_56, %dma_wait3A_82, %dma_wait3A_83] : memref<2x128x128xf32, #tpu.memory_space<vmem>> -> memref<1x128x128xf32, #tpu.memory_space<vmem>>
        %dma_wait3A_85 = tpu.memref_squeeze %dma_wait3A_84 : memref<1x128x128xf32, #tpu.memory_space<vmem>> -> memref<128x128xf32, #tpu.memory_space<vmem>>
        %dma_wait3A_86 = arith.constant 0 : i32
        %dma_wait3A_87 = tpu.memref_slice %arg8[%scan3A_55, %dma_wait3A_86] : memref<40x128xi32, #tpu.memory_space<vmem>> -> memref<1x128xi32, #tpu.memory_space<vmem>>
        %dma_wait3A_88 = tpu.memref_squeeze %dma_wait3A_87 : memref<1x128xi32, #tpu.memory_space<vmem>> -> memref<128xi32, #tpu.memory_space<vmem>>
        %dma_wait3A_89 = arith.constant 0 : i32
        %dma_wait3A_90 = arith.constant 0 : i32
        %dma_wait3A_91 = tpu.memref_slice %arg11[%dma_wait3A_89, %dma_wait3A_90] : memref<10008x128xf32, #tpu.memory_space<vmem_shared>> -> memref<10008x128xf32, #tpu.memory_space<vmem_shared>>
        tpu.wait_indirect_dma semaphore(%run_scoped3A_72 : memref<!tpu.dma_semaphore, #tpu.memory_space<semaphore_mem>>) src(%dma_wait3A_85 : memref<128x128xf32, #tpu.memory_space<vmem>>) dst(%dma_wait3A_91 : memref<10008x128xf32, #tpu.memory_space<vmem_shared>>)
        tpu.yield
      }) : () -> ()
    }
    %scan3A_43 = arith.constant 2 : i32
    %barrier3A_44 = arith.constant 0 : index
    tpu.barrier barrier_id(%barrier3A_44)
    %lt3A_45 = arith.constant 15 : i32
    %lt3A_46 = arith.cmpi slt, %arg1, %lt3A_45 : i32
    %convert_element_type3A_47 = arith.extui %lt3A_46 : i1 to i32
    %cond3A_48 = arith.constant 0 : i32
    %cond3A_49 = arith.cmpi ne, %convert_element_type3A_47, %cond3A_48 : i32
    scf.if %cond3A_49 {
      %mul3A = arith.constant 624 : i32
      %mul3A_55 = arith.muli %arg1, %mul3A : i32
      %mul3A_56 = arith.constant 10000 : i32
      %mul3A_57 = arith.muli %arg0, %mul3A_56 : i32
      %mul3A_58 = arith.constant 624 : i32
      %mul3A_59 = arith.muli %arg1, %mul3A_58 : i32
      %add3A = arith.addi %mul3A_57, %mul3A_59 : i32
      "tpu.region"() ({
        %run_scoped3A_60 = tpu.sem_alloc : memref<!tpu.dma_semaphore, #tpu.memory_space<semaphore_mem>>
        %dma_start3A = arith.constant 0 : i32
        %dma_start3A_61 = tpu.memref_slice %arg6[%add3A, %dma_start3A] : memref<20000x128xf32, #tpu.memory_space<hbm>> -> memref<624x128xf32, #tpu.memory_space<hbm>>
        %dma_start3A_62 = arith.constant 0 : i32
        %dma_start3A_63 = tpu.memref_slice %arg11[%mul3A_55, %dma_start3A_62] : memref<10008x128xf32, #tpu.memory_space<vmem_shared>> -> memref<624x128xf32, #tpu.memory_space<vmem_shared>>
        tpu.enqueue_dma source(%dma_start3A_63 : memref<624x128xf32, #tpu.memory_space<vmem_shared>>) target(%dma_start3A_61 : memref<624x128xf32, #tpu.memory_space<hbm>>) target_semaphore(%run_scoped3A_60 : memref<!tpu.dma_semaphore, #tpu.memory_space<semaphore_mem>>)
        %dma_wait3A = arith.constant 0 : i32
        %dma_wait3A_64 = tpu.memref_slice %arg6[%add3A, %dma_wait3A] : memref<20000x128xf32, #tpu.memory_space<hbm>> -> memref<624x128xf32, #tpu.memory_space<hbm>>
        %dma_wait3A_65 = arith.constant 0 : i32
        %dma_wait3A_66 = tpu.memref_slice %arg11[%mul3A_55, %dma_wait3A_65] : memref<10008x128xf32, #tpu.memory_space<vmem_shared>> -> memref<624x128xf32, #tpu.memory_space<vmem_shared>>
        tpu.wait_dma2 semaphore(%run_scoped3A_60 : memref<!tpu.dma_semaphore, #tpu.memory_space<semaphore_mem>>) src(%dma_wait3A_66 : memref<624x128xf32, #tpu.memory_space<vmem_shared>>) dst(%dma_wait3A_64 : memref<624x128xf32, #tpu.memory_space<hbm>>)
        tpu.yield
      }) : () -> ()
    } else {
    }
    %eq3A_50 = arith.constant 15 : i32
    %eq3A_51 = arith.cmpi eq, %arg1, %eq3A_50 : i32
    %convert_element_type3A_52 = arith.extui %eq3A_51 : i1 to i32
    %cond3A_53 = arith.constant 0 : i32
    %cond3A_54 = arith.cmpi ne, %convert_element_type3A_52, %cond3A_53 : i32
    scf.if %cond3A_54 {
      %mul3A = arith.constant 10000 : i32
      %mul3A_55 = arith.muli %arg0, %mul3A : i32
      %add3A = arith.constant 9360 : i32
      %add3A_56 = arith.addi %mul3A_55, %add3A : i32
      "tpu.region"() ({
        %run_scoped3A_57 = tpu.sem_alloc : memref<!tpu.dma_semaphore, #tpu.memory_space<semaphore_mem>>
        %dma_start3A = arith.constant 0 : i32
        %dma_start3A_58 = tpu.memref_slice %arg6[%add3A_56, %dma_start3A] : memref<20000x128xf32, #tpu.memory_space<hbm>> -> memref<640x128xf32, #tpu.memory_space<hbm>>
        %dma_start3A_59 = arith.constant 9360 : i32
        %dma_start3A_60 = arith.constant 0 : i32
        %dma_start3A_61 = tpu.memref_slice %arg11[%dma_start3A_59, %dma_start3A_60] : memref<10008x128xf32, #tpu.memory_space<vmem_shared>> -> memref<640x128xf32, #tpu.memory_space<vmem_shared>>
        tpu.enqueue_dma source(%dma_start3A_61 : memref<640x128xf32, #tpu.memory_space<vmem_shared>>) target(%dma_start3A_58 : memref<640x128xf32, #tpu.memory_space<hbm>>) target_semaphore(%run_scoped3A_57 : memref<!tpu.dma_semaphore, #tpu.memory_space<semaphore_mem>>)
        %dma_wait3A = arith.constant 0 : i32
        %dma_wait3A_62 = tpu.memref_slice %arg6[%add3A_56, %dma_wait3A] : memref<20000x128xf32, #tpu.memory_space<hbm>> -> memref<640x128xf32, #tpu.memory_space<hbm>>
        %dma_wait3A_63 = arith.constant 9360 : i32
        %dma_wait3A_64 = arith.constant 0 : i32
        %dma_wait3A_65 = tpu.memref_slice %arg11[%dma_wait3A_63, %dma_wait3A_64] : memref<10008x128xf32, #tpu.memory_space<vmem_shared>> -> memref<640x128xf32, #tpu.memory_space<vmem_shared>>
        tpu.wait_dma2 semaphore(%run_scoped3A_57 : memref<!tpu.dma_semaphore, #tpu.memory_space<semaphore_mem>>) src(%dma_wait3A_65 : memref<640x128xf32, #tpu.memory_space<vmem_shared>>) dst(%dma_wait3A_62 : memref<640x128xf32, #tpu.memory_space<hbm>>)
        tpu.yield
      }) : () -> ()
    } else {
    }
    return
  }
}

#map = affine_map<(d0, d1) -> (0, 0)>
#map1 = affine_map<(d0, d1) -> (0, 0, 0, 0, 0)>
#map2 = affine_map<(d0, d1) -> (0, 0, 0, 0)>
module attributes {stable_mosaic.version = 14 : i64} {
  func.func @_agg_kernel(%arg0: i32, %arg1: i32, %arg2: memref<20000x128xf32, #tpu.memory_space<hbm>>, %arg3: memref<2x16x2x40x128xi32, #tpu.memory_space<hbm>>, %arg4: memref<16x2x40x128xi32, #tpu.memory_space<hbm>>, %arg5: memref<640x128xf32, #tpu.memory_space<hbm>>, %arg6: memref<20000x128xf32, #tpu.memory_space<hbm>>, %arg7: memref<40x128xi32, #tpu.memory_space<vmem>>, %arg8: memref<40x128xi32, #tpu.memory_space<vmem>>, %arg9: memref<2x128x128xf32, #tpu.memory_space<vmem>>, %arg10: memref<2x!tpu.dma_semaphore, #tpu.memory_space<semaphore_mem>>, %arg11: memref<10008x128xf32, #tpu.memory_space<vmem_shared>>) attributes {dimension_semantics = [#tpu.dimension_semantics<core_parallel>, #tpu.dimension_semantics<subcore_parallel>], iteration_bounds = array<i64: 2, 16>, scalar_prefetch = 0 : i64, scratch_operands = 5 : i64, tpu.core_type = #tpu.core_type<sc_vector_subcore>, window_params = [{transform_indices = #map}, {transform_indices = #map1}, {transform_indices = #map2}, {transform_indices = #map}, {transform_indices = #map}]} {
    %lt3A = arith.constant 15 : i32
    %lt3A_0 = arith.cmpi slt, %arg1, %lt3A : i32
    %convert_element_type3A = arith.extui %lt3A_0 : i1 to i32
    %cond3A = arith.constant 0 : i32
    %cond3A_1 = arith.cmpi ne, %convert_element_type3A, %cond3A : i32
    scf.if %cond3A_1 {
      %mul3A = arith.constant 624 : i32
      %mul3A_55 = arith.muli %arg1, %mul3A : i32
      "tpu.region"() ({
        %run_scoped3A_56 = tpu.sem_alloc : memref<!tpu.dma_semaphore, #tpu.memory_space<semaphore_mem>>
        %dma_start3A = arith.constant 0 : i32
        %dma_start3A_57 = tpu.memref_slice %arg11[%mul3A_55, %dma_start3A] : memref<10008x128xf32, #tpu.memory_space<vmem_shared>> -> memref<624x128xf32, #tpu.memory_space<vmem_shared>>
        %dma_start3A_58 = arith.constant 0 : i32
        %dma_start3A_59 = arith.constant 0 : i32
        %dma_start3A_60 = tpu.memref_slice %arg5[%dma_start3A_58, %dma_start3A_59] : memref<640x128xf32, #tpu.memory_space<hbm>> -> memref<624x128xf32, #tpu.memory_space<hbm>>
        tpu.enqueue_dma source(%dma_start3A_60 : memref<624x128xf32, #tpu.memory_space<hbm>>) target(%dma_start3A_57 : memref<624x128xf32, #tpu.memory_space<vmem_shared>>) target_semaphore(%run_scoped3A_56 : memref<!tpu.dma_semaphore, #tpu.memory_space<semaphore_mem>>)
        %dma_wait3A = arith.constant 0 : i32
        %dma_wait3A_61 = tpu.memref_slice %arg11[%mul3A_55, %dma_wait3A] : memref<10008x128xf32, #tpu.memory_space<vmem_shared>> -> memref<624x128xf32, #tpu.memory_space<vmem_shared>>
        %dma_wait3A_62 = arith.constant 0 : i32
        %dma_wait3A_63 = arith.constant 0 : i32
        %dma_wait3A_64 = tpu.memref_slice %arg5[%dma_wait3A_62, %dma_wait3A_63] : memref<640x128xf32, #tpu.memory_space<hbm>> -> memref<624x128xf32, #tpu.memory_space<hbm>>
        tpu.wait_dma2 semaphore(%run_scoped3A_56 : memref<!tpu.dma_semaphore, #tpu.memory_space<semaphore_mem>>) src(%dma_wait3A_64 : memref<624x128xf32, #tpu.memory_space<hbm>>) dst(%dma_wait3A_61 : memref<624x128xf32, #tpu.memory_space<vmem_shared>>)
        tpu.yield
      }) : () -> ()
    } else {
    }
    %eq3A = arith.constant 15 : i32
    %eq3A_2 = arith.cmpi eq, %arg1, %eq3A : i32
    %convert_element_type3A_3 = arith.extui %eq3A_2 : i1 to i32
    %cond3A_4 = arith.constant 0 : i32
    %cond3A_5 = arith.cmpi ne, %convert_element_type3A_3, %cond3A_4 : i32
    scf.if %cond3A_5 {
      "tpu.region"() ({
        %run_scoped3A_55 = tpu.sem_alloc : memref<!tpu.dma_semaphore, #tpu.memory_space<semaphore_mem>>
        %dma_start3A = arith.constant 9360 : i32
        %dma_start3A_56 = arith.constant 0 : i32
        %dma_start3A_57 = tpu.memref_slice %arg11[%dma_start3A, %dma_start3A_56] : memref<10008x128xf32, #tpu.memory_space<vmem_shared>> -> memref<640x128xf32, #tpu.memory_space<vmem_shared>>
        tpu.enqueue_dma source(%arg5 : memref<640x128xf32, #tpu.memory_space<hbm>>) target(%dma_start3A_57 : memref<640x128xf32, #tpu.memory_space<vmem_shared>>) target_semaphore(%run_scoped3A_55 : memref<!tpu.dma_semaphore, #tpu.memory_space<semaphore_mem>>)
        %dma_wait3A = arith.constant 9360 : i32
        %dma_wait3A_58 = arith.constant 0 : i32
        %dma_wait3A_59 = tpu.memref_slice %arg11[%dma_wait3A, %dma_wait3A_58] : memref<10008x128xf32, #tpu.memory_space<vmem_shared>> -> memref<640x128xf32, #tpu.memory_space<vmem_shared>>
        tpu.wait_dma2 semaphore(%run_scoped3A_55 : memref<!tpu.dma_semaphore, #tpu.memory_space<semaphore_mem>>) src(%arg5 : memref<640x128xf32, #tpu.memory_space<hbm>>) dst(%dma_wait3A_59 : memref<640x128xf32, #tpu.memory_space<vmem_shared>>)
        tpu.yield
      }) : () -> ()
    } else {
    }
    %barrier3A = arith.constant 0 : index
    tpu.barrier barrier_id(%barrier3A)
    %run_scoped3A = arith.constant 0 : i32
    "tpu.region"() ({
      %run_scoped3A_55 = tpu.sem_alloc : memref<!tpu.dma_semaphore, #tpu.memory_space<semaphore_mem>>
      %dma_start3A = arith.constant 0 : i32
      %dma_start3A_56 = arith.constant 0 : i32
      %dma_start3A_57 = tpu.memref_slice %arg3[%arg0, %arg1, %run_scoped3A, %dma_start3A, %dma_start3A_56] : memref<2x16x2x40x128xi32, #tpu.memory_space<hbm>> -> memref<1x1x1x40x128xi32, #tpu.memory_space<hbm>>
      %dma_start3A_58 = tpu.memref_squeeze %dma_start3A_57 : memref<1x1x1x40x128xi32, #tpu.memory_space<hbm>> -> memref<40x128xi32, #tpu.memory_space<hbm>>
      %dma_start3A_59 = arith.constant 0 : i32
      %dma_start3A_60 = arith.constant 0 : i32
      %dma_start3A_61 = tpu.memref_slice %arg3[%arg0, %arg1, %run_scoped3A, %dma_start3A_59, %dma_start3A_60] : memref<2x16x2x40x128xi32, #tpu.memory_space<hbm>> -> memref<1x1x1x40x128xi32, #tpu.memory_space<hbm>>
      %dma_start3A_62 = tpu.memref_squeeze %dma_start3A_61 : memref<1x1x1x40x128xi32, #tpu.memory_space<hbm>> -> memref<40x128xi32, #tpu.memory_space<hbm>>
      tpu.enqueue_dma source(%dma_start3A_62 : memref<40x128xi32, #tpu.memory_space<hbm>>) target(%arg7 : memref<40x128xi32, #tpu.memory_space<vmem>>) target_semaphore(%run_scoped3A_55 : memref<!tpu.dma_semaphore, #tpu.memory_space<semaphore_mem>>)
      %dma_wait3A = arith.constant 0 : i32
      %dma_wait3A_63 = arith.constant 0 : i32
      %dma_wait3A_64 = tpu.memref_slice %arg3[%arg0, %arg1, %run_scoped3A, %dma_wait3A, %dma_wait3A_63] : memref<2x16x2x40x128xi32, #tpu.memory_space<hbm>> -> memref<1x1x1x40x128xi32, #tpu.memory_space<hbm>>
      %dma_wait3A_65 = tpu.memref_squeeze %dma_wait3A_64 : memref<1x1x1x40x128xi32, #tpu.memory_space<hbm>> -> memref<40x128xi32, #tpu.memory_space<hbm>>
      %dma_wait3A_66 = arith.constant 0 : i32
      %dma_wait3A_67 = arith.constant 0 : i32
      %dma_wait3A_68 = tpu.memref_slice %arg3[%arg0, %arg1, %run_scoped3A, %dma_wait3A_66, %dma_wait3A_67] : memref<2x16x2x40x128xi32, #tpu.memory_space<hbm>> -> memref<1x1x1x40x128xi32, #tpu.memory_space<hbm>>
      %dma_wait3A_69 = tpu.memref_squeeze %dma_wait3A_68 : memref<1x1x1x40x128xi32, #tpu.memory_space<hbm>> -> memref<40x128xi32, #tpu.memory_space<hbm>>
      tpu.wait_dma2 semaphore(%run_scoped3A_55 : memref<!tpu.dma_semaphore, #tpu.memory_space<semaphore_mem>>) src(%dma_wait3A_69 : memref<40x128xi32, #tpu.memory_space<hbm>>) dst(%arg7 : memref<40x128xi32, #tpu.memory_space<vmem>>)
      tpu.yield
    }) : () -> ()
    %run_scoped3A_6 = arith.constant 0 : i32
    "tpu.region"() ({
      %run_scoped3A_55 = tpu.sem_alloc : memref<!tpu.dma_semaphore, #tpu.memory_space<semaphore_mem>>
      %dma_start3A = arith.constant 0 : i32
      %dma_start3A_56 = arith.constant 0 : i32
      %dma_start3A_57 = tpu.memref_slice %arg4[%arg1, %run_scoped3A_6, %dma_start3A, %dma_start3A_56] : memref<16x2x40x128xi32, #tpu.memory_space<hbm>> -> memref<1x1x40x128xi32, #tpu.memory_space<hbm>>
      %dma_start3A_58 = tpu.memref_squeeze %dma_start3A_57 : memref<1x1x40x128xi32, #tpu.memory_space<hbm>> -> memref<40x128xi32, #tpu.memory_space<hbm>>
      %dma_start3A_59 = arith.constant 0 : i32
      %dma_start3A_60 = arith.constant 0 : i32
      %dma_start3A_61 = tpu.memref_slice %arg4[%arg1, %run_scoped3A_6, %dma_start3A_59, %dma_start3A_60] : memref<16x2x40x128xi32, #tpu.memory_space<hbm>> -> memref<1x1x40x128xi32, #tpu.memory_space<hbm>>
      %dma_start3A_62 = tpu.memref_squeeze %dma_start3A_61 : memref<1x1x40x128xi32, #tpu.memory_space<hbm>> -> memref<40x128xi32, #tpu.memory_space<hbm>>
      tpu.enqueue_dma source(%dma_start3A_62 : memref<40x128xi32, #tpu.memory_space<hbm>>) target(%arg8 : memref<40x128xi32, #tpu.memory_space<vmem>>) target_semaphore(%run_scoped3A_55 : memref<!tpu.dma_semaphore, #tpu.memory_space<semaphore_mem>>)
      %dma_wait3A = arith.constant 0 : i32
      %dma_wait3A_63 = arith.constant 0 : i32
      %dma_wait3A_64 = tpu.memref_slice %arg4[%arg1, %run_scoped3A_6, %dma_wait3A, %dma_wait3A_63] : memref<16x2x40x128xi32, #tpu.memory_space<hbm>> -> memref<1x1x40x128xi32, #tpu.memory_space<hbm>>
      %dma_wait3A_65 = tpu.memref_squeeze %dma_wait3A_64 : memref<1x1x40x128xi32, #tpu.memory_space<hbm>> -> memref<40x128xi32, #tpu.memory_space<hbm>>
      %dma_wait3A_66 = arith.constant 0 : i32
      %dma_wait3A_67 = arith.constant 0 : i32
      %dma_wait3A_68 = tpu.memref_slice %arg4[%arg1, %run_scoped3A_6, %dma_wait3A_66, %dma_wait3A_67] : memref<16x2x40x128xi32, #tpu.memory_space<hbm>> -> memref<1x1x40x128xi32, #tpu.memory_space<hbm>>
      %dma_wait3A_69 = tpu.memref_squeeze %dma_wait3A_68 : memref<1x1x40x128xi32, #tpu.memory_space<hbm>> -> memref<40x128xi32, #tpu.memory_space<hbm>>
      tpu.wait_dma2 semaphore(%run_scoped3A_55 : memref<!tpu.dma_semaphore, #tpu.memory_space<semaphore_mem>>) src(%dma_wait3A_69 : memref<40x128xi32, #tpu.memory_space<hbm>>) dst(%arg8 : memref<40x128xi32, #tpu.memory_space<vmem>>)
      tpu.yield
    }) : () -> ()
    %scan3A = arith.constant 0 : i32
    %scan3A_7 = arith.constant 0 : i32
    %scan3A_8 = arith.constant 2 : i32
    %scan3A_9 = arith.addi %scan3A_7, %scan3A_8 : i32
    %scan3A_10 = arith.constant 1 : i32
    scf.for %scan3A_55 = %scan3A_7 to %scan3A_9 step %scan3A_10  : i32 {
      %dma_start3A = arith.constant 0 : i32
      %dma_start3A_56 = arith.constant 0 : i32
      %dma_start3A_57 = tpu.memref_slice %arg9[%scan3A_55, %dma_start3A, %dma_start3A_56] : memref<2x128x128xf32, #tpu.memory_space<vmem>> -> memref<1x128x128xf32, #tpu.memory_space<vmem>>
      %dma_start3A_58 = tpu.memref_squeeze %dma_start3A_57 : memref<1x128x128xf32, #tpu.memory_space<vmem>> -> memref<128x128xf32, #tpu.memory_space<vmem>>
      %dma_start3A_59 = arith.constant 0 : i32
      %dma_start3A_60 = tpu.memref_slice %arg7[%scan3A_55, %dma_start3A_59] : memref<40x128xi32, #tpu.memory_space<vmem>> -> memref<1x128xi32, #tpu.memory_space<vmem>>
      %dma_start3A_61 = tpu.memref_squeeze %dma_start3A_60 : memref<1x128xi32, #tpu.memory_space<vmem>> -> memref<128xi32, #tpu.memory_space<vmem>>
      %dma_start3A_62 = arith.constant 0 : i32
      %dma_start3A_63 = arith.constant 0 : i32
      %dma_start3A_64 = tpu.memref_slice %arg2[%dma_start3A_62, %dma_start3A_63] : memref<20000x128xf32, #tpu.memory_space<hbm>> -> memref<20000x128xf32, #tpu.memory_space<hbm>>
      %dma_start3A_65 = tpu.memref_slice %arg10[%scan3A_55] : memref<2x!tpu.dma_semaphore, #tpu.memory_space<semaphore_mem>> -> memref<1x!tpu.dma_semaphore, #tpu.memory_space<semaphore_mem>>
      %dma_start3A_66 = tpu.memref_squeeze %dma_start3A_65 : memref<1x!tpu.dma_semaphore, #tpu.memory_space<semaphore_mem>> -> memref<!tpu.dma_semaphore, #tpu.memory_space<semaphore_mem>>
      tpu.enqueue_indirect_dma source(%dma_start3A_64 : memref<20000x128xf32, #tpu.memory_space<hbm>>) target(%dma_start3A_58 : memref<128x128xf32, #tpu.memory_space<vmem>>) offsets(%dma_start3A_61 : memref<128xi32, #tpu.memory_space<vmem>>) semaphore(%dma_start3A_66 : memref<!tpu.dma_semaphore, #tpu.memory_space<semaphore_mem>>)
    }
    %scan3A_11 = arith.constant 2 : i32
    %scan3A_12 = arith.constant 0 : i32
    %scan3A_13 = arith.constant 0 : i32
    %scan3A_14 = arith.constant 38 : i32
    %scan3A_15 = arith.addi %scan3A_13, %scan3A_14 : i32
    %scan3A_16 = arith.constant 1 : i32
    scf.for %scan3A_55 = %scan3A_13 to %scan3A_15 step %scan3A_16  : i32 {
      %rem3A = arith.constant 2 : i32
      %rem3A_56 = arith.remsi %scan3A_55, %rem3A : i32
      %dma_wait3A = arith.constant 0 : i32
      %dma_wait3A_57 = arith.constant 0 : i32
      %dma_wait3A_58 = tpu.memref_slice %arg9[%rem3A_56, %dma_wait3A, %dma_wait3A_57] : memref<2x128x128xf32, #tpu.memory_space<vmem>> -> memref<1x128x128xf32, #tpu.memory_space<vmem>>
      %dma_wait3A_59 = tpu.memref_squeeze %dma_wait3A_58 : memref<1x128x128xf32, #tpu.memory_space<vmem>> -> memref<128x128xf32, #tpu.memory_space<vmem>>
      %dma_wait3A_60 = arith.constant 0 : i32
      %dma_wait3A_61 = arith.constant 0 : i32
      %dma_wait3A_62 = tpu.memref_slice %arg5[%dma_wait3A_60, %dma_wait3A_61] : memref<640x128xf32, #tpu.memory_space<hbm>> -> memref<128x128xf32, #tpu.memory_space<hbm>>
      %dma_wait3A_63 = tpu.memref_slice %arg10[%rem3A_56] : memref<2x!tpu.dma_semaphore, #tpu.memory_space<semaphore_mem>> -> memref<1x!tpu.dma_semaphore, #tpu.memory_space<semaphore_mem>>
      %dma_wait3A_64 = tpu.memref_squeeze %dma_wait3A_63 : memref<1x!tpu.dma_semaphore, #tpu.memory_space<semaphore_mem>> -> memref<!tpu.dma_semaphore, #tpu.memory_space<semaphore_mem>>
      %dma_wait3A_65 = arith.constant 0 : i32
      %dma_wait3A_66 = arith.constant 0 : i32
      %dma_wait3A_67 = tpu.memref_slice %arg9[%rem3A_56, %dma_wait3A_65, %dma_wait3A_66] : memref<2x128x128xf32, #tpu.memory_space<vmem>> -> memref<1x128x128xf32, #tpu.memory_space<vmem>>
      %dma_wait3A_68 = tpu.memref_squeeze %dma_wait3A_67 : memref<1x128x128xf32, #tpu.memory_space<vmem>> -> memref<128x128xf32, #tpu.memory_space<vmem>>
      %dma_wait3A_69 = arith.constant 0 : i32
      %dma_wait3A_70 = arith.constant 0 : i32
      %dma_wait3A_71 = tpu.memref_slice %arg5[%dma_wait3A_69, %dma_wait3A_70] : memref<640x128xf32, #tpu.memory_space<hbm>> -> memref<128x128xf32, #tpu.memory_space<hbm>>
      tpu.wait_dma2 semaphore(%dma_wait3A_64 : memref<!tpu.dma_semaphore, #tpu.memory_space<semaphore_mem>>) src(%dma_wait3A_71 : memref<128x128xf32, #tpu.memory_space<hbm>>) dst(%dma_wait3A_68 : memref<128x128xf32, #tpu.memory_space<vmem>>)
      "tpu.region"() ({
        %run_scoped3A_84 = tpu.sem_alloc : memref<!tpu.dma_semaphore, #tpu.memory_space<semaphore_mem>>
        %dma_start3A_85 = arith.constant 0 : i32
        %dma_start3A_86 = arith.constant 0 : i32
        %dma_start3A_87 = tpu.memref_slice %arg9[%rem3A_56, %dma_start3A_85, %dma_start3A_86] : memref<2x128x128xf32, #tpu.memory_space<vmem>> -> memref<1x128x128xf32, #tpu.memory_space<vmem>>
        %dma_start3A_88 = tpu.memref_squeeze %dma_start3A_87 : memref<1x128x128xf32, #tpu.memory_space<vmem>> -> memref<128x128xf32, #tpu.memory_space<vmem>>
        %dma_start3A_89 = arith.constant 0 : i32
        %dma_start3A_90 = tpu.memref_slice %arg8[%scan3A_55, %dma_start3A_89] : memref<40x128xi32, #tpu.memory_space<vmem>> -> memref<1x128xi32, #tpu.memory_space<vmem>>
        %dma_start3A_91 = tpu.memref_squeeze %dma_start3A_90 : memref<1x128xi32, #tpu.memory_space<vmem>> -> memref<128xi32, #tpu.memory_space<vmem>>
        %dma_start3A_92 = arith.constant 0 : i32
        %dma_start3A_93 = arith.constant 0 : i32
        %dma_start3A_94 = tpu.memref_slice %arg11[%dma_start3A_92, %dma_start3A_93] : memref<10008x128xf32, #tpu.memory_space<vmem_shared>> -> memref<10008x128xf32, #tpu.memory_space<vmem_shared>>
        tpu.enqueue_indirect_dma source(%dma_start3A_88 : memref<128x128xf32, #tpu.memory_space<vmem>>) target(%dma_start3A_94 : memref<10008x128xf32, #tpu.memory_space<vmem_shared>>) offsets(%dma_start3A_91 : memref<128xi32, #tpu.memory_space<vmem>>) semaphore(%run_scoped3A_84 : memref<!tpu.dma_semaphore, #tpu.memory_space<semaphore_mem>>) {add = true}
        %dma_wait3A_95 = arith.constant 0 : i32
        %dma_wait3A_96 = arith.constant 0 : i32
        %dma_wait3A_97 = tpu.memref_slice %arg9[%rem3A_56, %dma_wait3A_95, %dma_wait3A_96] : memref<2x128x128xf32, #tpu.memory_space<vmem>> -> memref<1x128x128xf32, #tpu.memory_space<vmem>>
        %dma_wait3A_98 = tpu.memref_squeeze %dma_wait3A_97 : memref<1x128x128xf32, #tpu.memory_space<vmem>> -> memref<128x128xf32, #tpu.memory_space<vmem>>
        %dma_wait3A_99 = arith.constant 0 : i32
        %dma_wait3A_100 = tpu.memref_slice %arg8[%scan3A_55, %dma_wait3A_99] : memref<40x128xi32, #tpu.memory_space<vmem>> -> memref<1x128xi32, #tpu.memory_space<vmem>>
        %dma_wait3A_101 = tpu.memref_squeeze %dma_wait3A_100 : memref<1x128xi32, #tpu.memory_space<vmem>> -> memref<128xi32, #tpu.memory_space<vmem>>
        %dma_wait3A_102 = arith.constant 0 : i32
        %dma_wait3A_103 = arith.constant 0 : i32
        %dma_wait3A_104 = tpu.memref_slice %arg11[%dma_wait3A_102, %dma_wait3A_103] : memref<10008x128xf32, #tpu.memory_space<vmem_shared>> -> memref<10008x128xf32, #tpu.memory_space<vmem_shared>>
        tpu.wait_indirect_dma semaphore(%run_scoped3A_84 : memref<!tpu.dma_semaphore, #tpu.memory_space<semaphore_mem>>) src(%dma_wait3A_98 : memref<128x128xf32, #tpu.memory_space<vmem>>) dst(%dma_wait3A_104 : memref<10008x128xf32, #tpu.memory_space<vmem_shared>>)
        tpu.yield
      }) : () -> ()
      %add3A = arith.constant 2 : i32
      %add3A_72 = arith.addi %scan3A_55, %add3A : i32
      %dma_start3A = arith.constant 0 : i32
      %dma_start3A_73 = arith.constant 0 : i32
      %dma_start3A_74 = tpu.memref_slice %arg9[%rem3A_56, %dma_start3A, %dma_start3A_73] : memref<2x128x128xf32, #tpu.memory_space<vmem>> -> memref<1x128x128xf32, #tpu.memory_space<vmem>>
      %dma_start3A_75 = tpu.memref_squeeze %dma_start3A_74 : memref<1x128x128xf32, #tpu.memory_space<vmem>> -> memref<128x128xf32, #tpu.memory_space<vmem>>
      %dma_start3A_76 = arith.constant 0 : i32
      %dma_start3A_77 = tpu.memref_slice %arg7[%add3A_72, %dma_start3A_76] : memref<40x128xi32, #tpu.memory_space<vmem>> -> memref<1x128xi32, #tpu.memory_space<vmem>>
      %dma_start3A_78 = tpu.memref_squeeze %dma_start3A_77 : memref<1x128xi32, #tpu.memory_space<vmem>> -> memref<128xi32, #tpu.memory_space<vmem>>
      %dma_start3A_79 = arith.constant 0 : i32
      %dma_start3A_80 = arith.constant 0 : i32
      %dma_start3A_81 = tpu.memref_slice %arg2[%dma_start3A_79, %dma_start3A_80] : memref<20000x128xf32, #tpu.memory_space<hbm>> -> memref<20000x128xf32, #tpu.memory_space<hbm>>
      %dma_start3A_82 = tpu.memref_slice %arg10[%rem3A_56] : memref<2x!tpu.dma_semaphore, #tpu.memory_space<semaphore_mem>> -> memref<1x!tpu.dma_semaphore, #tpu.memory_space<semaphore_mem>>
      %dma_start3A_83 = tpu.memref_squeeze %dma_start3A_82 : memref<1x!tpu.dma_semaphore, #tpu.memory_space<semaphore_mem>> -> memref<!tpu.dma_semaphore, #tpu.memory_space<semaphore_mem>>
      tpu.enqueue_indirect_dma source(%dma_start3A_81 : memref<20000x128xf32, #tpu.memory_space<hbm>>) target(%dma_start3A_75 : memref<128x128xf32, #tpu.memory_space<vmem>>) offsets(%dma_start3A_78 : memref<128xi32, #tpu.memory_space<vmem>>) semaphore(%dma_start3A_83 : memref<!tpu.dma_semaphore, #tpu.memory_space<semaphore_mem>>)
    }
    %scan3A_17 = arith.constant 38 : i32
    %scan3A_18 = arith.constant 0 : i32
    %scan3A_19 = arith.constant 38 : i32
    %scan3A_20 = arith.constant 2 : i32
    %scan3A_21 = arith.addi %scan3A_19, %scan3A_20 : i32
    %scan3A_22 = arith.constant 1 : i32
    scf.for %scan3A_55 = %scan3A_19 to %scan3A_21 step %scan3A_22  : i32 {
      %rem3A = arith.constant 2 : i32
      %rem3A_56 = arith.remsi %scan3A_55, %rem3A : i32
      %dma_wait3A = arith.constant 0 : i32
      %dma_wait3A_57 = arith.constant 0 : i32
      %dma_wait3A_58 = tpu.memref_slice %arg9[%rem3A_56, %dma_wait3A, %dma_wait3A_57] : memref<2x128x128xf32, #tpu.memory_space<vmem>> -> memref<1x128x128xf32, #tpu.memory_space<vmem>>
      %dma_wait3A_59 = tpu.memref_squeeze %dma_wait3A_58 : memref<1x128x128xf32, #tpu.memory_space<vmem>> -> memref<128x128xf32, #tpu.memory_space<vmem>>
      %dma_wait3A_60 = arith.constant 0 : i32
      %dma_wait3A_61 = arith.constant 0 : i32
      %dma_wait3A_62 = tpu.memref_slice %arg5[%dma_wait3A_60, %dma_wait3A_61] : memref<640x128xf32, #tpu.memory_space<hbm>> -> memref<128x128xf32, #tpu.memory_space<hbm>>
      %dma_wait3A_63 = tpu.memref_slice %arg10[%rem3A_56] : memref<2x!tpu.dma_semaphore, #tpu.memory_space<semaphore_mem>> -> memref<1x!tpu.dma_semaphore, #tpu.memory_space<semaphore_mem>>
      %dma_wait3A_64 = tpu.memref_squeeze %dma_wait3A_63 : memref<1x!tpu.dma_semaphore, #tpu.memory_space<semaphore_mem>> -> memref<!tpu.dma_semaphore, #tpu.memory_space<semaphore_mem>>
      %dma_wait3A_65 = arith.constant 0 : i32
      %dma_wait3A_66 = arith.constant 0 : i32
      %dma_wait3A_67 = tpu.memref_slice %arg9[%rem3A_56, %dma_wait3A_65, %dma_wait3A_66] : memref<2x128x128xf32, #tpu.memory_space<vmem>> -> memref<1x128x128xf32, #tpu.memory_space<vmem>>
      %dma_wait3A_68 = tpu.memref_squeeze %dma_wait3A_67 : memref<1x128x128xf32, #tpu.memory_space<vmem>> -> memref<128x128xf32, #tpu.memory_space<vmem>>
      %dma_wait3A_69 = arith.constant 0 : i32
      %dma_wait3A_70 = arith.constant 0 : i32
      %dma_wait3A_71 = tpu.memref_slice %arg5[%dma_wait3A_69, %dma_wait3A_70] : memref<640x128xf32, #tpu.memory_space<hbm>> -> memref<128x128xf32, #tpu.memory_space<hbm>>
      tpu.wait_dma2 semaphore(%dma_wait3A_64 : memref<!tpu.dma_semaphore, #tpu.memory_space<semaphore_mem>>) src(%dma_wait3A_71 : memref<128x128xf32, #tpu.memory_space<hbm>>) dst(%dma_wait3A_68 : memref<128x128xf32, #tpu.memory_space<vmem>>)
      "tpu.region"() ({
        %run_scoped3A_72 = tpu.sem_alloc : memref<!tpu.dma_semaphore, #tpu.memory_space<semaphore_mem>>
        %dma_start3A = arith.constant 0 : i32
        %dma_start3A_73 = arith.constant 0 : i32
        %dma_start3A_74 = tpu.memref_slice %arg9[%rem3A_56, %dma_start3A, %dma_start3A_73] : memref<2x128x128xf32, #tpu.memory_space<vmem>> -> memref<1x128x128xf32, #tpu.memory_space<vmem>>
        %dma_start3A_75 = tpu.memref_squeeze %dma_start3A_74 : memref<1x128x128xf32, #tpu.memory_space<vmem>> -> memref<128x128xf32, #tpu.memory_space<vmem>>
        %dma_start3A_76 = arith.constant 0 : i32
        %dma_start3A_77 = tpu.memref_slice %arg8[%scan3A_55, %dma_start3A_76] : memref<40x128xi32, #tpu.memory_space<vmem>> -> memref<1x128xi32, #tpu.memory_space<vmem>>
        %dma_start3A_78 = tpu.memref_squeeze %dma_start3A_77 : memref<1x128xi32, #tpu.memory_space<vmem>> -> memref<128xi32, #tpu.memory_space<vmem>>
        %dma_start3A_79 = arith.constant 0 : i32
        %dma_start3A_80 = arith.constant 0 : i32
        %dma_start3A_81 = tpu.memref_slice %arg11[%dma_start3A_79, %dma_start3A_80] : memref<10008x128xf32, #tpu.memory_space<vmem_shared>> -> memref<10008x128xf32, #tpu.memory_space<vmem_shared>>
        tpu.enqueue_indirect_dma source(%dma_start3A_75 : memref<128x128xf32, #tpu.memory_space<vmem>>) target(%dma_start3A_81 : memref<10008x128xf32, #tpu.memory_space<vmem_shared>>) offsets(%dma_start3A_78 : memref<128xi32, #tpu.memory_space<vmem>>) semaphore(%run_scoped3A_72 : memref<!tpu.dma_semaphore, #tpu.memory_space<semaphore_mem>>) {add = true}
        %dma_wait3A_82 = arith.constant 0 : i32
        %dma_wait3A_83 = arith.constant 0 : i32
        %dma_wait3A_84 = tpu.memref_slice %arg9[%rem3A_56, %dma_wait3A_82, %dma_wait3A_83] : memref<2x128x128xf32, #tpu.memory_space<vmem>> -> memref<1x128x128xf32, #tpu.memory_space<vmem>>
        %dma_wait3A_85 = tpu.memref_squeeze %dma_wait3A_84 : memref<1x128x128xf32, #tpu.memory_space<vmem>> -> memref<128x128xf32, #tpu.memory_space<vmem>>
        %dma_wait3A_86 = arith.constant 0 : i32
        %dma_wait3A_87 = tpu.memref_slice %arg8[%scan3A_55, %dma_wait3A_86] : memref<40x128xi32, #tpu.memory_space<vmem>> -> memref<1x128xi32, #tpu.memory_space<vmem>>
        %dma_wait3A_88 = tpu.memref_squeeze %dma_wait3A_87 : memref<1x128xi32, #tpu.memory_space<vmem>> -> memref<128xi32, #tpu.memory_space<vmem>>
        %dma_wait3A_89 = arith.constant 0 : i32
        %dma_wait3A_90 = arith.constant 0 : i32
        %dma_wait3A_91 = tpu.memref_slice %arg11[%dma_wait3A_89, %dma_wait3A_90] : memref<10008x128xf32, #tpu.memory_space<vmem_shared>> -> memref<10008x128xf32, #tpu.memory_space<vmem_shared>>
        tpu.wait_indirect_dma semaphore(%run_scoped3A_72 : memref<!tpu.dma_semaphore, #tpu.memory_space<semaphore_mem>>) src(%dma_wait3A_85 : memref<128x128xf32, #tpu.memory_space<vmem>>) dst(%dma_wait3A_91 : memref<10008x128xf32, #tpu.memory_space<vmem_shared>>)
        tpu.yield
      }) : () -> ()
    }
    %scan3A_23 = arith.constant 2 : i32
    %run_scoped3A_24 = arith.constant 1 : i32
    "tpu.region"() ({
      %run_scoped3A_55 = tpu.sem_alloc : memref<!tpu.dma_semaphore, #tpu.memory_space<semaphore_mem>>
      %dma_start3A = arith.constant 0 : i32
      %dma_start3A_56 = arith.constant 0 : i32
      %dma_start3A_57 = tpu.memref_slice %arg3[%arg0, %arg1, %run_scoped3A_24, %dma_start3A, %dma_start3A_56] : memref<2x16x2x40x128xi32, #tpu.memory_space<hbm>> -> memref<1x1x1x40x128xi32, #tpu.memory_space<hbm>>
      %dma_start3A_58 = tpu.memref_squeeze %dma_start3A_57 : memref<1x1x1x40x128xi32, #tpu.memory_space<hbm>> -> memref<40x128xi32, #tpu.memory_space<hbm>>
      %dma_start3A_59 = arith.constant 0 : i32
      %dma_start3A_60 = arith.constant 0 : i32
      %dma_start3A_61 = tpu.memref_slice %arg3[%arg0, %arg1, %run_scoped3A_24, %dma_start3A_59, %dma_start3A_60] : memref<2x16x2x40x128xi32, #tpu.memory_space<hbm>> -> memref<1x1x1x40x128xi32, #tpu.memory_space<hbm>>
      %dma_start3A_62 = tpu.memref_squeeze %dma_start3A_61 : memref<1x1x1x40x128xi32, #tpu.memory_space<hbm>> -> memref<40x128xi32, #tpu.memory_space<hbm>>
      tpu.enqueue_dma source(%dma_start3A_62 : memref<40x128xi32, #tpu.memory_space<hbm>>) target(%arg7 : memref<40x128xi32, #tpu.memory_space<vmem>>) target_semaphore(%run_scoped3A_55 : memref<!tpu.dma_semaphore, #tpu.memory_space<semaphore_mem>>)
      %dma_wait3A = arith.constant 0 : i32
      %dma_wait3A_63 = arith.constant 0 : i32
      %dma_wait3A_64 = tpu.memref_slice %arg3[%arg0, %arg1, %run_scoped3A_24, %dma_wait3A, %dma_wait3A_63] : memref<2x16x2x40x128xi32, #tpu.memory_space<hbm>> -> memref<1x1x1x40x128xi32, #tpu.memory_space<hbm>>
      %dma_wait3A_65 = tpu.memref_squeeze %dma_wait3A_64 : memref<1x1x1x40x128xi32, #tpu.memory_space<hbm>> -> memref<40x128xi32, #tpu.memory_space<hbm>>
      %dma_wait3A_66 = arith.constant 0 : i32
      %dma_wait3A_67 = arith.constant 0 : i32
      %dma_wait3A_68 = tpu.memref_slice %arg3[%arg0, %arg1, %run_scoped3A_24, %dma_wait3A_66, %dma_wait3A_67] : memref<2x16x2x40x128xi32, #tpu.memory_space<hbm>> -> memref<1x1x1x40x128xi32, #tpu.memory_space<hbm>>
      %dma_wait3A_69 = tpu.memref_squeeze %dma_wait3A_68 : memref<1x1x1x40x128xi32, #tpu.memory_space<hbm>> -> memref<40x128xi32, #tpu.memory_space<hbm>>
      tpu.wait_dma2 semaphore(%run_scoped3A_55 : memref<!tpu.dma_semaphore, #tpu.memory_space<semaphore_mem>>) src(%dma_wait3A_69 : memref<40x128xi32, #tpu.memory_space<hbm>>) dst(%arg7 : memref<40x128xi32, #tpu.memory_space<vmem>>)
      tpu.yield
    }) : () -> ()
    %run_scoped3A_25 = arith.constant 1 : i32
    "tpu.region"() ({
      %run_scoped3A_55 = tpu.sem_alloc : memref<!tpu.dma_semaphore, #tpu.memory_space<semaphore_mem>>
      %dma_start3A = arith.constant 0 : i32
      %dma_start3A_56 = arith.constant 0 : i32
      %dma_start3A_57 = tpu.memref_slice %arg4[%arg1, %run_scoped3A_25, %dma_start3A, %dma_start3A_56] : memref<16x2x40x128xi32, #tpu.memory_space<hbm>> -> memref<1x1x40x128xi32, #tpu.memory_space<hbm>>
      %dma_start3A_58 = tpu.memref_squeeze %dma_start3A_57 : memref<1x1x40x128xi32, #tpu.memory_space<hbm>> -> memref<40x128xi32, #tpu.memory_space<hbm>>
      %dma_start3A_59 = arith.constant 0 : i32
      %dma_start3A_60 = arith.constant 0 : i32
      %dma_start3A_61 = tpu.memref_slice %arg4[%arg1, %run_scoped3A_25, %dma_start3A_59, %dma_start3A_60] : memref<16x2x40x128xi32, #tpu.memory_space<hbm>> -> memref<1x1x40x128xi32, #tpu.memory_space<hbm>>
      %dma_start3A_62 = tpu.memref_squeeze %dma_start3A_61 : memref<1x1x40x128xi32, #tpu.memory_space<hbm>> -> memref<40x128xi32, #tpu.memory_space<hbm>>
      tpu.enqueue_dma source(%dma_start3A_62 : memref<40x128xi32, #tpu.memory_space<hbm>>) target(%arg8 : memref<40x128xi32, #tpu.memory_space<vmem>>) target_semaphore(%run_scoped3A_55 : memref<!tpu.dma_semaphore, #tpu.memory_space<semaphore_mem>>)
      %dma_wait3A = arith.constant 0 : i32
      %dma_wait3A_63 = arith.constant 0 : i32
      %dma_wait3A_64 = tpu.memref_slice %arg4[%arg1, %run_scoped3A_25, %dma_wait3A, %dma_wait3A_63] : memref<16x2x40x128xi32, #tpu.memory_space<hbm>> -> memref<1x1x40x128xi32, #tpu.memory_space<hbm>>
      %dma_wait3A_65 = tpu.memref_squeeze %dma_wait3A_64 : memref<1x1x40x128xi32, #tpu.memory_space<hbm>> -> memref<40x128xi32, #tpu.memory_space<hbm>>
      %dma_wait3A_66 = arith.constant 0 : i32
      %dma_wait3A_67 = arith.constant 0 : i32
      %dma_wait3A_68 = tpu.memref_slice %arg4[%arg1, %run_scoped3A_25, %dma_wait3A_66, %dma_wait3A_67] : memref<16x2x40x128xi32, #tpu.memory_space<hbm>> -> memref<1x1x40x128xi32, #tpu.memory_space<hbm>>
      %dma_wait3A_69 = tpu.memref_squeeze %dma_wait3A_68 : memref<1x1x40x128xi32, #tpu.memory_space<hbm>> -> memref<40x128xi32, #tpu.memory_space<hbm>>
      tpu.wait_dma2 semaphore(%run_scoped3A_55 : memref<!tpu.dma_semaphore, #tpu.memory_space<semaphore_mem>>) src(%dma_wait3A_69 : memref<40x128xi32, #tpu.memory_space<hbm>>) dst(%arg8 : memref<40x128xi32, #tpu.memory_space<vmem>>)
      tpu.yield
    }) : () -> ()
    %scan3A_26 = arith.constant 0 : i32
    %scan3A_27 = arith.constant 0 : i32
    %scan3A_28 = arith.constant 2 : i32
    %scan3A_29 = arith.addi %scan3A_27, %scan3A_28 : i32
    %scan3A_30 = arith.constant 1 : i32
    scf.for %scan3A_55 = %scan3A_27 to %scan3A_29 step %scan3A_30  : i32 {
      %dma_start3A = arith.constant 0 : i32
      %dma_start3A_56 = arith.constant 0 : i32
      %dma_start3A_57 = tpu.memref_slice %arg9[%scan3A_55, %dma_start3A, %dma_start3A_56] : memref<2x128x128xf32, #tpu.memory_space<vmem>> -> memref<1x128x128xf32, #tpu.memory_space<vmem>>
      %dma_start3A_58 = tpu.memref_squeeze %dma_start3A_57 : memref<1x128x128xf32, #tpu.memory_space<vmem>> -> memref<128x128xf32, #tpu.memory_space<vmem>>
      %dma_start3A_59 = arith.constant 0 : i32
      %dma_start3A_60 = tpu.memref_slice %arg7[%scan3A_55, %dma_start3A_59] : memref<40x128xi32, #tpu.memory_space<vmem>> -> memref<1x128xi32, #tpu.memory_space<vmem>>
      %dma_start3A_61 = tpu.memref_squeeze %dma_start3A_60 : memref<1x128xi32, #tpu.memory_space<vmem>> -> memref<128xi32, #tpu.memory_space<vmem>>
      %dma_start3A_62 = arith.constant 0 : i32
      %dma_start3A_63 = arith.constant 0 : i32
      %dma_start3A_64 = tpu.memref_slice %arg2[%dma_start3A_62, %dma_start3A_63] : memref<20000x128xf32, #tpu.memory_space<hbm>> -> memref<20000x128xf32, #tpu.memory_space<hbm>>
      %dma_start3A_65 = tpu.memref_slice %arg10[%scan3A_55] : memref<2x!tpu.dma_semaphore, #tpu.memory_space<semaphore_mem>> -> memref<1x!tpu.dma_semaphore, #tpu.memory_space<semaphore_mem>>
      %dma_start3A_66 = tpu.memref_squeeze %dma_start3A_65 : memref<1x!tpu.dma_semaphore, #tpu.memory_space<semaphore_mem>> -> memref<!tpu.dma_semaphore, #tpu.memory_space<semaphore_mem>>
      tpu.enqueue_indirect_dma source(%dma_start3A_64 : memref<20000x128xf32, #tpu.memory_space<hbm>>) target(%dma_start3A_58 : memref<128x128xf32, #tpu.memory_space<vmem>>) offsets(%dma_start3A_61 : memref<128xi32, #tpu.memory_space<vmem>>) semaphore(%dma_start3A_66 : memref<!tpu.dma_semaphore, #tpu.memory_space<semaphore_mem>>)
    }
    %scan3A_31 = arith.constant 2 : i32
    %scan3A_32 = arith.constant 0 : i32
    %scan3A_33 = arith.constant 0 : i32
    %scan3A_34 = arith.constant 38 : i32
    %scan3A_35 = arith.addi %scan3A_33, %scan3A_34 : i32
    %scan3A_36 = arith.constant 1 : i32
    scf.for %scan3A_55 = %scan3A_33 to %scan3A_35 step %scan3A_36  : i32 {
      %rem3A = arith.constant 2 : i32
      %rem3A_56 = arith.remsi %scan3A_55, %rem3A : i32
      %dma_wait3A = arith.constant 0 : i32
      %dma_wait3A_57 = arith.constant 0 : i32
      %dma_wait3A_58 = tpu.memref_slice %arg9[%rem3A_56, %dma_wait3A, %dma_wait3A_57] : memref<2x128x128xf32, #tpu.memory_space<vmem>> -> memref<1x128x128xf32, #tpu.memory_space<vmem>>
      %dma_wait3A_59 = tpu.memref_squeeze %dma_wait3A_58 : memref<1x128x128xf32, #tpu.memory_space<vmem>> -> memref<128x128xf32, #tpu.memory_space<vmem>>
      %dma_wait3A_60 = arith.constant 0 : i32
      %dma_wait3A_61 = arith.constant 0 : i32
      %dma_wait3A_62 = tpu.memref_slice %arg5[%dma_wait3A_60, %dma_wait3A_61] : memref<640x128xf32, #tpu.memory_space<hbm>> -> memref<128x128xf32, #tpu.memory_space<hbm>>
      %dma_wait3A_63 = tpu.memref_slice %arg10[%rem3A_56] : memref<2x!tpu.dma_semaphore, #tpu.memory_space<semaphore_mem>> -> memref<1x!tpu.dma_semaphore, #tpu.memory_space<semaphore_mem>>
      %dma_wait3A_64 = tpu.memref_squeeze %dma_wait3A_63 : memref<1x!tpu.dma_semaphore, #tpu.memory_space<semaphore_mem>> -> memref<!tpu.dma_semaphore, #tpu.memory_space<semaphore_mem>>
      %dma_wait3A_65 = arith.constant 0 : i32
      %dma_wait3A_66 = arith.constant 0 : i32
      %dma_wait3A_67 = tpu.memref_slice %arg9[%rem3A_56, %dma_wait3A_65, %dma_wait3A_66] : memref<2x128x128xf32, #tpu.memory_space<vmem>> -> memref<1x128x128xf32, #tpu.memory_space<vmem>>
      %dma_wait3A_68 = tpu.memref_squeeze %dma_wait3A_67 : memref<1x128x128xf32, #tpu.memory_space<vmem>> -> memref<128x128xf32, #tpu.memory_space<vmem>>
      %dma_wait3A_69 = arith.constant 0 : i32
      %dma_wait3A_70 = arith.constant 0 : i32
      %dma_wait3A_71 = tpu.memref_slice %arg5[%dma_wait3A_69, %dma_wait3A_70] : memref<640x128xf32, #tpu.memory_space<hbm>> -> memref<128x128xf32, #tpu.memory_space<hbm>>
      tpu.wait_dma2 semaphore(%dma_wait3A_64 : memref<!tpu.dma_semaphore, #tpu.memory_space<semaphore_mem>>) src(%dma_wait3A_71 : memref<128x128xf32, #tpu.memory_space<hbm>>) dst(%dma_wait3A_68 : memref<128x128xf32, #tpu.memory_space<vmem>>)
      "tpu.region"() ({
        %run_scoped3A_84 = tpu.sem_alloc : memref<!tpu.dma_semaphore, #tpu.memory_space<semaphore_mem>>
        %dma_start3A_85 = arith.constant 0 : i32
        %dma_start3A_86 = arith.constant 0 : i32
        %dma_start3A_87 = tpu.memref_slice %arg9[%rem3A_56, %dma_start3A_85, %dma_start3A_86] : memref<2x128x128xf32, #tpu.memory_space<vmem>> -> memref<1x128x128xf32, #tpu.memory_space<vmem>>
        %dma_start3A_88 = tpu.memref_squeeze %dma_start3A_87 : memref<1x128x128xf32, #tpu.memory_space<vmem>> -> memref<128x128xf32, #tpu.memory_space<vmem>>
        %dma_start3A_89 = arith.constant 0 : i32
        %dma_start3A_90 = tpu.memref_slice %arg8[%scan3A_55, %dma_start3A_89] : memref<40x128xi32, #tpu.memory_space<vmem>> -> memref<1x128xi32, #tpu.memory_space<vmem>>
        %dma_start3A_91 = tpu.memref_squeeze %dma_start3A_90 : memref<1x128xi32, #tpu.memory_space<vmem>> -> memref<128xi32, #tpu.memory_space<vmem>>
        %dma_start3A_92 = arith.constant 0 : i32
        %dma_start3A_93 = arith.constant 0 : i32
        %dma_start3A_94 = tpu.memref_slice %arg11[%dma_start3A_92, %dma_start3A_93] : memref<10008x128xf32, #tpu.memory_space<vmem_shared>> -> memref<10008x128xf32, #tpu.memory_space<vmem_shared>>
        tpu.enqueue_indirect_dma source(%dma_start3A_88 : memref<128x128xf32, #tpu.memory_space<vmem>>) target(%dma_start3A_94 : memref<10008x128xf32, #tpu.memory_space<vmem_shared>>) offsets(%dma_start3A_91 : memref<128xi32, #tpu.memory_space<vmem>>) semaphore(%run_scoped3A_84 : memref<!tpu.dma_semaphore, #tpu.memory_space<semaphore_mem>>) {add = true}
        %dma_wait3A_95 = arith.constant 0 : i32
        %dma_wait3A_96 = arith.constant 0 : i32
        %dma_wait3A_97 = tpu.memref_slice %arg9[%rem3A_56, %dma_wait3A_95, %dma_wait3A_96] : memref<2x128x128xf32, #tpu.memory_space<vmem>> -> memref<1x128x128xf32, #tpu.memory_space<vmem>>
        %dma_wait3A_98 = tpu.memref_squeeze %dma_wait3A_97 : memref<1x128x128xf32, #tpu.memory_space<vmem>> -> memref<128x128xf32, #tpu.memory_space<vmem>>
        %dma_wait3A_99 = arith.constant 0 : i32
        %dma_wait3A_100 = tpu.memref_slice %arg8[%scan3A_55, %dma_wait3A_99] : memref<40x128xi32, #tpu.memory_space<vmem>> -> memref<1x128xi32, #tpu.memory_space<vmem>>
        %dma_wait3A_101 = tpu.memref_squeeze %dma_wait3A_100 : memref<1x128xi32, #tpu.memory_space<vmem>> -> memref<128xi32, #tpu.memory_space<vmem>>
        %dma_wait3A_102 = arith.constant 0 : i32
        %dma_wait3A_103 = arith.constant 0 : i32
        %dma_wait3A_104 = tpu.memref_slice %arg11[%dma_wait3A_102, %dma_wait3A_103] : memref<10008x128xf32, #tpu.memory_space<vmem_shared>> -> memref<10008x128xf32, #tpu.memory_space<vmem_shared>>
        tpu.wait_indirect_dma semaphore(%run_scoped3A_84 : memref<!tpu.dma_semaphore, #tpu.memory_space<semaphore_mem>>) src(%dma_wait3A_98 : memref<128x128xf32, #tpu.memory_space<vmem>>) dst(%dma_wait3A_104 : memref<10008x128xf32, #tpu.memory_space<vmem_shared>>)
        tpu.yield
      }) : () -> ()
      %add3A = arith.constant 2 : i32
      %add3A_72 = arith.addi %scan3A_55, %add3A : i32
      %dma_start3A = arith.constant 0 : i32
      %dma_start3A_73 = arith.constant 0 : i32
      %dma_start3A_74 = tpu.memref_slice %arg9[%rem3A_56, %dma_start3A, %dma_start3A_73] : memref<2x128x128xf32, #tpu.memory_space<vmem>> -> memref<1x128x128xf32, #tpu.memory_space<vmem>>
      %dma_start3A_75 = tpu.memref_squeeze %dma_start3A_74 : memref<1x128x128xf32, #tpu.memory_space<vmem>> -> memref<128x128xf32, #tpu.memory_space<vmem>>
      %dma_start3A_76 = arith.constant 0 : i32
      %dma_start3A_77 = tpu.memref_slice %arg7[%add3A_72, %dma_start3A_76] : memref<40x128xi32, #tpu.memory_space<vmem>> -> memref<1x128xi32, #tpu.memory_space<vmem>>
      %dma_start3A_78 = tpu.memref_squeeze %dma_start3A_77 : memref<1x128xi32, #tpu.memory_space<vmem>> -> memref<128xi32, #tpu.memory_space<vmem>>
      %dma_start3A_79 = arith.constant 0 : i32
      %dma_start3A_80 = arith.constant 0 : i32
      %dma_start3A_81 = tpu.memref_slice %arg2[%dma_start3A_79, %dma_start3A_80] : memref<20000x128xf32, #tpu.memory_space<hbm>> -> memref<20000x128xf32, #tpu.memory_space<hbm>>
      %dma_start3A_82 = tpu.memref_slice %arg10[%rem3A_56] : memref<2x!tpu.dma_semaphore, #tpu.memory_space<semaphore_mem>> -> memref<1x!tpu.dma_semaphore, #tpu.memory_space<semaphore_mem>>
      %dma_start3A_83 = tpu.memref_squeeze %dma_start3A_82 : memref<1x!tpu.dma_semaphore, #tpu.memory_space<semaphore_mem>> -> memref<!tpu.dma_semaphore, #tpu.memory_space<semaphore_mem>>
      tpu.enqueue_indirect_dma source(%dma_start3A_81 : memref<20000x128xf32, #tpu.memory_space<hbm>>) target(%dma_start3A_75 : memref<128x128xf32, #tpu.memory_space<vmem>>) offsets(%dma_start3A_78 : memref<128xi32, #tpu.memory_space<vmem>>) semaphore(%dma_start3A_83 : memref<!tpu.dma_semaphore, #tpu.memory_space<semaphore_mem>>)
    }
    %scan3A_37 = arith.constant 38 : i32
    %scan3A_38 = arith.constant 0 : i32
    %scan3A_39 = arith.constant 38 : i32
    %scan3A_40 = arith.constant 2 : i32
    %scan3A_41 = arith.addi %scan3A_39, %scan3A_40 : i32
    %scan3A_42 = arith.constant 1 : i32
    scf.for %scan3A_55 = %scan3A_39 to %scan3A_41 step %scan3A_42  : i32 {
      %rem3A = arith.constant 2 : i32
      %rem3A_56 = arith.remsi %scan3A_55, %rem3A : i32
      %dma_wait3A = arith.constant 0 : i32
      %dma_wait3A_57 = arith.constant 0 : i32
      %dma_wait3A_58 = tpu.memref_slice %arg9[%rem3A_56, %dma_wait3A, %dma_wait3A_57] : memref<2x128x128xf32, #tpu.memory_space<vmem>> -> memref<1x128x128xf32, #tpu.memory_space<vmem>>
      %dma_wait3A_59 = tpu.memref_squeeze %dma_wait3A_58 : memref<1x128x128xf32, #tpu.memory_space<vmem>> -> memref<128x128xf32, #tpu.memory_space<vmem>>
      %dma_wait3A_60 = arith.constant 0 : i32
      %dma_wait3A_61 = arith.constant 0 : i32
      %dma_wait3A_62 = tpu.memref_slice %arg5[%dma_wait3A_60, %dma_wait3A_61] : memref<640x128xf32, #tpu.memory_space<hbm>> -> memref<128x128xf32, #tpu.memory_space<hbm>>
      %dma_wait3A_63 = tpu.memref_slice %arg10[%rem3A_56] : memref<2x!tpu.dma_semaphore, #tpu.memory_space<semaphore_mem>> -> memref<1x!tpu.dma_semaphore, #tpu.memory_space<semaphore_mem>>
      %dma_wait3A_64 = tpu.memref_squeeze %dma_wait3A_63 : memref<1x!tpu.dma_semaphore, #tpu.memory_space<semaphore_mem>> -> memref<!tpu.dma_semaphore, #tpu.memory_space<semaphore_mem>>
      %dma_wait3A_65 = arith.constant 0 : i32
      %dma_wait3A_66 = arith.constant 0 : i32
      %dma_wait3A_67 = tpu.memref_slice %arg9[%rem3A_56, %dma_wait3A_65, %dma_wait3A_66] : memref<2x128x128xf32, #tpu.memory_space<vmem>> -> memref<1x128x128xf32, #tpu.memory_space<vmem>>
      %dma_wait3A_68 = tpu.memref_squeeze %dma_wait3A_67 : memref<1x128x128xf32, #tpu.memory_space<vmem>> -> memref<128x128xf32, #tpu.memory_space<vmem>>
      %dma_wait3A_69 = arith.constant 0 : i32
      %dma_wait3A_70 = arith.constant 0 : i32
      %dma_wait3A_71 = tpu.memref_slice %arg5[%dma_wait3A_69, %dma_wait3A_70] : memref<640x128xf32, #tpu.memory_space<hbm>> -> memref<128x128xf32, #tpu.memory_space<hbm>>
      tpu.wait_dma2 semaphore(%dma_wait3A_64 : memref<!tpu.dma_semaphore, #tpu.memory_space<semaphore_mem>>) src(%dma_wait3A_71 : memref<128x128xf32, #tpu.memory_space<hbm>>) dst(%dma_wait3A_68 : memref<128x128xf32, #tpu.memory_space<vmem>>)
      "tpu.region"() ({
        %run_scoped3A_72 = tpu.sem_alloc : memref<!tpu.dma_semaphore, #tpu.memory_space<semaphore_mem>>
        %dma_start3A = arith.constant 0 : i32
        %dma_start3A_73 = arith.constant 0 : i32
        %dma_start3A_74 = tpu.memref_slice %arg9[%rem3A_56, %dma_start3A, %dma_start3A_73] : memref<2x128x128xf32, #tpu.memory_space<vmem>> -> memref<1x128x128xf32, #tpu.memory_space<vmem>>
        %dma_start3A_75 = tpu.memref_squeeze %dma_start3A_74 : memref<1x128x128xf32, #tpu.memory_space<vmem>> -> memref<128x128xf32, #tpu.memory_space<vmem>>
        %dma_start3A_76 = arith.constant 0 : i32
        %dma_start3A_77 = tpu.memref_slice %arg8[%scan3A_55, %dma_start3A_76] : memref<40x128xi32, #tpu.memory_space<vmem>> -> memref<1x128xi32, #tpu.memory_space<vmem>>
        %dma_start3A_78 = tpu.memref_squeeze %dma_start3A_77 : memref<1x128xi32, #tpu.memory_space<vmem>> -> memref<128xi32, #tpu.memory_space<vmem>>
        %dma_start3A_79 = arith.constant 0 : i32
        %dma_start3A_80 = arith.constant 0 : i32
        %dma_start3A_81 = tpu.memref_slice %arg11[%dma_start3A_79, %dma_start3A_80] : memref<10008x128xf32, #tpu.memory_space<vmem_shared>> -> memref<10008x128xf32, #tpu.memory_space<vmem_shared>>
        tpu.enqueue_indirect_dma source(%dma_start3A_75 : memref<128x128xf32, #tpu.memory_space<vmem>>) target(%dma_start3A_81 : memref<10008x128xf32, #tpu.memory_space<vmem_shared>>) offsets(%dma_start3A_78 : memref<128xi32, #tpu.memory_space<vmem>>) semaphore(%run_scoped3A_72 : memref<!tpu.dma_semaphore, #tpu.memory_space<semaphore_mem>>) {add = true}
        %dma_wait3A_82 = arith.constant 0 : i32
        %dma_wait3A_83 = arith.constant 0 : i32
        %dma_wait3A_84 = tpu.memref_slice %arg9[%rem3A_56, %dma_wait3A_82, %dma_wait3A_83] : memref<2x128x128xf32, #tpu.memory_space<vmem>> -> memref<1x128x128xf32, #tpu.memory_space<vmem>>
        %dma_wait3A_85 = tpu.memref_squeeze %dma_wait3A_84 : memref<1x128x128xf32, #tpu.memory_space<vmem>> -> memref<128x128xf32, #tpu.memory_space<vmem>>
        %dma_wait3A_86 = arith.constant 0 : i32
        %dma_wait3A_87 = tpu.memref_slice %arg8[%scan3A_55, %dma_wait3A_86] : memref<40x128xi32, #tpu.memory_space<vmem>> -> memref<1x128xi32, #tpu.memory_space<vmem>>
        %dma_wait3A_88 = tpu.memref_squeeze %dma_wait3A_87 : memref<1x128xi32, #tpu.memory_space<vmem>> -> memref<128xi32, #tpu.memory_space<vmem>>
        %dma_wait3A_89 = arith.constant 0 : i32
        %dma_wait3A_90 = arith.constant 0 : i32
        %dma_wait3A_91 = tpu.memref_slice %arg11[%dma_wait3A_89, %dma_wait3A_90] : memref<10008x128xf32, #tpu.memory_space<vmem_shared>> -> memref<10008x128xf32, #tpu.memory_space<vmem_shared>>
        tpu.wait_indirect_dma semaphore(%run_scoped3A_72 : memref<!tpu.dma_semaphore, #tpu.memory_space<semaphore_mem>>) src(%dma_wait3A_85 : memref<128x128xf32, #tpu.memory_space<vmem>>) dst(%dma_wait3A_91 : memref<10008x128xf32, #tpu.memory_space<vmem_shared>>)
        tpu.yield
      }) : () -> ()
    }
    %scan3A_43 = arith.constant 2 : i32
    %barrier3A_44 = arith.constant 0 : index
    tpu.barrier barrier_id(%barrier3A_44)
    %lt3A_45 = arith.constant 15 : i32
    %lt3A_46 = arith.cmpi slt, %arg1, %lt3A_45 : i32
    %convert_element_type3A_47 = arith.extui %lt3A_46 : i1 to i32
    %cond3A_48 = arith.constant 0 : i32
    %cond3A_49 = arith.cmpi ne, %convert_element_type3A_47, %cond3A_48 : i32
    scf.if %cond3A_49 {
      %mul3A = arith.constant 624 : i32
      %mul3A_55 = arith.muli %arg1, %mul3A : i32
      %mul3A_56 = arith.constant 10000 : i32
      %mul3A_57 = arith.muli %arg0, %mul3A_56 : i32
      %mul3A_58 = arith.constant 624 : i32
      %mul3A_59 = arith.muli %arg1, %mul3A_58 : i32
      %add3A = arith.addi %mul3A_57, %mul3A_59 : i32
      "tpu.region"() ({
        %run_scoped3A_60 = tpu.sem_alloc : memref<!tpu.dma_semaphore, #tpu.memory_space<semaphore_mem>>
        %dma_start3A = arith.constant 0 : i32
        %dma_start3A_61 = tpu.memref_slice %arg6[%add3A, %dma_start3A] : memref<20000x128xf32, #tpu.memory_space<hbm>> -> memref<624x128xf32, #tpu.memory_space<hbm>>
        %dma_start3A_62 = arith.constant 0 : i32
        %dma_start3A_63 = tpu.memref_slice %arg11[%mul3A_55, %dma_start3A_62] : memref<10008x128xf32, #tpu.memory_space<vmem_shared>> -> memref<624x128xf32, #tpu.memory_space<vmem_shared>>
        tpu.enqueue_dma source(%dma_start3A_63 : memref<624x128xf32, #tpu.memory_space<vmem_shared>>) target(%dma_start3A_61 : memref<624x128xf32, #tpu.memory_space<hbm>>) target_semaphore(%run_scoped3A_60 : memref<!tpu.dma_semaphore, #tpu.memory_space<semaphore_mem>>)
        %dma_wait3A = arith.constant 0 : i32
        %dma_wait3A_64 = tpu.memref_slice %arg6[%add3A, %dma_wait3A] : memref<20000x128xf32, #tpu.memory_space<hbm>> -> memref<624x128xf32, #tpu.memory_space<hbm>>
        %dma_wait3A_65 = arith.constant 0 : i32
        %dma_wait3A_66 = tpu.memref_slice %arg11[%mul3A_55, %dma_wait3A_65] : memref<10008x128xf32, #tpu.memory_space<vmem_shared>> -> memref<624x128xf32, #tpu.memory_space<vmem_shared>>
        tpu.wait_dma2 semaphore(%run_scoped3A_60 : memref<!tpu.dma_semaphore, #tpu.memory_space<semaphore_mem>>) src(%dma_wait3A_66 : memref<624x128xf32, #tpu.memory_space<vmem_shared>>) dst(%dma_wait3A_64 : memref<624x128xf32, #tpu.memory_space<hbm>>)
        tpu.yield
      }) : () -> ()
    } else {
    }
    %eq3A_50 = arith.constant 15 : i32
    %eq3A_51 = arith.cmpi eq, %arg1, %eq3A_50 : i32
    %convert_element_type3A_52 = arith.extui %eq3A_51 : i1 to i32
    %cond3A_53 = arith.constant 0 : i32
    %cond3A_54 = arith.cmpi ne, %convert_element_type3A_52, %cond3A_53 : i32
    scf.if %cond3A_54 {
      %mul3A = arith.constant 10000 : i32
      %mul3A_55 = arith.muli %arg0, %mul3A : i32
      %add3A = arith.constant 9360 : i32
      %add3A_56 = arith.addi %mul3A_55, %add3A : i32
      "tpu.region"() ({
        %run_scoped3A_57 = tpu.sem_alloc : memref<!tpu.dma_semaphore, #tpu.memory_space<semaphore_mem>>
        %dma_start3A = arith.constant 0 : i32
        %dma_start3A_58 = tpu.memref_slice %arg6[%add3A_56, %dma_start3A] : memref<20000x128xf32, #tpu.memory_space<hbm>> -> memref<640x128xf32, #tpu.memory_space<hbm>>
        %dma_start3A_59 = arith.constant 9360 : i32
        %dma_start3A_60 = arith.constant 0 : i32
        %dma_start3A_61 = tpu.memref_slice %arg11[%dma_start3A_59, %dma_start3A_60] : memref<10008x128xf32, #tpu.memory_space<vmem_shared>> -> memref<640x128xf32, #tpu.memory_space<vmem_shared>>
        tpu.enqueue_dma source(%dma_start3A_61 : memref<640x128xf32, #tpu.memory_space<vmem_shared>>) target(%dma_start3A_58 : memref<640x128xf32, #tpu.memory_space<hbm>>) target_semaphore(%run_scoped3A_57 : memref<!tpu.dma_semaphore, #tpu.memory_space<semaphore_mem>>)
        %dma_wait3A = arith.constant 0 : i32
        %dma_wait3A_62 = tpu.memref_slice %arg6[%add3A_56, %dma_wait3A] : memref<20000x128xf32, #tpu.memory_space<hbm>> -> memref<640x128xf32, #tpu.memory_space<hbm>>
        %dma_wait3A_63 = arith.constant 9360 : i32
        %dma_wait3A_64 = arith.constant 0 : i32
        %dma_wait3A_65 = tpu.memref_slice %arg11[%dma_wait3A_63, %dma_wait3A_64] : memref<10008x128xf32, #tpu.memory_space<vmem_shared>> -> memref<640x128xf32, #tpu.memory_space<vmem_shared>>
        tpu.wait_dma2 semaphore(%run_scoped3A_57 : memref<!tpu.dma_semaphore, #tpu.memory_space<semaphore_mem>>) src(%dma_wait3A_65 : memref<640x128xf32, #tpu.memory_space<vmem_shared>>) dst(%dma_wait3A_62 : memref<640x128xf32, #tpu.memory_space<hbm>>)
        tpu.yield
      }) : () -> ()
    } else {
    }
    return
  }
}

module attributes {stable_mosaic.version = 14 : i64} {
  func.func @_mm_mid_body(%arg0: i32, %arg1: i32, %arg2: memref<1000x128xf32, #tpu.memory_space<vmem>>, %arg3: memref<1000x128xf32, #tpu.memory_space<vmem>>, %arg4: memref<1000x128xf32, #tpu.memory_space<vmem>>, %arg5: memref<1000x128xf32, #tpu.memory_space<vmem>>, %arg6: memref<1000x128xf32, #tpu.memory_space<vmem>>, %arg7: memref<1000x128xf32, #tpu.memory_space<vmem>>, %arg8: memref<1x256xf32, #tpu.memory_space<vmem>>, %arg9: memref<256x128xf32, #tpu.memory_space<vmem>>, %arg10: memref<1000x128xf32, #tpu.memory_space<vmem>>, %arg11: memref<1000x128xf32, #tpu.memory_space<vmem>>) attributes {dimension_semantics = [#tpu.dimension_semantics<arbitrary>, #tpu.dimension_semantics<arbitrary>], iteration_bounds = array<i64: 10, 2>, scalar_prefetch = 0 : i64, scratch_operands = 0 : i64, tpu.core_type = #tpu.core_type<tc>, window_params = [{transform_indices = @transform_0, window_bounds = array<i64: 1000, 128>}, {transform_indices = @transform_1, window_bounds = array<i64: 1000, 128>}, {transform_indices = @transform_2, window_bounds = array<i64: 1000, 128>}, {transform_indices = @transform_3, window_bounds = array<i64: 1000, 128>}, {transform_indices = @transform_4, window_bounds = array<i64: 1000, 128>}, {transform_indices = @transform_5, window_bounds = array<i64: 1000, 128>}, {pipeline_mode = #tpu.pipeline_mode<synchronous>, transform_indices = @transform_6, window_bounds = array<i64: 1, 256>}, {transform_indices = @transform_7, window_bounds = array<i64: 256, 128>}, {transform_indices = @transform_8, window_bounds = array<i64: 1000, 128>}, {transform_indices = @transform_9, window_bounds = array<i64: 1000, 128>}]} {
    %get3A = arith.constant 0 : index
    %get3A_0 = arith.constant 0 : index
    %get3A_1 = vector.load %arg6[%get3A, %get3A_0] : memref<1000x128xf32, #tpu.memory_space<vmem>>, vector<1000x1xf32>
    %get3A_2 = arith.constant 0 : index
    %get3A_3 = arith.constant 0 : index
    %get3A_4 = vector.load %arg7[%get3A_2, %get3A_3] : memref<1000x128xf32, #tpu.memory_space<vmem>>, vector<1000x1xf32>
    %add3A = arith.addf %get3A_1, %get3A_4 : vector<1000x1xf32>
    %add3A_5 = arith.constant 1.000000e+00 : f32
    %add3A_6 = vector.broadcast %add3A_5 : f32 to vector<1000x1xf32>
    %add3A_7 = arith.addf %add3A, %add3A_6 : vector<1000x1xf32>
    %rsqrt3A = math.rsqrt %add3A_7 : vector<1000x1xf32>
    %get3A_8 = arith.constant 0 : index
    %get3A_9 = arith.constant 0 : index
    %get3A_10 = vector.load %arg2[%get3A_8, %get3A_9] : memref<1000x128xf32, #tpu.memory_space<vmem>>, vector<1000x128xf32>
    %get3A_11 = arith.constant 0 : index
    %get3A_12 = arith.constant 0 : index
    %get3A_13 = vector.load %arg3[%get3A_11, %get3A_12] : memref<1000x128xf32, #tpu.memory_space<vmem>>, vector<1000x128xf32>
    %concatenate3A = tpu.concatenate %get3A_10, %get3A_13 in 1 : vector<1000x128xf32>, vector<1000x128xf32> -> vector<1000x256xf32>
    %get3A_14 = arith.constant 0 : index
    %get3A_15 = arith.constant 0 : index
    %get3A_16 = vector.load %arg4[%get3A_14, %get3A_15] : memref<1000x128xf32, #tpu.memory_space<vmem>>, vector<1000x128xf32>
    %get3A_17 = arith.constant 0 : index
    %get3A_18 = arith.constant 0 : index
    %get3A_19 = vector.load %arg5[%get3A_17, %get3A_18] : memref<1000x128xf32, #tpu.memory_space<vmem>>, vector<1000x128xf32>
    %concatenate3A_20 = tpu.concatenate %get3A_16, %get3A_19 in 1 : vector<1000x128xf32>, vector<1000x128xf32> -> vector<1000x256xf32>
    %mul3A = vector.broadcast %rsqrt3A : vector<1000x1xf32> to vector<1000x256xf32>
    %mul3A_21 = arith.mulf %mul3A, %concatenate3A : vector<1000x256xf32>
    %mul3A_22 = arith.mulf %rsqrt3A, %rsqrt3A : vector<1000x1xf32>
    %mul3A_23 = vector.broadcast %mul3A_22 : vector<1000x1xf32> to vector<1000x256xf32>
    %mul3A_24 = arith.mulf %mul3A_23, %concatenate3A_20 : vector<1000x256xf32>
    %add3A_25 = arith.addf %mul3A_21, %mul3A_24 : vector<1000x256xf32>
    %get3A_26 = arith.constant 0 : index
    %get3A_27 = arith.constant 0 : index
    %get3A_28 = vector.load %arg8[%get3A_26, %get3A_27] : memref<1x256xf32, #tpu.memory_space<vmem>>, vector<1x256xf32>
    %add3A_29 = vector.broadcast %get3A_28 : vector<1x256xf32> to vector<1000x256xf32>
    %add3A_30 = arith.addf %add3A_25, %add3A_29 : vector<1000x256xf32>
    %max3A = arith.constant 0.000000e+00 : f32
    %max3A_31 = vector.broadcast %max3A : f32 to vector<1000x256xf32>
    %max3A_32 = arith.maximumf %add3A_30, %max3A_31 : vector<1000x256xf32>
    %get3A_33 = arith.constant 0 : index
    %get3A_34 = arith.constant 0 : index
    %get3A_35 = vector.load %arg9[%get3A_33, %get3A_34] : memref<256x128xf32, #tpu.memory_space<vmem>>, vector<256x128xf32>
    %dot_general3A = arith.constant dense<0.000000e+00> : vector<1000x128xf32>
    %dot_general3A_36 = tpu.matmul %max3A_32, %get3A_35, %dot_general3A {dimension_numbers = #tpu.dot_dimension_numbers<[1], [0], [0], [1], [0, 0, 1, 1], [], []>, transpose_lhs_hint = false} : vector<1000x256xf32>, vector<256x128xf32>, vector<1000x128xf32> -> vector<1000x128xf32>
    %swap3A = arith.constant 0 : index
    %swap3A_37 = arith.constant 0 : index
    %swap3A_38 = vector.load %arg10[%swap3A, %swap3A_37] : memref<1000x128xf32, #tpu.memory_space<vmem>>, vector<1000x128xf32>
    tpu.vector_store %arg10[%swap3A, %swap3A_37], %dot_general3A_36 {strides = array<i32>} : memref<1000x128xf32, #tpu.memory_space<vmem>>, vector<1000x128xf32>,
    %mul3A_39 = vector.broadcast %rsqrt3A : vector<1000x1xf32> to vector<1000x128xf32>
    %mul3A_40 = arith.mulf %dot_general3A_36, %mul3A_39 : vector<1000x128xf32>
    %swap3A_41 = arith.constant 0 : index
    %swap3A_42 = arith.constant 0 : index
    %swap3A_43 = vector.load %arg11[%swap3A_41, %swap3A_42] : memref<1000x128xf32, #tpu.memory_space<vmem>>, vector<1000x128xf32>
    tpu.vector_store %arg11[%swap3A_41, %swap3A_42], %mul3A_40 {strides = array<i32>} : memref<1000x128xf32, #tpu.memory_space<vmem>>, vector<1000x128xf32>,
    return
  }
  func.func @transform_0(%arg0: i32, %arg1: i32) -> (i32, i32) {
    %c0_i32 = arith.constant 0 : i32
    %c0_i32_0 = arith.constant 0 : i32
    return %arg0, %c0_i32 : i32, i32
  }
  func.func @transform_1(%arg0: i32, %arg1: i32) -> (i32, i32) {
    %add3A = arith.constant 10 : i32
    %add3A_0 = arith.addi %add3A, %arg0 : i32
    %c0_i32 = arith.constant 0 : i32
    %c0_i32_1 = arith.constant 0 : i32
    return %add3A_0, %c0_i32 : i32, i32
  }
  func.func @transform_2(%arg0: i32, %arg1: i32) -> (i32, i32) {
    %c0_i32 = arith.constant 0 : i32
    %c0_i32_0 = arith.constant 0 : i32
    return %arg0, %c0_i32 : i32, i32
  }
  func.func @transform_3(%arg0: i32, %arg1: i32) -> (i32, i32) {
    %add3A = arith.constant 10 : i32
    %add3A_0 = arith.addi %add3A, %arg0 : i32
    %c0_i32 = arith.constant 0 : i32
    %c0_i32_1 = arith.constant 0 : i32
    return %add3A_0, %c0_i32 : i32, i32
  }
  func.func @transform_4(%arg0: i32, %arg1: i32) -> (i32, i32) {
    %c0_i32 = arith.constant 0 : i32
    %c0_i32_0 = arith.constant 0 : i32
    return %arg0, %c0_i32 : i32, i32
  }
  func.func @transform_5(%arg0: i32, %arg1: i32) -> (i32, i32) {
    %add3A = arith.constant 10 : i32
    %add3A_0 = arith.addi %add3A, %arg0 : i32
    %c0_i32 = arith.constant 0 : i32
    %c0_i32_1 = arith.constant 0 : i32
    return %add3A_0, %c0_i32 : i32, i32
  }
  func.func @transform_6(%arg0: i32, %arg1: i32) -> (i32, i32) {
    %c0_i32 = arith.constant 0 : i32
    %c0_i32_0 = arith.constant 0 : i32
    %c0_i32_1 = arith.constant 0 : i32
    return %c0_i32, %c0_i32_0 : i32, i32
  }
  func.func @transform_7(%arg0: i32, %arg1: i32) -> (i32, i32) {
    %c0_i32 = arith.constant 0 : i32
    %c0_i32_0 = arith.constant 0 : i32
    return %c0_i32, %arg1 : i32, i32
  }
  func.func @transform_8(%arg0: i32, %arg1: i32) -> (i32, i32) {
    %mul3A = arith.constant 10 : i32
    %mul3A_0 = arith.muli %arg1, %mul3A : i32
    %add3A = arith.addi %mul3A_0, %arg0 : i32
    %c0_i32 = arith.constant 0 : i32
    %c0_i32_1 = arith.constant 0 : i32
    return %add3A, %c0_i32 : i32, i32
  }
  func.func @transform_9(%arg0: i32, %arg1: i32) -> (i32, i32) {
    %mul3A = arith.constant 10 : i32
    %mul3A_0 = arith.muli %arg1, %mul3A : i32
    %add3A = arith.addi %mul3A_0, %arg0 : i32
    %c0_i32 = arith.constant 0 : i32
    %c0_i32_1 = arith.constant 0 : i32
    return %add3A, %c0_i32 : i32, i32
  }
}

module attributes {stable_mosaic.version = 14 : i64} {
  func.func @_mm1_body(%arg0: i32, %arg1: i32, %arg2: memref<1000x256xf32, #tpu.memory_space<vmem>>, %arg3: memref<256x128xf32, #tpu.memory_space<vmem>>, %arg4: memref<1000x128xf32, #tpu.memory_space<vmem>>, %arg5: memref<1000x128xf32, #tpu.memory_space<vmem>>, %arg6: memref<1000x128xf32, #tpu.memory_space<vmem>>, %arg7: memref<1000x128xf32, #tpu.memory_space<vmem>>) attributes {dimension_semantics = [#tpu.dimension_semantics<arbitrary>, #tpu.dimension_semantics<arbitrary>], iteration_bounds = array<i64: 10, 2>, scalar_prefetch = 0 : i64, scratch_operands = 0 : i64, tpu.core_type = #tpu.core_type<tc>, window_params = [{transform_indices = @transform_0, window_bounds = array<i64: 1000, 256>}, {transform_indices = @transform_1, window_bounds = array<i64: 256, 128>}, {transform_indices = @transform_2, window_bounds = array<i64: 1000, 128>}, {transform_indices = @transform_3, window_bounds = array<i64: 1000, 128>}, {transform_indices = @transform_4, window_bounds = array<i64: 1000, 128>}, {transform_indices = @transform_5, window_bounds = array<i64: 1000, 128>}]} {
    %get3A = arith.constant 0 : index
    %get3A_0 = arith.constant 0 : index
    %get3A_1 = vector.load %arg2[%get3A, %get3A_0] : memref<1000x256xf32, #tpu.memory_space<vmem>>, vector<1000x256xf32>
    %get3A_2 = arith.constant 0 : index
    %get3A_3 = arith.constant 0 : index
    %get3A_4 = vector.load %arg3[%get3A_2, %get3A_3] : memref<256x128xf32, #tpu.memory_space<vmem>>, vector<256x128xf32>
    %dot_general3A = arith.constant dense<0.000000e+00> : vector<1000x128xf32>
    %dot_general3A_5 = tpu.matmul %get3A_1, %get3A_4, %dot_general3A {dimension_numbers = #tpu.dot_dimension_numbers<[1], [0], [0], [1], [0, 0, 1, 1], [], []>, transpose_lhs_hint = false} : vector<1000x256xf32>, vector<256x128xf32>, vector<1000x128xf32> -> vector<1000x128xf32>
    %get3A_6 = arith.constant 0 : index
    %get3A_7 = arith.constant 0 : index
    %get3A_8 = vector.load %arg4[%get3A_6, %get3A_7] : memref<1000x128xf32, #tpu.memory_space<vmem>>, vector<1000x1xf32>
    %get3A_9 = arith.constant 0 : index
    %get3A_10 = arith.constant 0 : index
    %get3A_11 = vector.load %arg5[%get3A_9, %get3A_10] : memref<1000x128xf32, #tpu.memory_space<vmem>>, vector<1000x1xf32>
    %add3A = arith.addf %get3A_8, %get3A_11 : vector<1000x1xf32>
    %add3A_12 = arith.constant 1.000000e+00 : f32
    %add3A_13 = vector.broadcast %add3A_12 : f32 to vector<1000x1xf32>
    %add3A_14 = arith.addf %add3A, %add3A_13 : vector<1000x1xf32>
    %rsqrt3A = math.rsqrt %add3A_14 : vector<1000x1xf32>
    %swap3A = arith.constant 0 : index
    %swap3A_15 = arith.constant 0 : index
    %swap3A_16 = vector.load %arg6[%swap3A, %swap3A_15] : memref<1000x128xf32, #tpu.memory_space<vmem>>, vector<1000x128xf32>
    tpu.vector_store %arg6[%swap3A, %swap3A_15], %dot_general3A_5 {strides = array<i32>} : memref<1000x128xf32, #tpu.memory_space<vmem>>, vector<1000x128xf32>,
    %mul3A = vector.broadcast %rsqrt3A : vector<1000x1xf32> to vector<1000x128xf32>
    %mul3A_17 = arith.mulf %dot_general3A_5, %mul3A : vector<1000x128xf32>
    %swap3A_18 = arith.constant 0 : index
    %swap3A_19 = arith.constant 0 : index
    %swap3A_20 = vector.load %arg7[%swap3A_18, %swap3A_19] : memref<1000x128xf32, #tpu.memory_space<vmem>>, vector<1000x128xf32>
    tpu.vector_store %arg7[%swap3A_18, %swap3A_19], %mul3A_17 {strides = array<i32>} : memref<1000x128xf32, #tpu.memory_space<vmem>>, vector<1000x128xf32>,
    return
  }
  func.func @transform_0(%arg0: i32, %arg1: i32) -> (i32, i32) {
    %c0_i32 = arith.constant 0 : i32
    %c0_i32_0 = arith.constant 0 : i32
    return %arg0, %c0_i32 : i32, i32
  }
  func.func @transform_1(%arg0: i32, %arg1: i32) -> (i32, i32) {
    %c0_i32 = arith.constant 0 : i32
    %c0_i32_0 = arith.constant 0 : i32
    return %c0_i32, %arg1 : i32, i32
  }
  func.func @transform_2(%arg0: i32, %arg1: i32) -> (i32, i32) {
    %c0_i32 = arith.constant 0 : i32
    %c0_i32_0 = arith.constant 0 : i32
    return %arg0, %c0_i32 : i32, i32
  }
  func.func @transform_3(%arg0: i32, %arg1: i32) -> (i32, i32) {
    %add3A = arith.constant 10 : i32
    %add3A_0 = arith.addi %add3A, %arg0 : i32
    %c0_i32 = arith.constant 0 : i32
    %c0_i32_1 = arith.constant 0 : i32
    return %add3A_0, %c0_i32 : i32, i32
  }
  func.func @transform_4(%arg0: i32, %arg1: i32) -> (i32, i32) {
    %mul3A = arith.constant 10 : i32
    %mul3A_0 = arith.muli %arg1, %mul3A : i32
    %add3A = arith.addi %mul3A_0, %arg0 : i32
    %c0_i32 = arith.constant 0 : i32
    %c0_i32_1 = arith.constant 0 : i32
    return %add3A, %c0_i32 : i32, i32
  }
  func.func @transform_5(%arg0: i32, %arg1: i32) -> (i32, i32) {
    %mul3A = arith.constant 10 : i32
    %mul3A_0 = arith.muli %arg1, %mul3A : i32
    %add3A = arith.addi %mul3A_0, %arg0 : i32
    %c0_i32 = arith.constant 0 : i32
    %c0_i32_1 = arith.constant 0 : i32
    return %add3A, %c0_i32 : i32, i32
  }
}

module attributes {stable_mosaic.version = 14 : i64} {
  func.func @_final_body(%arg0: i32, %arg1: memref<1000x128xf32, #tpu.memory_space<vmem>>, %arg2: memref<1000x128xf32, #tpu.memory_space<vmem>>, %arg3: memref<1000x128xf32, #tpu.memory_space<vmem>>, %arg4: memref<1000x128xf32, #tpu.memory_space<vmem>>, %arg5: memref<1000x128xf32, #tpu.memory_space<vmem>>, %arg6: memref<1000x128xf32, #tpu.memory_space<vmem>>, %arg7: memref<1x256xf32, #tpu.memory_space<vmem>>, %arg8: memref<1000x256xf32, #tpu.memory_space<vmem>>) attributes {dimension_semantics = [#tpu.dimension_semantics<arbitrary>], iteration_bounds = array<i64: 10>, scalar_prefetch = 0 : i64, scratch_operands = 0 : i64, tpu.core_type = #tpu.core_type<tc>, window_params = [{transform_indices = @transform_0, window_bounds = array<i64: 1000, 128>}, {transform_indices = @transform_1, window_bounds = array<i64: 1000, 128>}, {transform_indices = @transform_2, window_bounds = array<i64: 1000, 128>}, {transform_indices = @transform_3, window_bounds = array<i64: 1000, 128>}, {transform_indices = @transform_4, window_bounds = array<i64: 1000, 128>}, {transform_indices = @transform_5, window_bounds = array<i64: 1000, 128>}, {pipeline_mode = #tpu.pipeline_mode<synchronous>, transform_indices = @transform_6, window_bounds = array<i64: 1, 256>}, {transform_indices = @transform_7, window_bounds = array<i64: 1000, 256>}]} {
    %get3A = arith.constant 0 : index
    %get3A_0 = arith.constant 0 : index
    %get3A_1 = vector.load %arg5[%get3A, %get3A_0] : memref<1000x128xf32, #tpu.memory_space<vmem>>, vector<1000x1xf32>
    %get3A_2 = arith.constant 0 : index
    %get3A_3 = arith.constant 0 : index
    %get3A_4 = vector.load %arg6[%get3A_2, %get3A_3] : memref<1000x128xf32, #tpu.memory_space<vmem>>, vector<1000x1xf32>
    %add3A = arith.addf %get3A_1, %get3A_4 : vector<1000x1xf32>
    %add3A_5 = arith.constant 1.000000e+00 : f32
    %add3A_6 = vector.broadcast %add3A_5 : f32 to vector<1000x1xf32>
    %add3A_7 = arith.addf %add3A, %add3A_6 : vector<1000x1xf32>
    %rsqrt3A = math.rsqrt %add3A_7 : vector<1000x1xf32>
    %get3A_8 = arith.constant 0 : index
    %get3A_9 = arith.constant 0 : index
    %get3A_10 = vector.load %arg1[%get3A_8, %get3A_9] : memref<1000x128xf32, #tpu.memory_space<vmem>>, vector<1000x128xf32>
    %get3A_11 = arith.constant 0 : index
    %get3A_12 = arith.constant 0 : index
    %get3A_13 = vector.load %arg2[%get3A_11, %get3A_12] : memref<1000x128xf32, #tpu.memory_space<vmem>>, vector<1000x128xf32>
    %concatenate3A = tpu.concatenate %get3A_10, %get3A_13 in 1 : vector<1000x128xf32>, vector<1000x128xf32> -> vector<1000x256xf32>
    %get3A_14 = arith.constant 0 : index
    %get3A_15 = arith.constant 0 : index
    %get3A_16 = vector.load %arg3[%get3A_14, %get3A_15] : memref<1000x128xf32, #tpu.memory_space<vmem>>, vector<1000x128xf32>
    %get3A_17 = arith.constant 0 : index
    %get3A_18 = arith.constant 0 : index
    %get3A_19 = vector.load %arg4[%get3A_17, %get3A_18] : memref<1000x128xf32, #tpu.memory_space<vmem>>, vector<1000x128xf32>
    %concatenate3A_20 = tpu.concatenate %get3A_16, %get3A_19 in 1 : vector<1000x128xf32>, vector<1000x128xf32> -> vector<1000x256xf32>
    %mul3A = vector.broadcast %rsqrt3A : vector<1000x1xf32> to vector<1000x256xf32>
    %mul3A_21 = arith.mulf %mul3A, %concatenate3A : vector<1000x256xf32>
    %mul3A_22 = arith.mulf %rsqrt3A, %rsqrt3A : vector<1000x1xf32>
    %mul3A_23 = vector.broadcast %mul3A_22 : vector<1000x1xf32> to vector<1000x256xf32>
    %mul3A_24 = arith.mulf %mul3A_23, %concatenate3A_20 : vector<1000x256xf32>
    %add3A_25 = arith.addf %mul3A_21, %mul3A_24 : vector<1000x256xf32>
    %get3A_26 = arith.constant 0 : index
    %get3A_27 = arith.constant 0 : index
    %get3A_28 = vector.load %arg7[%get3A_26, %get3A_27] : memref<1x256xf32, #tpu.memory_space<vmem>>, vector<1x256xf32>
    %add3A_29 = vector.broadcast %get3A_28 : vector<1x256xf32> to vector<1000x256xf32>
    %add3A_30 = arith.addf %add3A_25, %add3A_29 : vector<1000x256xf32>
    %swap3A = arith.constant 0 : index
    %swap3A_31 = arith.constant 0 : index
    %swap3A_32 = vector.load %arg8[%swap3A, %swap3A_31] : memref<1000x256xf32, #tpu.memory_space<vmem>>, vector<1000x256xf32>
    tpu.vector_store %arg8[%swap3A, %swap3A_31], %add3A_30 {strides = array<i32>} : memref<1000x256xf32, #tpu.memory_space<vmem>>, vector<1000x256xf32>,
    return
  }
  func.func @transform_0(%arg0: i32) -> (i32, i32) {
    %c0_i32 = arith.constant 0 : i32
    %c0_i32_0 = arith.constant 0 : i32
    return %arg0, %c0_i32 : i32, i32
  }
  func.func @transform_1(%arg0: i32) -> (i32, i32) {
    %add3A = arith.constant 10 : i32
    %add3A_0 = arith.addi %add3A, %arg0 : i32
    %c0_i32 = arith.constant 0 : i32
    %c0_i32_1 = arith.constant 0 : i32
    return %add3A_0, %c0_i32 : i32, i32
  }
  func.func @transform_2(%arg0: i32) -> (i32, i32) {
    %c0_i32 = arith.constant 0 : i32
    %c0_i32_0 = arith.constant 0 : i32
    return %arg0, %c0_i32 : i32, i32
  }
  func.func @transform_3(%arg0: i32) -> (i32, i32) {
    %add3A = arith.constant 10 : i32
    %add3A_0 = arith.addi %add3A, %arg0 : i32
    %c0_i32 = arith.constant 0 : i32
    %c0_i32_1 = arith.constant 0 : i32
    return %add3A_0, %c0_i32 : i32, i32
  }
  func.func @transform_4(%arg0: i32) -> (i32, i32) {
    %c0_i32 = arith.constant 0 : i32
    %c0_i32_0 = arith.constant 0 : i32
    return %arg0, %c0_i32 : i32, i32
  }
  func.func @transform_5(%arg0: i32) -> (i32, i32) {
    %add3A = arith.constant 10 : i32
    %add3A_0 = arith.addi %add3A, %arg0 : i32
    %c0_i32 = arith.constant 0 : i32
    %c0_i32_1 = arith.constant 0 : i32
    return %add3A_0, %c0_i32 : i32, i32
  }
  func.func @transform_6(%arg0: i32) -> (i32, i32) {
    %c0_i32 = arith.constant 0 : i32
    %c0_i32_0 = arith.constant 0 : i32
    %c0_i32_1 = arith.constant 0 : i32
    return %c0_i32, %c0_i32_0 : i32, i32
  }
  func.func @transform_7(%arg0: i32) -> (i32, i32) {
    %c0_i32 = arith.constant 0 : i32
    %c0_i32_0 = arith.constant 0 : i32
    return %arg0, %c0_i32 : i32, i32
  }
}

</mosaic_0001>

<sc_bundles>
// kernel: kernel.10.cloned.1.call-start
scs
__scs_entry_jumppad:
0x0: {  	(pc) =	sbr.rel $0x88, $3  }
0x1: {  	(tag) =	ssettag $0x0;
	lr =	simm.s32 $0x1  }
0x2: {  	[smem:$0x3F99] =	sst lr;
	_ =	strace $0xD0000000  }
0x3: {  	_ = 	snop  }
0x4: {  	_ = 	snop  }
0x5: {  	_ = 	snop  }
0x6: {  	_ = 	snop  }
0x7: {  	_ = 	snop  }
__scs_overlays_trampoline_lowered:
0x8: {  	[smem:$0x3FA8] =	sst s0  }
0x9: {  	[smem:$0x3FA9] =	sst s1  }
0xa: {  	[smem:$0x3FAA] =	sst s2  }
0xb: {  	[smem:$0x3FAB] =	sst s3  }
0xc: {  	[smem:$0x3FAC] =	sst s4  }
0xd: {  	[smem:$0x3FAD] =	sst s5  }
0xe: {  	[smem:$0x3FAE] =	sst s6  }
0xf: {  	[smem:$0x3FAF] =	sst s7  }
0x10: {  	[smem:$0x3FB0] =	sst s8  }
0x11: {  	[smem:$0x3FB1] =	sst s9;
	s0 =	simm.s32 @!p0 $0x0  }
0x12: {  	s1 =	sld [smem:$0x3F97];
	s0 =	simm.s32 @p0 $0x1  }
0x13: {  	[smem:$0x3FB2] =	sst s0;
	s0 =	simm.s32 @!p1 $0x0  }
0x14: {  	s2 =	sld [smem:$0x3F96];
	s0 =	simm.s32 @p1 $0x1  }
0x15: {  	[smem:$0x3FB3] =	sst s0;
	s0 =	simm.s32 @!p2 $0x0  }
0x16: {  	s3 =	sld [smem:$0x3FDB];
	s0 =	simm.s32 @p2 $0x1  }
0x17: {  	s4 =	simm.s32 $0x1BF5;
	[smem:$0x3FB5] =	sst s0  }
0x18: {  	s0 =	sld [smem:$0x3F98];
	_ =	swait.ge [sflag:s4], $0x0  }
0x19: {  	s7 =	sld [smem:$0x3F99]  }
0x1a: {  	s8 =	sadd.s32 $0xFFFFE003, lr  }
0x1b: {  	s9 =	sadd.s32 $0xFFFFFEF7, lr;
	s5 =	simm.s32 $0xFFFFFFFF;
	p2 =	slt.u32 s8, $0xFFFFF086  }
0x1c: {  	p1 =	slt.u32 s9, $0xF7A;
	s5 =	simm.s32 @!p2 $0x0  }
0x1d: {  	s5 =	simm.s32 @p1 $0x1;
	p0 =	seq.s32 s7, s2  }
0x1e: {  	s7 =	smul.u32 @!p0 $0xF7A, s2;
	p2 =	seq.s32 @!p0 s5, $0x0  }
0x1f: {  	s9 =	smul.u32 $0xF7A, s1;
	s8 =	simm.s32 @!p0 $0x1BF5;
	p2 =	por !p2, p0  }
0x20: {  	[sflag:s8] =	ssyncset.s32 @!p0 $0xFFFFF086;
	s6 =	sadd.s32 @!p0 s3, s7;
	s7 =	simm.s32 @!p0 $0x108  }
0x21: {  	s3 =	sadd.s32 s3, s9;
	s6 =	sadd.s32 @!p0 $0x88, s6;
	s7 =	simm.s32 @p2 $0x1082  }
0x22: {  	[simem:s7], [sflag:s8] =	dma.local @!p0 [hbm:s6], $0xF7A  }
0x23: {  	s9 =	sor.u32 $0xD0000000, s2;
	s6 =	simm.s32 $0x108;
	_ =	swait.ge @!p0 [sflag:s8], $0x0  }
0x24: {  	s3 =	sadd.s32 $0x88, s3;
	s6 =	simm.s32 @!p1 $0x1082;
	[sflag:s4] =	ssyncset.s32 $0xFFFFF086  }
0x25: {  	[simem:s6], [sflag:s4] =	dma.local [hbm:s3], $0xF7A  }
0x26: {  	[smem:$0x3F99] =	sst s1;
	(tag) =	ssettag s2;
	_ =	strace s9  }
0x27: {  	s1 =	sld [smem:$0x3FA9]  }
0x28: {  	s2 =	sld [smem:$0x3FAA]  }
0x29: {  	s4 =	sld [smem:$0x3FAC]  }
0x2a: {  	p0 =	seq.s32 s5, $0x0;
	s5 =	sld [smem:$0x3FAD]  }
0x2b: {  	s6 =	sld [smem:$0x3FAE]  }
0x2c: {  	s7 =	sld [smem:$0x3FAF]  }
0x2d: {  	s3 =	simm.s32 $0x108;
	s8 =	sld [smem:$0x3FB0]  }
0x2e: {  	s3 =	simm.s32 @!p0 $0x1082;
	s9 =	sld [smem:$0x3FB1]  }
0x2f: {  	lr =	sadd.s32 s0, s3;
	s0 =	sld [smem:$0x3FA8]  }
0x30: {  	s3 =	sld [smem:$0x3FAB]  }
0x31: {  	[smem:$0x3FB4] =	sst s10  }
0x32: {  	s10 =	sld [smem:$0x3FB2];
	_ =	sdelay $0x3  }
0x33: {  	p0 =	seq.s32 s10, $0x1;
	s10 =	sld [smem:$0x3FB4];
	_ =	sdelay $0x3  }
0x34: {  	[smem:$0x3FB4] =	sst s10  }
0x35: {  	s10 =	sld [smem:$0x3FB3];
	_ =	sdelay $0x3  }
0x36: {  	p1 =	seq.s32 s10, $0x1;
	s10 =	sld [smem:$0x3FB4];
	_ =	sdelay $0x3  }
0x37: {  	[smem:$0x3FB4] =	sst s10  }
0x38: {  	s10 =	sld [smem:$0x3FB5]  }
0x39: {  	_ = 	snop;
	(pc) =	sbr.ind lr, $3  }
0x3a: {  	_ = 	snop  }
0x3b: {  	_ = 	snop  }
0x3c: {  	p2 =	seq.s32 s10, $0x1;
	s10 =	sld [smem:$0x3FB4]  }
0x3d: {  	_ =	shalt  }
0x3e: {  	_ =	shalt  }
0x3f: {  	_ =	shalt  }
0x40: {  	_ =	shalt  }
0x41: {  	_ =	shalt  }
0x42: {  	_ =	shalt  }
0x43: {  	_ =	shalt  }
0x44: {  	_ =	shalt  }
0x45: {  	_ =	shalt  }
0x46: {  	_ =	shalt  }
0x47: {  	_ =	shalt  }
0x48: {  	_ =	shalt  }
0x49: {  	_ =	shalt  }
0x4a: {  	_ =	shalt  }
0x4b: {  	_ =	shalt  }
0x4c: {  	_ =	shalt  }
0x4d: {  	_ =	shalt  }
0x4e: {  	_ =	shalt  }
0x4f: {  	_ =	shalt  }
0x50: {  	_ =	shalt  }
0x51: {  	_ =	shalt  }
0x52: {  	_ =	shalt  }
0x53: {  	_ =	shalt  }
0x54: {  	_ =	shalt  }
0x55: {  	_ =	shalt  }
0x56: {  	_ =	shalt  }
0x57: {  	_ =	shalt  }
0x58: {  	_ =	shalt  }
0x59: {  	_ =	shalt  }
0x5a: {  	_ =	shalt  }
0x5b: {  	_ =	shalt  }
0x5c: {  	_ =	shalt  }
0x5d: {  	_ =	shalt  }
0x5e: {  	_ =	shalt  }
0x5f: {  	_ =	shalt  }
0x60: {  	_ =	shalt  }
0x61: {  	_ =	shalt  }
0x62: {  	_ =	shalt  }
0x63: {  	_ =	shalt  }
0x64: {  	_ =	shalt  }
0x65: {  	_ =	shalt  }
0x66: {  	_ =	shalt  }
0x67: {  	_ =	shalt  }
0x68: {  	_ =	shalt  }
0x69: {  	_ =	shalt  }
0x6a: {  	_ =	shalt  }
0x6b: {  	_ =	shalt  }
0x6c: {  	_ =	shalt  }
0x6d: {  	_ =	shalt  }
0x6e: {  	_ =	shalt  }
0x6f: {  	_ =	shalt  }
0x70: {  	_ =	shalt  }
0x71: {  	_ =	shalt  }
0x72: {  	_ =	shalt  }
0x73: {  	_ =	shalt  }
0x74: {  	_ =	shalt  }
0x75: {  	_ =	shalt  }
0x76: {  	_ =	shalt  }
0x77: {  	_ =	shalt  }
0x78: {  	_ =	shalt  }
0x79: {  	_ =	shalt  }
0x7a: {  	_ =	shalt  }
0x7b: {  	_ =	shalt  }
0x7c: {  	_ =	shalt  }
0x7d: {  	_ =	shalt  }
0x7e: {  	_ =	shalt  }
0x7f: {  	_ =	shalt  }
0x80: {  	_ =	shalt  }
0x81: {  	_ =	shalt  }
0x82: {  	_ =	shalt  }
0x83: {  	_ =	shalt  }
0x84: {  	_ =	shalt  }
0x85: {  	_ =	shalt  }
0x86: {  	_ =	shalt  }
0x87: {  	_ =	shalt  }
.Lfunc_end0:
.L_simem_size_0:
called_computation_lowered:
.L_overlay_start_0:
0x88: {  	s2 =	sld [smem:$0x3FD9]  }
0x89: {  	s3 =	sld [smem:$0x3FFE];
	_ =	sdelay $0x1  }
0x8a: {  	s1 =	srdreg.scid  }
0x8b: {  	s0 =	sand.u32 $0x1, s1  }
0x8c: {  	s17 =	sshll.u32 s0, $0xA;
	s2 =	sadd.s32 s3, s2  }
0x8d: {  	s2 =	sadd.s32 s2, s17  }
0x8e: {  	[smem:$0x3FC0] =	sst s2  }
0x8f: {  	_ = 	snop  }
0x90: {  	s2 =	sld [smem:$0x3FD0];
	(tm) =	ssettm $0x1  }
0x91: {  	s18 =	sld [smem:$0x3FFB];
	_ =	sdelay $0x3  }
0x92: {  	_ =	strace s18  }
0x93: {  	s3 =	sld [smem:$0x3FFC];
	_ =	sdelay $0x3  }
0x94: {  	_ =	strace s3  }
0x95: {  	s3 =	sld [smem:$0x3FFD];
	_ =	sdelay $0x3  }
0x96: {  	_ =	strace s3  }
0x97: {  	_ =	strace $0x8FFFFFFF  }
0x98: {  	s19 =	sld [smem:$0x3FDB];
	_ =	sdelay $0x1  }
0x99: {  	s4 =	simm.s32 $_scs_section_size  }
0x9a: {  	s5 =	simm.s32 $_size__tile_overlayer_lowered;
	s6 =	simm.s32 $_tile_overlayer_lowered  }
0x9b: {  	s22 =	simm.s32 $0x1BFF;
	s21 =	sshll.u32 s6, $0x1;
	s3 =	sadd.s32 s4, s19  }
0x9c: {  	s7 =	simm.s32 $0x0;
	s20 =	sshll.u32 s5, $0x1;
	s5 =	sadd.s32 s21, s3  }
0x9d: {  	[timem:s7], [sflag:s22] =	dma.local [hbm:s5], s20  }
0x9e: {  	_ =	swait.ge [sflag:s22], s20  }
0x9f: {  	s4 =	ssub.s32 $0x0, s20;
	[sflag:s22] =	ssyncset.done $0x0  }
0xa0: {  	[sflag:s22] =	ssyncadd.s32 s4;
	_ =	sdelay $0x1  }
0xa1: {  	s23 =	simm.s32 $0x1B8B  }
0xa2: {  	_ =	swait.ge [sflag:s23], $0x1  }
0xa3: {  	[sflag:s23] =	ssyncset.done $0x0  }
0xa4: {  	s25 =	simm.s32 $0x1B8E;
	s24 =	sld [smem:$0x3FFE];
	[sflag:s23] =	ssyncadd.s32 $0xFFFFFFFF  }
0xa5: {  	s26 =	simm.s32 $execute0_lowered;
	[smem:$0x3FD2] =	sst s25  }
0xa6: {  	s5 =	sshll.u32 s26, $0x1;
	_ =	strace $0x80000046;
	[dreg:$0x1] =	wrdreg $0xFFFFFFFF  }
0xa7: {  	s28 =	simm.s32 $_size_execute0_lowered;
	s3 =	sadd.s32 s3, s5;
	[dreg:$0x0] =	wrdreg $0x0  }
0xa8: {  	s5 =	sshll.u32 s28, $0x1;
	[dreg:$0x2] =	wrdreg s3  }
0xa9: {  	[dreg:$0x3] =	wrdreg s5  }
0xaa: {  	[dreg:$0x4] =	wrdreg $0xC0  }
0xab: {  	_ =	task [dreg:s7], $0x5FFFF  }
0xac: {  	[dreg:$0x1] =	wrdreg $0xFFFFFFFF  }
0xad: {  	[dreg:$0x0] =	wrdreg $0x60  }
0xae: {  	[dreg:$0x2] =	wrdreg s24  }
0xaf: {  	[dreg:$0x3] =	wrdreg s2  }
0xb0: {  	[dreg:$0x4] =	wrdreg $0x68000  }
0xb1: {  	[dreg:$0x5] =	wrdreg $0x9  }
0xb2: {  	_ =	task.clear_ibuf [dreg:s7], $0x6FFFF;
	_ =	strace $0x90000046  }
0xb3: {  	s29 =	simm.s32 $0x9;
	_ =	strace $0x80000048  }
0xb4: {  	_ =	swait.ge [sflag:s29], $0x1  }
0xb5: {  	[sflag:s29] =	ssyncadd.s32 $0xFFFFFFFF  }
0xb6: {  	_ =	strace $0x90000048  }
0xb7: {  	_ =	sfence  }
0xb8: {  	s30 =	sld [smem:$0x0];
	_ =	sdelay $0x2  }
0xb9: {  	s31 =	sshll.u32 s1, $0xD;
	s1 =	sshrl.u32 s1, $0x2  }
0xba: {  	s3 =	sand.u32 $0x4000, s31;
	s1 =	sadd.s32 s1, s30  }
0xbb: {  	s0 =	sor.u32 s3, s0;
	s1 =	sshll.u32 s1, $0x11  }
0xbc: {  	s0 =	sor.u32 s1, s0  }
0xbd: {  	s0 =	sadd.s32 $0x8F2B, s0  }
0xbe: {  	[sflag:s0] =	ssyncadd.remote.s32 $0x1  }
0xbf: {  	_ =	sfence.sel $0xFFFF  }
0xc0: {  	[dreg:$0x0] =	wrdreg $0xFFFFFFFF;
	(pc) =	sbr.abs _section_cstart, $3  }
0xc1: {  	[dreg:$0x1] =	wrdreg $0xFFFFFFFF  }
0xc2: {  	_ =	task.clear_ibuf [dreg:s7], $0x2FFFF;
	_ =	strace $0x9FFFFFFF  }
0xc3: {  	(tm) =	ssettm $0x7FFFFFFF  }
tec
execute0_lowered:
.L_overlay_start_1:
0x0: {  	(tag) =	ssettag $0x1  }
0x1: {  	s6 =	rddreg [dreg:$0x0]  }
0x2: {  	s1 =	rddreg [dreg:$0x1]  }
0x3: {  	s3 =	rddreg [dreg:$0x2];
	s2 =	stileid.u32  }
0x4: {  	s0 =	rddreg [dreg:$0x3];
	s5 =	smul.u32 $0x500, s2  }
0x5: {  	s4 =	simm.s32 $0x0;
	s7 =	srdreg.scid;
	s26 =	smul.u32 $0x4E000, s2  }
0x6: {  	s17 =	simm.s32 $0x0;
	s8 =	sand.u32 $0x1, s7;
	s12 =	smul.u32 $0x2700, s2  }
0x7: {  	[smem:$0x7FF] =	sst s4;
	s16 =	sadd.s32 $0x124800, s3;
	s10 =	smul.u32 $0x27100, s8  }
0x8: {  	s11 =	sadd.s32 $0x9E00, s6;
	p0 =	seq.s32 s2, $0xF;
	s14 =	smul.u32 $0x138800, s8  }
0x9: {  	_ =	strace $0x80000047;
	s28 =	ssub.s32 $0x2, s8;
	s31 =	smul.u32 $0x5000, s8  }
0xa: {  	s9 =	sadd.s32 s5, s6;
	s13 =	sshrl.u32 s28, $0x1;
	s7 =	sshrl.u32 s26, $0x2  }
0xb: {  	s5 =	sadd.s32 $0x7600, s6;
	s13 =	ssub.s32 s28, s13;
	s15 =	sadd.s32 s7, s3  }
0xc: {  	s6 =	sadd.s32 $0x2600, s9;
	s29 =	sadd.s32 s12, s10;
	s30 =	sshrl.u32 s14, $0x3  }
0xd: {  	s10 =	sshrl.u32 s31, $0x2;
	s12 =	sshll.u32 @!p0 s2, $0x6;
	s14 =	simm.s32 $0x1  }
0xe: {  	s7 =	sadd.s32 s11, s29;
	s9 =	sadd.s32 s11, s30;
	s11 =	sshrl.u32 @p0 s16, $0x3  }
0xf: {  	s12 =	sor.u32 @!p0 $0x1C01, s12;
	s16 =	simm.s32 $0x80;
	s8 =	sadd.s32 $0x24900, s9  }
0x10: {  	s9 =	smax.u32 s13, $0x1;
	s13 =	sshrl.u32 @!p0 s15, $0x3;
	s15 =	simm.s32 $0x2800  }
.LBB2_1:
0x11: {  	s18 =	simm.s32 @p0 $0x1FC1  }
0x12: {  	[spmem:s11], [sflag:s18] =	dma.local @p0 [hbm:s5], $0x2800  }
0x13: {  	s18 =	simm.s32 @p0 $0x1  }
0x14: {  	_ =	swait.ge @p0 [sflag:s18], $0x2800  }
0x15: {  	[sflag:s18] =	ssyncset.done @p0 $0x0  }
0x16: {  	[sflag:s18] =	ssyncadd.s32 @p0 $0xFFFFD800;
	s18 =	simm.s32 @!p0 $0x1  }
0x17: {  	[spmem:s13], [sflag:s12] =	dma.local @!p0 [hbm:s5], $0x2700  }
0x18: {  	_ =	swait.ge @!p0 [sflag:s18], $0x2700  }
0x19: {  	[sflag:s18] =	ssyncset.done @!p0 $0x0  }
0x1a: {  	[sflag:s18] =	ssyncadd.s32 @!p0 $0xFFFFD900  }
0x1b: {  	[tilespmem:s4], [sflag:$0x1] =	stream.linear.gather [hbm4b:s6+s4], $0x2800, $0x38;
	[tilespmem:$0x1A0C0] =	vst v63  }
0x1c: {  	_ =	swait.ge [sflag:s14], $0x2800  }
0x1d: {  	[sflag:s14] =	ssyncset.done $0x0  }
0x1e: {  	[sflag:s14] =	ssyncadd.s32 $0xFFFFD800  }
0x1f: {  	[tilespmem:s15], [sflag:$0x1] =	stream.linear.gather [hbm4b:s1+s4], $0x4000, $0x38;
	[tilespmem:$0x1A0C0] =	vst v63  }
0x20: {  	_ =	swait.ge [sflag:s14], $0x4000  }
0x21: {  	[sflag:s14] =	ssyncset.done $0x0  }
0x22: {  	[sflag:s14] =	ssyncadd.s32 $0xFFFFC000  }
0x23: {  	s31 =	sadd.s32 $0x0, s10;
	[bflag:$0x0] =	sbarrier.arrive $0xFFFF  }
0x24: {  	[spmem:s3] =	stream.indirect.scatter.add.f32 [tilespmem:s15], [sflag:$0x1], $0x80, s31, s16, $0xb8;
	[tilespmem:$0x1A0C0] =	vst v63  }
0x25: {  	s18 =	simm.s32 $0x200;
	_ =	swait.ge [sflag:s14], $0x4000  }
.LBB2_2:
0x26: {  	s19 =	sshra.s32 s18, $0x2;
	[sflag:s14] =	ssyncset.done $0x0;
	p1 =	sne.s32 s18, $0x4E00  }
.Ltmp0:
0x27: {  	s19 =	sadd.s32 s19, s10;
	[sflag:s14] =	ssyncadd.s32 $0xFFFFC000;
	(pc) =	sbr.rel @p1 .LBB2_2-.Ltmp0, $3  }
0x28: {  	[spmem:s3] =	stream.indirect.scatter.add.f32 [tilespmem:s15], [sflag:$0x1], $0x80, s19, s16, $0xb8;
	[tilespmem:$0x1A0C0] =	vst v63  }
0x29: {  	s18 =	sadd.s32 $0x200, s18;
	_ =	sdelay $0x1  }
0x2a: {  	_ =	swait.ge [sflag:s14], $0x4000  }
0x2b: {  	[sflag:s14] =	ssyncset.done $0x0  }
0x2c: {  	[sflag:s14] =	ssyncadd.s32 $0xFFFFC000  }
0x2d: {  	s18 =	simm.s32 @p0 $0x1FC1;
	[bflag:$0x0] =	sbarrier.arrive $0xFFFF  }
0x2e: {  	[hbm:s8], [sflag:s18] =	dma.local @p0 [spmem:s11], $0x2800  }
0x2f: {  	s18 =	simm.s32 @p0 $0x1  }
0x30: {  	s17 =	sadd.s32 $0x1, s17;
	_ =	swait.ge @p0 [sflag:s18], $0x2800  }
0x31: {  	p1 =	sne.s32 s17, s9;
	[sflag:s18] =	ssyncset.done @p0 $0x0  }
.Ltmp1:
0x32: {  	[sflag:s18] =	ssyncadd.s32 @p0 $0xFFFFD800;
	s18 =	simm.s32 @!p0 $0x1;
	(pc) =	sbr.rel @p1 .LBB2_1-.Ltmp1, $4  }
0x33: {  	[hbm:s7], [sflag:s12] =	dma.local @!p0 [spmem:s13], $0x2700  }
0x34: {  	_ =	swait.ge @!p0 [sflag:s18], $0x2700  }
0x35: {  	[sflag:s18] =	ssyncset.done @!p0 $0x0  }
0x36: {  	[sflag:s18] =	ssyncadd.s32 @!p0 $0xFFFFD900  }
0x37: {  	_ =	sfence.sel $0x180000  }
0x38: {  	[bflag:$0x0] =	sbarrier.arrive $0xFFFF  }
0x39: {  	p0 =	sne.s32 s2, $0x0;
	_ =	strace $0x90000047  }
0x3a: {  	s0 =	sadd.s32 @!p0 $0x100000, s0;
	[bflag:$0x2] =	sbarrier.arrive $0xFFFF  }
0x3b: {  	[sflag:s0] =	ssyncadd.tile.s32 @!p0 $0x1;
	_ =	shalt  }
.Lfunc_end2:
_tile_overlayer_lowered:
.L_overlay_start_2:
0x3c: {  	(tag) =	ssettag $0x2  }
0x3d: {  	s0 =	rddreg [dreg:$0x0];
	s2 =	stileid.u32  }
0x3e: {  	s1 =	rddreg [dreg:$0x1];
	p0 =	sne.s32 s2, $0x0  }
0x3f: {  	s3 =	rddreg [dreg:$0x2];
	[bflag:$0x3] =	sbarrier.arrive $0xFFFF;
	s2 =	simm.s32 @!p0 $0x1C01  }
0x40: {  	[timem:s3], [sflag:s2] =	dma.local @!p0 [hbm:s0], s1  }
0x41: {  	s0 =	simm.s32 @!p0 $0x1  }
0x42: {  	_ =	swait.ge @!p0 [sflag:s0], s1  }
0x43: {  	s1 =	ssub.s32 @!p0 $0x0, s1;
	[sflag:s0] =	ssyncset.done @!p0 $0x0  }
0x44: {  	[sflag:s0] =	ssyncadd.s32 @!p0 s1  }
0x45: {  	[bflag:$0x3] =	sbarrier.arrive $0xFFFF  }
0x46: {  	_ =	shalt  }

// kernel: kernel.13.cloned.1.call-start
scs
__scs_entry_jumppad:
0x0: {  	(pc) =	sbr.rel $0x88, $3  }
0x1: {  	(tag) =	ssettag $0x0;
	lr =	simm.s32 $0x1  }
0x2: {  	[smem:$0x3F99] =	sst lr;
	_ =	strace $0xD0000000  }
0x3: {  	_ = 	snop  }
0x4: {  	_ = 	snop  }
0x5: {  	_ = 	snop  }
0x6: {  	_ = 	snop  }
0x7: {  	_ = 	snop  }
__scs_overlays_trampoline_lowered:
0x8: {  	[smem:$0x3FA8] =	sst s0  }
0x9: {  	[smem:$0x3FA9] =	sst s1  }
0xa: {  	[smem:$0x3FAA] =	sst s2  }
0xb: {  	[smem:$0x3FAB] =	sst s3  }
0xc: {  	[smem:$0x3FAC] =	sst s4  }
0xd: {  	[smem:$0x3FAD] =	sst s5  }
0xe: {  	[smem:$0x3FAE] =	sst s6  }
0xf: {  	[smem:$0x3FAF] =	sst s7  }
0x10: {  	[smem:$0x3FB0] =	sst s8  }
0x11: {  	[smem:$0x3FB1] =	sst s9;
	s0 =	simm.s32 @!p0 $0x0  }
0x12: {  	s1 =	sld [smem:$0x3F97];
	s0 =	simm.s32 @p0 $0x1  }
0x13: {  	[smem:$0x3FB2] =	sst s0;
	s0 =	simm.s32 @!p1 $0x0  }
0x14: {  	s2 =	sld [smem:$0x3F96];
	s0 =	simm.s32 @p1 $0x1  }
0x15: {  	[smem:$0x3FB3] =	sst s0;
	s0 =	simm.s32 @!p2 $0x0  }
0x16: {  	s3 =	sld [smem:$0x3FDB];
	s0 =	simm.s32 @p2 $0x1  }
0x17: {  	s4 =	simm.s32 $0x1BF5;
	[smem:$0x3FB5] =	sst s0  }
0x18: {  	s0 =	sld [smem:$0x3F98];
	_ =	swait.ge [sflag:s4], $0x0  }
0x19: {  	s7 =	sld [smem:$0x3F99]  }
0x1a: {  	s8 =	sadd.s32 $0xFFFFE003, lr  }
0x1b: {  	s9 =	sadd.s32 $0xFFFFFEF7, lr;
	s5 =	simm.s32 $0xFFFFFFFF;
	p2 =	slt.u32 s8, $0xFFFFF086  }
0x1c: {  	p1 =	slt.u32 s9, $0xF7A;
	s5 =	simm.s32 @!p2 $0x0  }
0x1d: {  	s5 =	simm.s32 @p1 $0x1;
	p0 =	seq.s32 s7, s2  }
0x1e: {  	s7 =	smul.u32 @!p0 $0xF7A, s2;
	p2 =	seq.s32 @!p0 s5, $0x0  }
0x1f: {  	s9 =	smul.u32 $0xF7A, s1;
	s8 =	simm.s32 @!p0 $0x1BF5;
	p2 =	por !p2, p0  }
0x20: {  	[sflag:s8] =	ssyncset.s32 @!p0 $0xFFFFF086;
	s6 =	sadd.s32 @!p0 s3, s7;
	s7 =	simm.s32 @!p0 $0x108  }
0x21: {  	s3 =	sadd.s32 s3, s9;
	s6 =	sadd.s32 @!p0 $0x88, s6;
	s7 =	simm.s32 @p2 $0x1082  }
0x22: {  	[simem:s7], [sflag:s8] =	dma.local @!p0 [hbm:s6], $0xF7A  }
0x23: {  	s9 =	sor.u32 $0xD0000000, s2;
	s6 =	simm.s32 $0x108;
	_ =	swait.ge @!p0 [sflag:s8], $0x0  }
0x24: {  	s3 =	sadd.s32 $0x88, s3;
	s6 =	simm.s32 @!p1 $0x1082;
	[sflag:s4] =	ssyncset.s32 $0xFFFFF086  }
0x25: {  	[simem:s6], [sflag:s4] =	dma.local [hbm:s3], $0xF7A  }
0x26: {  	[smem:$0x3F99] =	sst s1;
	(tag) =	ssettag s2;
	_ =	strace s9  }
0x27: {  	s1 =	sld [smem:$0x3FA9]  }
0x28: {  	s2 =	sld [smem:$0x3FAA]  }
0x29: {  	s4 =	sld [smem:$0x3FAC]  }
0x2a: {  	p0 =	seq.s32 s5, $0x0;
	s5 =	sld [smem:$0x3FAD]  }
0x2b: {  	s6 =	sld [smem:$0x3FAE]  }
0x2c: {  	s7 =	sld [smem:$0x3FAF]  }
0x2d: {  	s3 =	simm.s32 $0x108;
	s8 =	sld [smem:$0x3FB0]  }
0x2e: {  	s3 =	simm.s32 @!p0 $0x1082;
	s9 =	sld [smem:$0x3FB1]  }
0x2f: {  	lr =	sadd.s32 s0, s3;
	s0 =	sld [smem:$0x3FA8]  }
0x30: {  	s3 =	sld [smem:$0x3FAB]  }
0x31: {  	[smem:$0x3FB4] =	sst s10  }
0x32: {  	s10 =	sld [smem:$0x3FB2];
	_ =	sdelay $0x3  }
0x33: {  	p0 =	seq.s32 s10, $0x1;
	s10 =	sld [smem:$0x3FB4];
	_ =	sdelay $0x3  }
0x34: {  	[smem:$0x3FB4] =	sst s10  }
0x35: {  	s10 =	sld [smem:$0x3FB3];
	_ =	sdelay $0x3  }
0x36: {  	p1 =	seq.s32 s10, $0x1;
	s10 =	sld [smem:$0x3FB4];
	_ =	sdelay $0x3  }
0x37: {  	[smem:$0x3FB4] =	sst s10  }
0x38: {  	s10 =	sld [smem:$0x3FB5]  }
0x39: {  	_ = 	snop;
	(pc) =	sbr.ind lr, $3  }
0x3a: {  	_ = 	snop  }
0x3b: {  	_ = 	snop  }
0x3c: {  	p2 =	seq.s32 s10, $0x1;
	s10 =	sld [smem:$0x3FB4]  }
0x3d: {  	_ =	shalt  }
0x3e: {  	_ =	shalt  }
0x3f: {  	_ =	shalt  }
0x40: {  	_ =	shalt  }
0x41: {  	_ =	shalt  }
0x42: {  	_ =	shalt  }
0x43: {  	_ =	shalt  }
0x44: {  	_ =	shalt  }
0x45: {  	_ =	shalt  }
0x46: {  	_ =	shalt  }
0x47: {  	_ =	shalt  }
0x48: {  	_ =	shalt  }
0x49: {  	_ =	shalt  }
0x4a: {  	_ =	shalt  }
0x4b: {  	_ =	shalt  }
0x4c: {  	_ =	shalt  }
0x4d: {  	_ =	shalt  }
0x4e: {  	_ =	shalt  }
0x4f: {  	_ =	shalt  }
0x50: {  	_ =	shalt  }
0x51: {  	_ =	shalt  }
0x52: {  	_ =	shalt  }
0x53: {  	_ =	shalt  }
0x54: {  	_ =	shalt  }
0x55: {  	_ =	shalt  }
0x56: {  	_ =	shalt  }
0x57: {  	_ =	shalt  }
0x58: {  	_ =	shalt  }
0x59: {  	_ =	shalt  }
0x5a: {  	_ =	shalt  }
0x5b: {  	_ =	shalt  }
0x5c: {  	_ =	shalt  }
0x5d: {  	_ =	shalt  }
0x5e: {  	_ =	shalt  }
0x5f: {  	_ =	shalt  }
0x60: {  	_ =	shalt  }
0x61: {  	_ =	shalt  }
0x62: {  	_ =	shalt  }
0x63: {  	_ =	shalt  }
0x64: {  	_ =	shalt  }
0x65: {  	_ =	shalt  }
0x66: {  	_ =	shalt  }
0x67: {  	_ =	shalt  }
0x68: {  	_ =	shalt  }
0x69: {  	_ =	shalt  }
0x6a: {  	_ =	shalt  }
0x6b: {  	_ =	shalt  }
0x6c: {  	_ =	shalt  }
0x6d: {  	_ =	shalt  }
0x6e: {  	_ =	shalt  }
0x6f: {  	_ =	shalt  }
0x70: {  	_ =	shalt  }
0x71: {  	_ =	shalt  }
0x72: {  	_ =	shalt  }
0x73: {  	_ =	shalt  }
0x74: {  	_ =	shalt  }
0x75: {  	_ =	shalt  }
0x76: {  	_ =	shalt  }
0x77: {  	_ =	shalt  }
0x78: {  	_ =	shalt  }
0x79: {  	_ =	shalt  }
0x7a: {  	_ =	shalt  }
0x7b: {  	_ =	shalt  }
0x7c: {  	_ =	shalt  }
0x7d: {  	_ =	shalt  }
0x7e: {  	_ =	shalt  }
0x7f: {  	_ =	shalt  }
0x80: {  	_ =	shalt  }
0x81: {  	_ =	shalt  }
0x82: {  	_ =	shalt  }
0x83: {  	_ =	shalt  }
0x84: {  	_ =	shalt  }
0x85: {  	_ =	shalt  }
0x86: {  	_ =	shalt  }
0x87: {  	_ =	shalt  }
.Lfunc_end0:
.L_simem_size_0:
called_computation.1_lowered:
.L_overlay_start_0:
0x88: {  	s2 =	sld [smem:$0x3FD9]  }
0x89: {  	s3 =	sld [smem:$0x3FFE];
	_ =	sdelay $0x1  }
0x8a: {  	s1 =	srdreg.scid  }
0x8b: {  	s0 =	sand.u32 $0x1, s1  }
0x8c: {  	s17 =	sshll.u32 s0, $0xA;
	s2 =	sadd.s32 s3, s2  }
0x8d: {  	s2 =	sadd.s32 s2, s17  }
0x8e: {  	[smem:$0x3FC0] =	sst s2  }
0x8f: {  	_ = 	snop  }
0x90: {  	s2 =	sld [smem:$0x3FD0];
	(tm) =	ssettm $0x1  }
0x91: {  	s18 =	sld [smem:$0x3FFB];
	_ =	sdelay $0x3  }
0x92: {  	_ =	strace s18  }
0x93: {  	s3 =	sld [smem:$0x3FFC];
	_ =	sdelay $0x3  }
0x94: {  	_ =	strace s3  }
0x95: {  	s3 =	sld [smem:$0x3FFD];
	_ =	sdelay $0x3  }
0x96: {  	_ =	strace s3  }
0x97: {  	_ =	strace $0x8FFFFFFF  }
0x98: {  	s19 =	sld [smem:$0x3FDB];
	_ =	sdelay $0x1  }
0x99: {  	s4 =	simm.s32 $_scs_section_size  }
0x9a: {  	s5 =	simm.s32 $_size__tile_overlayer_lowered;
	s6 =	simm.s32 $_tile_overlayer_lowered  }
0x9b: {  	s22 =	simm.s32 $0x1BFF;
	s21 =	sshll.u32 s6, $0x1;
	s3 =	sadd.s32 s4, s19  }
0x9c: {  	s7 =	simm.s32 $0x0;
	s20 =	sshll.u32 s5, $0x1;
	s5 =	sadd.s32 s21, s3  }
0x9d: {  	[timem:s7], [sflag:s22] =	dma.local [hbm:s5], s20  }
0x9e: {  	_ =	swait.ge [sflag:s22], s20  }
0x9f: {  	s4 =	ssub.s32 $0x0, s20;
	[sflag:s22] =	ssyncset.done $0x0  }
0xa0: {  	[sflag:s22] =	ssyncadd.s32 s4;
	_ =	sdelay $0x1  }
0xa1: {  	s23 =	simm.s32 $0x1B8B  }
0xa2: {  	_ =	swait.ge [sflag:s23], $0x1  }
0xa3: {  	[sflag:s23] =	ssyncset.done $0x0  }
0xa4: {  	s25 =	simm.s32 $0x1B8E;
	s24 =	sld [smem:$0x3FFE];
	[sflag:s23] =	ssyncadd.s32 $0xFFFFFFFF  }
0xa5: {  	s26 =	simm.s32 $execute0_lowered;
	[smem:$0x3FD2] =	sst s25  }
0xa6: {  	s5 =	sshll.u32 s26, $0x1;
	_ =	strace $0x80000049;
	[dreg:$0x1] =	wrdreg $0xFFFFFFFF  }
0xa7: {  	s28 =	simm.s32 $_size_execute0_lowered;
	s3 =	sadd.s32 s3, s5;
	[dreg:$0x0] =	wrdreg $0x0  }
0xa8: {  	s5 =	sshll.u32 s28, $0x1;
	[dreg:$0x2] =	wrdreg s3  }
0xa9: {  	[dreg:$0x3] =	wrdreg s5  }
0xaa: {  	[dreg:$0x4] =	wrdreg $0xC0  }
0xab: {  	_ =	task [dreg:s7], $0x5FFFF  }
0xac: {  	[dreg:$0x1] =	wrdreg $0xFFFFFFFF  }
0xad: {  	[dreg:$0x0] =	wrdreg $0x60  }
0xae: {  	[dreg:$0x2] =	wrdreg s2  }
0xaf: {  	[dreg:$0x3] =	wrdreg s24  }
0xb0: {  	[dreg:$0x4] =	wrdreg $0xA8000  }
0xb1: {  	[dreg:$0x5] =	wrdreg $0x9  }
0xb2: {  	_ =	task.clear_ibuf [dreg:s7], $0x6FFFF;
	_ =	strace $0x90000049  }
0xb3: {  	s29 =	simm.s32 $0x9;
	_ =	strace $0x8000004B  }
0xb4: {  	_ =	swait.ge [sflag:s29], $0x1  }
0xb5: {  	[sflag:s29] =	ssyncadd.s32 $0xFFFFFFFF  }
0xb6: {  	_ =	strace $0x9000004B  }
0xb7: {  	_ =	sfence  }
0xb8: {  	s30 =	sld [smem:$0x0];
	_ =	sdelay $0x2  }
0xb9: {  	s31 =	sshll.u32 s1, $0xD;
	s1 =	sshrl.u32 s1, $0x2  }
0xba: {  	s3 =	sand.u32 $0x4000, s31;
	s1 =	sadd.s32 s1, s30  }
0xbb: {  	s0 =	sor.u32 s3, s0;
	s1 =	sshll.u32 s1, $0x11  }
0xbc: {  	s0 =	sor.u32 s1, s0  }
0xbd: {  	s0 =	sadd.s32 $0x8F2B, s0  }
0xbe: {  	[sflag:s0] =	ssyncadd.remote.s32 $0x1  }
0xbf: {  	_ =	sfence.sel $0xFFFF  }
0xc0: {  	[dreg:$0x0] =	wrdreg $0xFFFFFFFF;
	(pc) =	sbr.abs _section_cstart, $3  }
0xc1: {  	[dreg:$0x1] =	wrdreg $0xFFFFFFFF  }
0xc2: {  	_ =	task.clear_ibuf [dreg:s7], $0x2FFFF;
	_ =	strace $0x9FFFFFFF  }
0xc3: {  	(tm) =	ssettm $0x7FFFFFFF  }
tec
execute0_lowered:
.L_overlay_start_1:
0x0: {  	(tag) =	ssettag $0x1  }
0x1: {  	s1 =	rddreg [dreg:$0x0]  }
0x2: {  	s0 =	srdreg.scid;
	s6 =	rddreg [dreg:$0x1]  }
0x3: {  	s3 =	rddreg [dreg:$0x2];
	s4 =	simm.s32 $0x0;
	s16 =	simm.s32 $0x3  }
0x4: {  	s17 =	simm.s32 $0x80;
	s18 =	simm.s32 $0x2800;
	s2 =	sand.u32 $0x1, s0  }
0x5: {  	s19 =	simm.s32 $0x6800;
	s0 =	stileid.u32;
	s5 =	smul.u32 $0x28000, s2  }
0x6: {  	s20 =	simm.s32 $0x1;
	s21 =	simm.s32 $0x2700;
	s7 =	smul.u32 $0x2800, s0  }
0x7: {  	s22 =	simm.s32 $0x2;
	s23 =	simm.s32 $0x2780;
	s10 =	smul.u32 $0x4E000, s0  }
0x8: {  	s24 =	simm.s32 $0x0;
	[smem:$0x7FF] =	sst s4;
	s12 =	smul.u32 $0x27100, s2  }
0x9: {  	s11 =	sadd.s32 $0xB0200, s6;
	s14 =	sadd.s32 $0x124800, s3;
	s29 =	smul.u32 $0x2700, s0  }
0xa: {  	_ =	strace $0x8000004A;
	s25 =	ssub.s32 $0x2, s2;
	s2 =	smul.u32 $0x138800, s2  }
0xb: {  	p0 =	seq.s32 s0, $0xF;
	s26 =	sshrl.u32 s25, $0x1;
	s5 =	sadd.s32 s7, s5  }
0xc: {  	s7 =	sshrl.u32 s7, $0x3;
	s13 =	ssub.s32 s25, s26;
	s28 =	sshrl.u32 s10, $0x2  }
0xd: {  	s10 =	sadd.s32 s29, s12;
	s2 =	sshrl.u32 s2, $0x3;
	s5 =	sshrl.u32 s5, $0x3  }
0xe: {  	s9 =	sadd.s32 s7, s6;
	s15 =	sadd.s32 s28, s3;
	s10 =	sadd.s32 s11, s10  }
0xf: {  	s2 =	sadd.s32 s11, s2;
	s12 =	smax.u32 s13, $0x1;
	s13 =	sshrl.u32 @p0 s14, $0x3  }
0x10: {  	s8 =	sadd.s32 s5, s6;
	s5 =	sadd.s32 $0x7600, s6;
	s31 =	sadd.s32 $0x2600, s9  }
0x11: {  	s9 =	sadd.s32 $0x2880, s9;
	s11 =	sadd.s32 $0x24900, s2;
	s2 =	sshll.u32 @!p0 s0, $0x6  }
0x12: {  	s15 =	sshrl.u32 @!p0 s15, $0x3;
	s30 =	sadd.s32 $0x58000, s8;
	[dreg:$0x5] =	wrdreg s31  }
0x13: {  	s8 =	sadd.s32 $0x58280, s8;
	s14 =	sor.u32 @!p0 $0x1C03, s2;
	[dreg:$0x4] =	wrdreg s30  }
.LBB2_1:
0x14: {  	s2 =	simm.s32 @p0 $0x1FC3  }
0x15: {  	[spmem:s13], [sflag:s2] =	dma.local @p0 [hbm:s5], $0x2800  }
0x16: {  	s2 =	simm.s32 @p0 $0x3  }
0x17: {  	_ =	swait.ge @p0 [sflag:s2], $0x2800  }
0x18: {  	[sflag:s2] =	ssyncset.done @p0 $0x0  }
0x19: {  	[sflag:s2] =	ssyncadd.s32 @p0 $0xFFFFD800;
	s2 =	simm.s32 @!p0 $0x3  }
0x1a: {  	[spmem:s15], [sflag:s14] =	dma.local @!p0 [hbm:s5], $0x2700  }
0x1b: {  	_ =	swait.ge @!p0 [sflag:s2], $0x2700  }
0x1c: {  	[sflag:s2] =	ssyncset.done @!p0 $0x0  }
0x1d: {  	[sflag:s2] =	ssyncadd.s32 @!p0 $0xFFFFD900  }
0x1e: {  	[bflag:$0x0] =	sbarrier.arrive $0xFFFF  }
0x1f: {  	s0 =	rddreg [dreg:$0x4]  }
0x20: {  	[tilespmem:s4], [sflag:$0x3] =	stream.linear.gather [hbm4b:s0+s4], $0x1400, $0x38;
	[tilespmem:$0x1E0C0] =	vst v63  }
0x21: {  	_ =	swait.ge [sflag:s16], $0x1400  }
0x22: {  	[sflag:s16] =	ssyncset.done $0x0  }
0x23: {  	s7 =	simm.s32 $0x1400;
	s26 =	rddreg [dreg:$0x5];
	[sflag:s16] =	ssyncadd.s32 $0xFFFFEC00  }
0x24: {  	[tilespmem:s7], [sflag:$0x3] =	stream.linear.gather [hbm4b:s26+s4], $0x1400, $0x38;
	[tilespmem:$0x1E0C0] =	vst v63  }
0x25: {  	_ =	swait.ge [sflag:s16], $0x1400  }
0x26: {  	[sflag:s16] =	ssyncset.done $0x0  }
0x27: {  	s26 =	sand.u32 $0x1, s4;
	[sflag:s16] =	ssyncadd.s32 $0xFFFFEC00  }
0x28: {  	[tilespmem:s18], [sflag:$0x1] =	stream.indirect.gather [hbm4b:s1+s17], $0x80, s4, s17, $0xb8;
	[tilespmem:$0x1E0C0] =	vst v63  }
0x29: {  	s25 =	sadd.s32 $0x1, s26  }
0x2a: {  	[tilespmem:s19], [sflag:$0x2] =	stream.indirect.gather [hbm4b:s1+s17], $0x80, s17, s17, $0xb8;
	[tilespmem:$0x1E0C0] =	vst v63  }
0x2b: {  	_ =	swait.ge [sflag:s25], $0x4000  }
0x2c: {  	s29 =	simm.s32 $0x100;
	s26 =	sshll.u32 s26, $0xE;
	[sflag:s25] =	ssyncset.done $0x0  }
0x2d: {  	s31 =	simm.s32 $0x1;
	s30 =	sor.u32 $0x2800, s26;
	[sflag:s25] =	ssyncadd.s32 $0xFFFFC000  }
0x2e: {  	[spmem:s3] =	stream.indirect.scatter.add.f32 [tilespmem:s30], [sflag:$0x3], $0x80, s7, s17, $0xb8;
	[tilespmem:$0x1E0C0] =	vst v63  }
0x2f: {  	s28 =	simm.s32 $0x1480;
	s31 =	sand.u32 $0x1, s31;
	_ =	swait.ge [sflag:s16], $0x4000  }
0x30: {  	s2 =	simm.s32 $0x2;
	s26 =	simm.s32 $0x180;
	[sflag:s16] =	ssyncset.done $0x0  }
.LBB2_2:
0x31: {  	s0 =	sadd.s32 $0x1, s31  }
0x32: {  	[sflag:s16] =	ssyncadd.s32 $0xFFFFC000;
	s6 =	smov.u32 s2;
	s7 =	sadd.s32 $0x1, s2  }
0x33: {  	[tilespmem:s30], [sflag:s25] =	stream.indirect.gather [hbm4b:s1+s17], $0x80, s29, s17, $0xb8;
	[tilespmem:$0x1E0C0] =	vst v63  }
0x34: {  	p1 =	sne.s32 s2, $0x25;
	s25 =	smov.u32 s0;
	_ =	swait.ge [sflag:s0], $0x4000  }
.Ltmp0:
0x35: {  	s0 =	sshll.u32 s31, $0xE;
	[sflag:s25] =	ssyncset.done $0x0;
	(pc) =	sbr.rel @p1 .LBB2_2-.Ltmp0, $4  }
0x36: {  	s29 =	smov.u32 s26;
	s30 =	sor.u32 $0x2800, s0;
	[sflag:s25] =	ssyncadd.s32 $0xFFFFC000  }
0x37: {  	[spmem:s3] =	stream.indirect.scatter.add.f32 [tilespmem:s30], [sflag:$0x3], $0x80, s28, s17, $0xb8;
	[tilespmem:$0x1E0C0] =	vst v63  }
0x38: {  	s26 =	sadd.s32 $0x80, s26;
	s28 =	sadd.s32 $0x80, s28;
	_ =	swait.ge [sflag:s16], $0x4000  }
0x39: {  	s2 =	smov.u32 s7;
	s31 =	sand.u32 $0x1, s6;
	[sflag:s16] =	ssyncset.done $0x0  }
0x3a: {  	s0 =	sadd.s32 $0x1, s31;
	[sflag:s16] =	ssyncadd.s32 $0xFFFFC000  }
0x3b: {  	[tilespmem:s30], [sflag:s25] =	stream.indirect.gather [hbm4b:s1+s17], $0x80, s29, s17, $0xb8;
	[tilespmem:$0x1E0C0] =	vst v63  }
0x3c: {  	_ =	swait.ge [sflag:s0], $0x4000  }
0x3d: {  	s2 =	sshll.u32 s31, $0xE;
	[sflag:s0] =	ssyncset.done $0x0  }
0x3e: {  	s2 =	sor.u32 $0x2800, s2;
	[sflag:s0] =	ssyncadd.s32 $0xFFFFC000  }
0x3f: {  	[spmem:s3] =	stream.indirect.scatter.add.f32 [tilespmem:s2], [sflag:$0x3], $0x80, s28, s17, $0xb8;
	[tilespmem:$0x1E0C0] =	vst v63  }
0x40: {  	_ =	swait.ge [sflag:s16], $0x4000  }
0x41: {  	[sflag:s16] =	ssyncset.done $0x0  }
0x42: {  	[sflag:s16] =	ssyncadd.s32 $0xFFFFC000  }
0x43: {  	[tilespmem:s2], [sflag:s0] =	stream.indirect.gather [hbm4b:s1+s17], $0x80, s26, s17, $0xb8;
	[tilespmem:$0x1E0C0] =	vst v63  }
0x44: {  	_ =	swait.ge [sflag:s20], $0x4000  }
0x45: {  	[sflag:s20] =	ssyncset.done $0x0  }
0x46: {  	[sflag:s20] =	ssyncadd.s32 $0xFFFFC000  }
0x47: {  	[spmem:s3] =	stream.indirect.scatter.add.f32 [tilespmem:s18], [sflag:$0x3], $0x80, s21, s17, $0xb8;
	[tilespmem:$0x1E0C0] =	vst v63  }
0x48: {  	_ =	swait.ge [sflag:s16], $0x4000  }
0x49: {  	[sflag:s16] =	ssyncset.done $0x0  }
0x4a: {  	[sflag:s16] =	ssyncadd.s32 $0xFFFFC000  }
0x4b: {  	_ =	swait.ge [sflag:s22], $0x4000  }
0x4c: {  	[sflag:s22] =	ssyncset.done $0x0  }
0x4d: {  	[sflag:s22] =	ssyncadd.s32 $0xFFFFC000  }
0x4e: {  	[spmem:s3] =	stream.indirect.scatter.add.f32 [tilespmem:s19], [sflag:$0x3], $0x80, s23, s17, $0xb8;
	[tilespmem:$0x1E0C0] =	vst v63  }
0x4f: {  	_ =	swait.ge [sflag:s16], $0x4000  }
0x50: {  	[sflag:s16] =	ssyncset.done $0x0  }
0x51: {  	s25 =	simm.s32 $0x0;
	[sflag:s16] =	ssyncadd.s32 $0xFFFFC000  }
0x52: {  	[tilespmem:s25], [sflag:$0x3] =	stream.linear.gather [hbm4b:s8+s25], $0x1400, $0x38;
	[tilespmem:$0x1E0C0] =	vst v63  }
0x53: {  	_ =	swait.ge [sflag:s16], $0x1400  }
0x54: {  	[sflag:s16] =	ssyncset.done $0x0  }
0x55: {  	s26 =	simm.s32 $0x1400;
	[sflag:s16] =	ssyncadd.s32 $0xFFFFEC00  }
0x56: {  	[tilespmem:s26], [sflag:$0x3] =	stream.linear.gather [hbm4b:s9+s25], $0x1400, $0x38;
	[tilespmem:$0x1E0C0] =	vst v63  }
0x57: {  	_ =	swait.ge [sflag:s16], $0x1400  }
0x58: {  	[sflag:s16] =	ssyncset.done $0x0  }
0x59: {  	s0 =	sand.u32 $0x1, s25;
	[sflag:s16] =	ssyncadd.s32 $0xFFFFEC00  }
0x5a: {  	[tilespmem:s18], [sflag:$0x1] =	stream.indirect.gather [hbm4b:s1+s17], $0x80, s25, s17, $0xb8;
	[tilespmem:$0x1E0C0] =	vst v63  }
0x5b: {  	s25 =	sadd.s32 $0x1, s0  }
0x5c: {  	[tilespmem:s19], [sflag:$0x2] =	stream.indirect.gather [hbm4b:s1+s17], $0x80, s17, s17, $0xb8;
	[tilespmem:$0x1E0C0] =	vst v63  }
0x5d: {  	_ =	swait.ge [sflag:s25], $0x4000  }
0x5e: {  	s6 =	simm.s32 $0x1;
	s0 =	sshll.u32 s0, $0xE;
	[sflag:s25] =	ssyncset.done $0x0  }
0x5f: {  	s29 =	simm.s32 $0x100;
	s30 =	sor.u32 $0x2800, s0;
	[sflag:s25] =	ssyncadd.s32 $0xFFFFC000  }
0x60: {  	[spmem:s3] =	stream.indirect.scatter.add.f32 [tilespmem:s30], [sflag:$0x3], $0x80, s26, s17, $0xb8;
	[tilespmem:$0x1E0C0] =	vst v63  }
0x61: {  	s31 =	sand.u32 $0x1, s6;
	s28 =	simm.s32 $0x1480;
	_ =	swait.ge [sflag:s16], $0x4000  }
0x62: {  	s2 =	simm.s32 $0x2;
	s26 =	simm.s32 $0x180;
	[sflag:s16] =	ssyncset.done $0x0  }
.LBB2_4:
0x63: {  	s0 =	sadd.s32 $0x1, s31  }
0x64: {  	[sflag:s16] =	ssyncadd.s32 $0xFFFFC000;
	s6 =	smov.u32 s2;
	s7 =	sadd.s32 $0x1, s2  }
0x65: {  	[tilespmem:s30], [sflag:s25] =	stream.indirect.gather [hbm4b:s1+s17], $0x80, s29, s17, $0xb8;
	[tilespmem:$0x1E0C0] =	vst v63  }
0x66: {  	p1 =	sne.s32 s2, $0x25;
	s25 =	smov.u32 s0;
	_ =	swait.ge [sflag:s0], $0x4000  }
.Ltmp1:
0x67: {  	s0 =	sshll.u32 s31, $0xE;
	[sflag:s25] =	ssyncset.done $0x0;
	(pc) =	sbr.rel @p1 .LBB2_4-.Ltmp1, $4  }
0x68: {  	s29 =	smov.u32 s26;
	s30 =	sor.u32 $0x2800, s0;
	[sflag:s25] =	ssyncadd.s32 $0xFFFFC000  }
0x69: {  	[spmem:s3] =	stream.indirect.scatter.add.f32 [tilespmem:s30], [sflag:$0x3], $0x80, s28, s17, $0xb8;
	[tilespmem:$0x1E0C0] =	vst v63  }
0x6a: {  	s26 =	sadd.s32 $0x80, s26;
	s28 =	sadd.s32 $0x80, s28;
	_ =	swait.ge [sflag:s16], $0x4000  }
0x6b: {  	s2 =	smov.u32 s7;
	s31 =	sand.u32 $0x1, s6;
	[sflag:s16] =	ssyncset.done $0x0  }
0x6c: {  	s0 =	sadd.s32 $0x1, s31;
	[sflag:s16] =	ssyncadd.s32 $0xFFFFC000  }
0x6d: {  	[tilespmem:s30], [sflag:s25] =	stream.indirect.gather [hbm4b:s1+s17], $0x80, s29, s17, $0xb8;
	[tilespmem:$0x1E0C0] =	vst v63  }
0x6e: {  	_ =	swait.ge [sflag:s0], $0x4000  }
0x6f: {  	s2 =	sshll.u32 s31, $0xE;
	[sflag:s0] =	ssyncset.done $0x0  }
0x70: {  	s2 =	sor.u32 $0x2800, s2;
	[sflag:s0] =	ssyncadd.s32 $0xFFFFC000  }
0x71: {  	[spmem:s3] =	stream.indirect.scatter.add.f32 [tilespmem:s2], [sflag:$0x3], $0x80, s28, s17, $0xb8;
	[tilespmem:$0x1E0C0] =	vst v63  }
0x72: {  	_ =	swait.ge [sflag:s16], $0x4000  }
0x73: {  	[sflag:s16] =	ssyncset.done $0x0  }
0x74: {  	[sflag:s16] =	ssyncadd.s32 $0xFFFFC000  }
0x75: {  	[tilespmem:s2], [sflag:s0] =	stream.indirect.gather [hbm4b:s1+s17], $0x80, s26, s17, $0xb8;
	[tilespmem:$0x1E0C0] =	vst v63  }
0x76: {  	_ =	swait.ge [sflag:s20], $0x4000  }
0x77: {  	[sflag:s20] =	ssyncset.done $0x0  }
0x78: {  	[sflag:s20] =	ssyncadd.s32 $0xFFFFC000  }
0x79: {  	[spmem:s3] =	stream.indirect.scatter.add.f32 [tilespmem:s18], [sflag:$0x3], $0x80, s21, s17, $0xb8;
	[tilespmem:$0x1E0C0] =	vst v63  }
0x7a: {  	_ =	swait.ge [sflag:s16], $0x4000  }
0x7b: {  	[sflag:s16] =	ssyncset.done $0x0  }
0x7c: {  	[sflag:s16] =	ssyncadd.s32 $0xFFFFC000  }
0x7d: {  	_ =	swait.ge [sflag:s22], $0x4000  }
0x7e: {  	[sflag:s22] =	ssyncset.done $0x0  }
0x7f: {  	[sflag:s22] =	ssyncadd.s32 $0xFFFFC000  }
0x80: {  	[spmem:s3] =	stream.indirect.scatter.add.f32 [tilespmem:s19], [sflag:$0x3], $0x80, s23, s17, $0xb8;
	[tilespmem:$0x1E0C0] =	vst v63  }
0x81: {  	_ =	swait.ge [sflag:s16], $0x4000  }
0x82: {  	[sflag:s16] =	ssyncset.done $0x0  }
0x83: {  	[sflag:s16] =	ssyncadd.s32 $0xFFFFC000  }
0x84: {  	s0 =	simm.s32 @p0 $0x1FC3;
	[bflag:$0x0] =	sbarrier.arrive $0xFFFF  }
0x85: {  	[hbm:s11], [sflag:s0] =	dma.local @p0 [spmem:s13], $0x2800  }
0x86: {  	s0 =	simm.s32 @p0 $0x3  }
0x87: {  	s24 =	sadd.s32 $0x1, s24;
	_ =	swait.ge @p0 [sflag:s0], $0x2800  }
0x88: {  	p1 =	sne.s32 s24, s12;
	[sflag:s0] =	ssyncset.done @p0 $0x0  }
.Ltmp2:
0x89: {  	[sflag:s0] =	ssyncadd.s32 @p0 $0xFFFFD800;
	s0 =	simm.s32 @!p0 $0x3;
	(pc) =	sbr.rel @p1 .LBB2_1-.Ltmp2, $4  }
0x8a: {  	[hbm:s10], [sflag:s14] =	dma.local @!p0 [spmem:s15], $0x2700  }
0x8b: {  	_ =	swait.ge @!p0 [sflag:s0], $0x2700  }
0x8c: {  	[sflag:s0] =	ssyncset.done @!p0 $0x0  }
0x8d: {  	[sflag:s0] =	ssyncadd.s32 @!p0 $0xFFFFD900  }
0x8e: {  	_ =	sfence.sel $0x180000  }
0x8f: {  	[bflag:$0x0] =	sbarrier.arrive $0xFFFF  }
0x90: {  	_ =	strace $0x9000004A  }
0x91: {  	s0 =	stileid.u32;
	[bflag:$0x2] =	sbarrier.arrive $0xFFFF  }
0x92: {  	p0 =	sne.s32 s0, $0x0;
	s0 =	rddreg [dreg:$0x3]  }
0x93: {  	s0 =	sadd.s32 @!p0 $0x100000, s0  }
0x94: {  	[sflag:s0] =	ssyncadd.tile.s32 @!p0 $0x1;
	_ =	shalt  }
.Lfunc_end2:
_tile_overlayer_lowered:
.L_overlay_start_2:
0x95: {  	(tag) =	ssettag $0x2  }
0x96: {  	s0 =	rddreg [dreg:$0x0];
	s2 =	stileid.u32  }
0x97: {  	s1 =	rddreg [dreg:$0x1];
	p0 =	sne.s32 s2, $0x0  }
0x98: {  	s3 =	rddreg [dreg:$0x2];
	[bflag:$0x3] =	sbarrier.arrive $0xFFFF;
	s2 =	simm.s32 @!p0 $0x1C03  }
0x99: {  	[timem:s3], [sflag:s2] =	dma.local @!p0 [hbm:s0], s1  }
0x9a: {  	s0 =	simm.s32 @!p0 $0x3  }
0x9b: {  	_ =	swait.ge @!p0 [sflag:s0], s1  }
0x9c: {  	s1 =	ssub.s32 @!p0 $0x0, s1;
	[sflag:s0] =	ssyncset.done @!p0 $0x0  }
0x9d: {  	[sflag:s0] =	ssyncadd.s32 @!p0 s1  }
0x9e: {  	[bflag:$0x3] =	sbarrier.arrive $0xFFFF  }
0x9f: {  	_ =	shalt  }

// kernel: kernel.16.cloned.1.call-start
scs
__scs_entry_jumppad:
0x0: {  	(pc) =	sbr.rel $0x88, $3  }
0x1: {  	(tag) =	ssettag $0x0;
	lr =	simm.s32 $0x1  }
0x2: {  	[smem:$0x3F99] =	sst lr;
	_ =	strace $0xD0000000  }
0x3: {  	_ = 	snop  }
0x4: {  	_ = 	snop  }
0x5: {  	_ = 	snop  }
0x6: {  	_ = 	snop  }
0x7: {  	_ = 	snop  }
__scs_overlays_trampoline_lowered:
0x8: {  	[smem:$0x3FA8] =	sst s0  }
0x9: {  	[smem:$0x3FA9] =	sst s1  }
0xa: {  	[smem:$0x3FAA] =	sst s2  }
0xb: {  	[smem:$0x3FAB] =	sst s3  }
0xc: {  	[smem:$0x3FAC] =	sst s4  }
0xd: {  	[smem:$0x3FAD] =	sst s5  }
0xe: {  	[smem:$0x3FAE] =	sst s6  }
0xf: {  	[smem:$0x3FAF] =	sst s7  }
0x10: {  	[smem:$0x3FB0] =	sst s8  }
0x11: {  	[smem:$0x3FB1] =	sst s9;
	s0 =	simm.s32 @!p0 $0x0  }
0x12: {  	s1 =	sld [smem:$0x3F97];
	s0 =	simm.s32 @p0 $0x1  }
0x13: {  	[smem:$0x3FB2] =	sst s0;
	s0 =	simm.s32 @!p1 $0x0  }
0x14: {  	s2 =	sld [smem:$0x3F96];
	s0 =	simm.s32 @p1 $0x1  }
0x15: {  	[smem:$0x3FB3] =	sst s0;
	s0 =	simm.s32 @!p2 $0x0  }
0x16: {  	s3 =	sld [smem:$0x3FDB];
	s0 =	simm.s32 @p2 $0x1  }
0x17: {  	s4 =	simm.s32 $0x1BF5;
	[smem:$0x3FB5] =	sst s0  }
0x18: {  	s0 =	sld [smem:$0x3F98];
	_ =	swait.ge [sflag:s4], $0x0  }
0x19: {  	s7 =	sld [smem:$0x3F99]  }
0x1a: {  	s8 =	sadd.s32 $0xFFFFE003, lr  }
0x1b: {  	s9 =	sadd.s32 $0xFFFFFEF7, lr;
	s5 =	simm.s32 $0xFFFFFFFF;
	p2 =	slt.u32 s8, $0xFFFFF086  }
0x1c: {  	p1 =	slt.u32 s9, $0xF7A;
	s5 =	simm.s32 @!p2 $0x0  }
0x1d: {  	s5 =	simm.s32 @p1 $0x1;
	p0 =	seq.s32 s7, s2  }
0x1e: {  	s7 =	smul.u32 @!p0 $0xF7A, s2;
	p2 =	seq.s32 @!p0 s5, $0x0  }
0x1f: {  	s9 =	smul.u32 $0xF7A, s1;
	s8 =	simm.s32 @!p0 $0x1BF5;
	p2 =	por !p2, p0  }
0x20: {  	[sflag:s8] =	ssyncset.s32 @!p0 $0xFFFFF086;
	s6 =	sadd.s32 @!p0 s3, s7;
	s7 =	simm.s32 @!p0 $0x108  }
0x21: {  	s3 =	sadd.s32 s3, s9;
	s6 =	sadd.s32 @!p0 $0x88, s6;
	s7 =	simm.s32 @p2 $0x1082  }
0x22: {  	[simem:s7], [sflag:s8] =	dma.local @!p0 [hbm:s6], $0xF7A  }
0x23: {  	s9 =	sor.u32 $0xD0000000, s2;
	s6 =	simm.s32 $0x108;
	_ =	swait.ge @!p0 [sflag:s8], $0x0  }
0x24: {  	s3 =	sadd.s32 $0x88, s3;
	s6 =	simm.s32 @!p1 $0x1082;
	[sflag:s4] =	ssyncset.s32 $0xFFFFF086  }
0x25: {  	[simem:s6], [sflag:s4] =	dma.local [hbm:s3], $0xF7A  }
0x26: {  	[smem:$0x3F99] =	sst s1;
	(tag) =	ssettag s2;
	_ =	strace s9  }
0x27: {  	s1 =	sld [smem:$0x3FA9]  }
0x28: {  	s2 =	sld [smem:$0x3FAA]  }
0x29: {  	s4 =	sld [smem:$0x3FAC]  }
0x2a: {  	p0 =	seq.s32 s5, $0x0;
	s5 =	sld [smem:$0x3FAD]  }
0x2b: {  	s6 =	sld [smem:$0x3FAE]  }
0x2c: {  	s7 =	sld [smem:$0x3FAF]  }
0x2d: {  	s3 =	simm.s32 $0x108;
	s8 =	sld [smem:$0x3FB0]  }
0x2e: {  	s3 =	simm.s32 @!p0 $0x1082;
	s9 =	sld [smem:$0x3FB1]  }
0x2f: {  	lr =	sadd.s32 s0, s3;
	s0 =	sld [smem:$0x3FA8]  }
0x30: {  	s3 =	sld [smem:$0x3FAB]  }
0x31: {  	[smem:$0x3FB4] =	sst s10  }
0x32: {  	s10 =	sld [smem:$0x3FB2];
	_ =	sdelay $0x3  }
0x33: {  	p0 =	seq.s32 s10, $0x1;
	s10 =	sld [smem:$0x3FB4];
	_ =	sdelay $0x3  }
0x34: {  	[smem:$0x3FB4] =	sst s10  }
0x35: {  	s10 =	sld [smem:$0x3FB3];
	_ =	sdelay $0x3  }
0x36: {  	p1 =	seq.s32 s10, $0x1;
	s10 =	sld [smem:$0x3FB4];
	_ =	sdelay $0x3  }
0x37: {  	[smem:$0x3FB4] =	sst s10  }
0x38: {  	s10 =	sld [smem:$0x3FB5]  }
0x39: {  	_ = 	snop;
	(pc) =	sbr.ind lr, $3  }
0x3a: {  	_ = 	snop  }
0x3b: {  	_ = 	snop  }
0x3c: {  	p2 =	seq.s32 s10, $0x1;
	s10 =	sld [smem:$0x3FB4]  }
0x3d: {  	_ =	shalt  }
0x3e: {  	_ =	shalt  }
0x3f: {  	_ =	shalt  }
0x40: {  	_ =	shalt  }
0x41: {  	_ =	shalt  }
0x42: {  	_ =	shalt  }
0x43: {  	_ =	shalt  }
0x44: {  	_ =	shalt  }
0x45: {  	_ =	shalt  }
0x46: {  	_ =	shalt  }
0x47: {  	_ =	shalt  }
0x48: {  	_ =	shalt  }
0x49: {  	_ =	shalt  }
0x4a: {  	_ =	shalt  }
0x4b: {  	_ =	shalt  }
0x4c: {  	_ =	shalt  }
0x4d: {  	_ =	shalt  }
0x4e: {  	_ =	shalt  }
0x4f: {  	_ =	shalt  }
0x50: {  	_ =	shalt  }
0x51: {  	_ =	shalt  }
0x52: {  	_ =	shalt  }
0x53: {  	_ =	shalt  }
0x54: {  	_ =	shalt  }
0x55: {  	_ =	shalt  }
0x56: {  	_ =	shalt  }
0x57: {  	_ =	shalt  }
0x58: {  	_ =	shalt  }
0x59: {  	_ =	shalt  }
0x5a: {  	_ =	shalt  }
0x5b: {  	_ =	shalt  }
0x5c: {  	_ =	shalt  }
0x5d: {  	_ =	shalt  }
0x5e: {  	_ =	shalt  }
0x5f: {  	_ =	shalt  }
0x60: {  	_ =	shalt  }
0x61: {  	_ =	shalt  }
0x62: {  	_ =	shalt  }
0x63: {  	_ =	shalt  }
0x64: {  	_ =	shalt  }
0x65: {  	_ =	shalt  }
0x66: {  	_ =	shalt  }
0x67: {  	_ =	shalt  }
0x68: {  	_ =	shalt  }
0x69: {  	_ =	shalt  }
0x6a: {  	_ =	shalt  }
0x6b: {  	_ =	shalt  }
0x6c: {  	_ =	shalt  }
0x6d: {  	_ =	shalt  }
0x6e: {  	_ =	shalt  }
0x6f: {  	_ =	shalt  }
0x70: {  	_ =	shalt  }
0x71: {  	_ =	shalt  }
0x72: {  	_ =	shalt  }
0x73: {  	_ =	shalt  }
0x74: {  	_ =	shalt  }
0x75: {  	_ =	shalt  }
0x76: {  	_ =	shalt  }
0x77: {  	_ =	shalt  }
0x78: {  	_ =	shalt  }
0x79: {  	_ =	shalt  }
0x7a: {  	_ =	shalt  }
0x7b: {  	_ =	shalt  }
0x7c: {  	_ =	shalt  }
0x7d: {  	_ =	shalt  }
0x7e: {  	_ =	shalt  }
0x7f: {  	_ =	shalt  }
0x80: {  	_ =	shalt  }
0x81: {  	_ =	shalt  }
0x82: {  	_ =	shalt  }
0x83: {  	_ =	shalt  }
0x84: {  	_ =	shalt  }
0x85: {  	_ =	shalt  }
0x86: {  	_ =	shalt  }
0x87: {  	_ =	shalt  }
.Lfunc_end0:
.L_simem_size_0:
called_computation.2_lowered:
.L_overlay_start_0:
0x88: {  	s2 =	sld [smem:$0x3FD9]  }
0x89: {  	s3 =	sld [smem:$0x3FFE];
	_ =	sdelay $0x1  }
0x8a: {  	s1 =	srdreg.scid  }
0x8b: {  	s0 =	sand.u32 $0x1, s1  }
0x8c: {  	s17 =	sshll.u32 s0, $0xA;
	s2 =	sadd.s32 s3, s2  }
0x8d: {  	s2 =	sadd.s32 s2, s17  }
0x8e: {  	[smem:$0x3FC0] =	sst s2  }
0x8f: {  	_ = 	snop  }
0x90: {  	s2 =	sld [smem:$0x3FD0];
	(tm) =	ssettm $0x1  }
0x91: {  	s18 =	sld [smem:$0x3FFB];
	_ =	sdelay $0x3  }
0x92: {  	_ =	strace s18  }
0x93: {  	s3 =	sld [smem:$0x3FFC];
	_ =	sdelay $0x3  }
0x94: {  	_ =	strace s3  }
0x95: {  	s3 =	sld [smem:$0x3FFD];
	_ =	sdelay $0x3  }
0x96: {  	_ =	strace s3  }
0x97: {  	_ =	strace $0x8FFFFFFF  }
0x98: {  	s19 =	sld [smem:$0x3FDB];
	_ =	sdelay $0x1  }
0x99: {  	s4 =	simm.s32 $_scs_section_size  }
0x9a: {  	s5 =	simm.s32 $_size__tile_overlayer_lowered;
	s6 =	simm.s32 $_tile_overlayer_lowered  }
0x9b: {  	s22 =	simm.s32 $0x1BFF;
	s21 =	sshll.u32 s6, $0x1;
	s3 =	sadd.s32 s4, s19  }
0x9c: {  	s7 =	simm.s32 $0x0;
	s20 =	sshll.u32 s5, $0x1;
	s5 =	sadd.s32 s21, s3  }
0x9d: {  	[timem:s7], [sflag:s22] =	dma.local [hbm:s5], s20  }
0x9e: {  	_ =	swait.ge [sflag:s22], s20  }
0x9f: {  	s4 =	ssub.s32 $0x0, s20;
	[sflag:s22] =	ssyncset.done $0x0  }
0xa0: {  	[sflag:s22] =	ssyncadd.s32 s4;
	_ =	sdelay $0x1  }
0xa1: {  	s23 =	simm.s32 $0x1B8B  }
0xa2: {  	_ =	swait.ge [sflag:s23], $0x1  }
0xa3: {  	[sflag:s23] =	ssyncset.done $0x0  }
0xa4: {  	s25 =	simm.s32 $0x1B8E;
	s24 =	sld [smem:$0x3FFE];
	[sflag:s23] =	ssyncadd.s32 $0xFFFFFFFF  }
0xa5: {  	s26 =	simm.s32 $execute0_lowered;
	[smem:$0x3FD2] =	sst s25  }
0xa6: {  	s5 =	sshll.u32 s26, $0x1;
	_ =	strace $0x8000004C;
	[dreg:$0x1] =	wrdreg $0xFFFFFFFF  }
0xa7: {  	s28 =	simm.s32 $_size_execute0_lowered;
	s3 =	sadd.s32 s3, s5;
	[dreg:$0x0] =	wrdreg $0x0  }
0xa8: {  	s5 =	sshll.u32 s28, $0x1;
	[dreg:$0x2] =	wrdreg s3  }
0xa9: {  	[dreg:$0x3] =	wrdreg s5  }
0xaa: {  	[dreg:$0x4] =	wrdreg $0xC0  }
0xab: {  	_ =	task [dreg:s7], $0x5FFFF  }
0xac: {  	[dreg:$0x1] =	wrdreg $0xFFFFFFFF  }
0xad: {  	[dreg:$0x0] =	wrdreg $0x60  }
0xae: {  	[dreg:$0x2] =	wrdreg s2  }
0xaf: {  	[dreg:$0x3] =	wrdreg s24  }
0xb0: {  	[dreg:$0x4] =	wrdreg $0xA8000  }
0xb1: {  	[dreg:$0x5] =	wrdreg $0x9  }
0xb2: {  	_ =	task.clear_ibuf [dreg:s7], $0x6FFFF;
	_ =	strace $0x9000004C  }
0xb3: {  	s29 =	simm.s32 $0x9;
	_ =	strace $0x8000004E  }
0xb4: {  	_ =	swait.ge [sflag:s29], $0x1  }
0xb5: {  	[sflag:s29] =	ssyncadd.s32 $0xFFFFFFFF  }
0xb6: {  	_ =	strace $0x9000004E  }
0xb7: {  	_ =	sfence  }
0xb8: {  	s30 =	sld [smem:$0x0];
	_ =	sdelay $0x2  }
0xb9: {  	s31 =	sshll.u32 s1, $0xD;
	s1 =	sshrl.u32 s1, $0x2  }
0xba: {  	s3 =	sand.u32 $0x4000, s31;
	s1 =	sadd.s32 s1, s30  }
0xbb: {  	s0 =	sor.u32 s3, s0;
	s1 =	sshll.u32 s1, $0x11  }
0xbc: {  	s0 =	sor.u32 s1, s0  }
0xbd: {  	s0 =	sadd.s32 $0x8F2B, s0  }
0xbe: {  	[sflag:s0] =	ssyncadd.remote.s32 $0x1  }
0xbf: {  	_ =	sfence.sel $0xFFFF  }
0xc0: {  	[dreg:$0x0] =	wrdreg $0xFFFFFFFF;
	(pc) =	sbr.abs _section_cstart, $3  }
0xc1: {  	[dreg:$0x1] =	wrdreg $0xFFFFFFFF  }
0xc2: {  	_ =	task.clear_ibuf [dreg:s7], $0x2FFFF;
	_ =	strace $0x9FFFFFFF  }
0xc3: {  	(tm) =	ssettm $0x7FFFFFFF  }
tec
execute0_lowered:
.L_overlay_start_1:
0x0: {  	(tag) =	ssettag $0x1  }
0x1: {  	s1 =	rddreg [dreg:$0x0]  }
0x2: {  	s0 =	srdreg.scid;
	s6 =	rddreg [dreg:$0x1]  }
0x3: {  	s3 =	rddreg [dreg:$0x2];
	s4 =	simm.s32 $0x0;
	s16 =	simm.s32 $0x3  }
0x4: {  	s17 =	simm.s32 $0x80;
	s18 =	simm.s32 $0x2800;
	s2 =	sand.u32 $0x1, s0  }
0x5: {  	s19 =	simm.s32 $0x6800;
	s0 =	stileid.u32;
	s5 =	smul.u32 $0x28000, s2  }
0x6: {  	s20 =	simm.s32 $0x1;
	s21 =	simm.s32 $0x2700;
	s7 =	smul.u32 $0x2800, s0  }
0x7: {  	s22 =	simm.s32 $0x2;
	s23 =	simm.s32 $0x2780;
	s10 =	smul.u32 $0x4E000, s0  }
0x8: {  	s24 =	simm.s32 $0x0;
	[smem:$0x7FF] =	sst s4;
	s12 =	smul.u32 $0x27100, s2  }
0x9: {  	s11 =	sadd.s32 $0xB0200, s6;
	s14 =	sadd.s32 $0x124800, s3;
	s29 =	smul.u32 $0x2700, s0  }
0xa: {  	_ =	strace $0x8000004D;
	s25 =	ssub.s32 $0x2, s2;
	s2 =	smul.u32 $0x138800, s2  }
0xb: {  	p0 =	seq.s32 s0, $0xF;
	s26 =	sshrl.u32 s25, $0x1;
	s5 =	sadd.s32 s7, s5  }
0xc: {  	s7 =	sshrl.u32 s7, $0x3;
	s13 =	ssub.s32 s25, s26;
	s28 =	sshrl.u32 s10, $0x2  }
0xd: {  	s10 =	sadd.s32 s29, s12;
	s2 =	sshrl.u32 s2, $0x3;
	s5 =	sshrl.u32 s5, $0x3  }
0xe: {  	s9 =	sadd.s32 s7, s6;
	s15 =	sadd.s32 s28, s3;
	s10 =	sadd.s32 s11, s10  }
0xf: {  	s2 =	sadd.s32 s11, s2;
	s12 =	smax.u32 s13, $0x1;
	s13 =	sshrl.u32 @p0 s14, $0x3  }
0x10: {  	s8 =	sadd.s32 s5, s6;
	s5 =	sadd.s32 $0x7600, s6;
	s31 =	sadd.s32 $0x2600, s9  }
0x11: {  	s9 =	sadd.s32 $0x2880, s9;
	s11 =	sadd.s32 $0x24900, s2;
	s2 =	sshll.u32 @!p0 s0, $0x6  }
0x12: {  	s15 =	sshrl.u32 @!p0 s15, $0x3;
	s30 =	sadd.s32 $0x58000, s8;
	[dreg:$0x5] =	wrdreg s31  }
0x13: {  	s8 =	sadd.s32 $0x58280, s8;
	s14 =	sor.u32 @!p0 $0x1C03, s2;
	[dreg:$0x4] =	wrdreg s30  }
.LBB2_1:
0x14: {  	s2 =	simm.s32 @p0 $0x1FC3  }
0x15: {  	[spmem:s13], [sflag:s2] =	dma.local @p0 [hbm:s5], $0x2800  }
0x16: {  	s2 =	simm.s32 @p0 $0x3  }
0x17: {  	_ =	swait.ge @p0 [sflag:s2], $0x2800  }
0x18: {  	[sflag:s2] =	ssyncset.done @p0 $0x0  }
0x19: {  	[sflag:s2] =	ssyncadd.s32 @p0 $0xFFFFD800;
	s2 =	simm.s32 @!p0 $0x3  }
0x1a: {  	[spmem:s15], [sflag:s14] =	dma.local @!p0 [hbm:s5], $0x2700  }
0x1b: {  	_ =	swait.ge @!p0 [sflag:s2], $0x2700  }
0x1c: {  	[sflag:s2] =	ssyncset.done @!p0 $0x0  }
0x1d: {  	[sflag:s2] =	ssyncadd.s32 @!p0 $0xFFFFD900  }
0x1e: {  	[bflag:$0x0] =	sbarrier.arrive $0xFFFF  }
0x1f: {  	s0 =	rddreg [dreg:$0x4]  }
0x20: {  	[tilespmem:s4], [sflag:$0x3] =	stream.linear.gather [hbm4b:s0+s4], $0x1400, $0x38;
	[tilespmem:$0x1E0C0] =	vst v63  }
0x21: {  	_ =	swait.ge [sflag:s16], $0x1400  }
0x22: {  	[sflag:s16] =	ssyncset.done $0x0  }
0x23: {  	s7 =	simm.s32 $0x1400;
	s26 =	rddreg [dreg:$0x5];
	[sflag:s16] =	ssyncadd.s32 $0xFFFFEC00  }
0x24: {  	[tilespmem:s7], [sflag:$0x3] =	stream.linear.gather [hbm4b:s26+s4], $0x1400, $0x38;
	[tilespmem:$0x1E0C0] =	vst v63  }
0x25: {  	_ =	swait.ge [sflag:s16], $0x1400  }
0x26: {  	[sflag:s16] =	ssyncset.done $0x0  }
0x27: {  	s26 =	sand.u32 $0x1, s4;
	[sflag:s16] =	ssyncadd.s32 $0xFFFFEC00  }
0x28: {  	[tilespmem:s18], [sflag:$0x1] =	stream.indirect.gather [hbm4b:s1+s17], $0x80, s4, s17, $0xb8;
	[tilespmem:$0x1E0C0] =	vst v63  }
0x29: {  	s25 =	sadd.s32 $0x1, s26  }
0x2a: {  	[tilespmem:s19], [sflag:$0x2] =	stream.indirect.gather [hbm4b:s1+s17], $0x80, s17, s17, $0xb8;
	[tilespmem:$0x1E0C0] =	vst v63  }
0x2b: {  	_ =	swait.ge [sflag:s25], $0x4000  }
0x2c: {  	s29 =	simm.s32 $0x100;
	s26 =	sshll.u32 s26, $0xE;
	[sflag:s25] =	ssyncset.done $0x0  }
0x2d: {  	s31 =	simm.s32 $0x1;
	s30 =	sor.u32 $0x2800, s26;
	[sflag:s25] =	ssyncadd.s32 $0xFFFFC000  }
0x2e: {  	[spmem:s3] =	stream.indirect.scatter.add.f32 [tilespmem:s30], [sflag:$0x3], $0x80, s7, s17, $0xb8;
	[tilespmem:$0x1E0C0] =	vst v63  }
0x2f: {  	s28 =	simm.s32 $0x1480;
	s31 =	sand.u32 $0x1, s31;
	_ =	swait.ge [sflag:s16], $0x4000  }
0x30: {  	s2 =	simm.s32 $0x2;
	s26 =	simm.s32 $0x180;
	[sflag:s16] =	ssyncset.done $0x0  }
.LBB2_2:
0x31: {  	s0 =	sadd.s32 $0x1, s31  }
0x32: {  	[sflag:s16] =	ssyncadd.s32 $0xFFFFC000;
	s6 =	smov.u32 s2;
	s7 =	sadd.s32 $0x1, s2  }
0x33: {  	[tilespmem:s30], [sflag:s25] =	stream.indirect.gather [hbm4b:s1+s17], $0x80, s29, s17, $0xb8;
	[tilespmem:$0x1E0C0] =	vst v63  }
0x34: {  	p1 =	sne.s32 s2, $0x25;
	s25 =	smov.u32 s0;
	_ =	swait.ge [sflag:s0], $0x4000  }
.Ltmp0:
0x35: {  	s0 =	sshll.u32 s31, $0xE;
	[sflag:s25] =	ssyncset.done $0x0;
	(pc) =	sbr.rel @p1 .LBB2_2-.Ltmp0, $4  }
0x36: {  	s29 =	smov.u32 s26;
	s30 =	sor.u32 $0x2800, s0;
	[sflag:s25] =	ssyncadd.s32 $0xFFFFC000  }
0x37: {  	[spmem:s3] =	stream.indirect.scatter.add.f32 [tilespmem:s30], [sflag:$0x3], $0x80, s28, s17, $0xb8;
	[tilespmem:$0x1E0C0] =	vst v63  }
0x38: {  	s26 =	sadd.s32 $0x80, s26;
	s28 =	sadd.s32 $0x80, s28;
	_ =	swait.ge [sflag:s16], $0x4000  }
0x39: {  	s2 =	smov.u32 s7;
	s31 =	sand.u32 $0x1, s6;
	[sflag:s16] =	ssyncset.done $0x0  }
0x3a: {  	s0 =	sadd.s32 $0x1, s31;
	[sflag:s16] =	ssyncadd.s32 $0xFFFFC000  }
0x3b: {  	[tilespmem:s30], [sflag:s25] =	stream.indirect.gather [hbm4b:s1+s17], $0x80, s29, s17, $0xb8;
	[tilespmem:$0x1E0C0] =	vst v63  }
0x3c: {  	_ =	swait.ge [sflag:s0], $0x4000  }
0x3d: {  	s2 =	sshll.u32 s31, $0xE;
	[sflag:s0] =	ssyncset.done $0x0  }
0x3e: {  	s2 =	sor.u32 $0x2800, s2;
	[sflag:s0] =	ssyncadd.s32 $0xFFFFC000  }
0x3f: {  	[spmem:s3] =	stream.indirect.scatter.add.f32 [tilespmem:s2], [sflag:$0x3], $0x80, s28, s17, $0xb8;
	[tilespmem:$0x1E0C0] =	vst v63  }
0x40: {  	_ =	swait.ge [sflag:s16], $0x4000  }
0x41: {  	[sflag:s16] =	ssyncset.done $0x0  }
0x42: {  	[sflag:s16] =	ssyncadd.s32 $0xFFFFC000  }
0x43: {  	[tilespmem:s2], [sflag:s0] =	stream.indirect.gather [hbm4b:s1+s17], $0x80, s26, s17, $0xb8;
	[tilespmem:$0x1E0C0] =	vst v63  }
0x44: {  	_ =	swait.ge [sflag:s20], $0x4000  }
0x45: {  	[sflag:s20] =	ssyncset.done $0x0  }
0x46: {  	[sflag:s20] =	ssyncadd.s32 $0xFFFFC000  }
0x47: {  	[spmem:s3] =	stream.indirect.scatter.add.f32 [tilespmem:s18], [sflag:$0x3], $0x80, s21, s17, $0xb8;
	[tilespmem:$0x1E0C0] =	vst v63  }
0x48: {  	_ =	swait.ge [sflag:s16], $0x4000  }
0x49: {  	[sflag:s16] =	ssyncset.done $0x0  }
0x4a: {  	[sflag:s16] =	ssyncadd.s32 $0xFFFFC000  }
0x4b: {  	_ =	swait.ge [sflag:s22], $0x4000  }
0x4c: {  	[sflag:s22] =	ssyncset.done $0x0  }
0x4d: {  	[sflag:s22] =	ssyncadd.s32 $0xFFFFC000  }
0x4e: {  	[spmem:s3] =	stream.indirect.scatter.add.f32 [tilespmem:s19], [sflag:$0x3], $0x80, s23, s17, $0xb8;
	[tilespmem:$0x1E0C0] =	vst v63  }
0x4f: {  	_ =	swait.ge [sflag:s16], $0x4000  }
0x50: {  	[sflag:s16] =	ssyncset.done $0x0  }
0x51: {  	s25 =	simm.s32 $0x0;
	[sflag:s16] =	ssyncadd.s32 $0xFFFFC000  }
0x52: {  	[tilespmem:s25], [sflag:$0x3] =	stream.linear.gather [hbm4b:s8+s25], $0x1400, $0x38;
	[tilespmem:$0x1E0C0] =	vst v63  }
0x53: {  	_ =	swait.ge [sflag:s16], $0x1400  }
0x54: {  	[sflag:s16] =	ssyncset.done $0x0  }
0x55: {  	s26 =	simm.s32 $0x1400;
	[sflag:s16] =	ssyncadd.s32 $0xFFFFEC00  }
0x56: {  	[tilespmem:s26], [sflag:$0x3] =	stream.linear.gather [hbm4b:s9+s25], $0x1400, $0x38;
	[tilespmem:$0x1E0C0] =	vst v63  }
0x57: {  	_ =	swait.ge [sflag:s16], $0x1400  }
0x58: {  	[sflag:s16] =	ssyncset.done $0x0  }
0x59: {  	s0 =	sand.u32 $0x1, s25;
	[sflag:s16] =	ssyncadd.s32 $0xFFFFEC00  }
0x5a: {  	[tilespmem:s18], [sflag:$0x1] =	stream.indirect.gather [hbm4b:s1+s17], $0x80, s25, s17, $0xb8;
	[tilespmem:$0x1E0C0] =	vst v63  }
0x5b: {  	s25 =	sadd.s32 $0x1, s0  }
0x5c: {  	[tilespmem:s19], [sflag:$0x2] =	stream.indirect.gather [hbm4b:s1+s17], $0x80, s17, s17, $0xb8;
	[tilespmem:$0x1E0C0] =	vst v63  }
0x5d: {  	_ =	swait.ge [sflag:s25], $0x4000  }
0x5e: {  	s6 =	simm.s32 $0x1;
	s0 =	sshll.u32 s0, $0xE;
	[sflag:s25] =	ssyncset.done $0x0  }
0x5f: {  	s29 =	simm.s32 $0x100;
	s30 =	sor.u32 $0x2800, s0;
	[sflag:s25] =	ssyncadd.s32 $0xFFFFC000  }
0x60: {  	[spmem:s3] =	stream.indirect.scatter.add.f32 [tilespmem:s30], [sflag:$0x3], $0x80, s26, s17, $0xb8;
	[tilespmem:$0x1E0C0] =	vst v63  }
0x61: {  	s31 =	sand.u32 $0x1, s6;
	s28 =	simm.s32 $0x1480;
	_ =	swait.ge [sflag:s16], $0x4000  }
0x62: {  	s2 =	simm.s32 $0x2;
	s26 =	simm.s32 $0x180;
	[sflag:s16] =	ssyncset.done $0x0  }
.LBB2_4:
0x63: {  	s0 =	sadd.s32 $0x1, s31  }
0x64: {  	[sflag:s16] =	ssyncadd.s32 $0xFFFFC000;
	s6 =	smov.u32 s2;
	s7 =	sadd.s32 $0x1, s2  }
0x65: {  	[tilespmem:s30], [sflag:s25] =	stream.indirect.gather [hbm4b:s1+s17], $0x80, s29, s17, $0xb8;
	[tilespmem:$0x1E0C0] =	vst v63  }
0x66: {  	p1 =	sne.s32 s2, $0x25;
	s25 =	smov.u32 s0;
	_ =	swait.ge [sflag:s0], $0x4000  }
.Ltmp1:
0x67: {  	s0 =	sshll.u32 s31, $0xE;
	[sflag:s25] =	ssyncset.done $0x0;
	(pc) =	sbr.rel @p1 .LBB2_4-.Ltmp1, $4  }
0x68: {  	s29 =	smov.u32 s26;
	s30 =	sor.u32 $0x2800, s0;
	[sflag:s25] =	ssyncadd.s32 $0xFFFFC000  }
0x69: {  	[spmem:s3] =	stream.indirect.scatter.add.f32 [tilespmem:s30], [sflag:$0x3], $0x80, s28, s17, $0xb8;
	[tilespmem:$0x1E0C0] =	vst v63  }
0x6a: {  	s26 =	sadd.s32 $0x80, s26;
	s28 =	sadd.s32 $0x80, s28;
	_ =	swait.ge [sflag:s16], $0x4000  }
0x6b: {  	s2 =	smov.u32 s7;
	s31 =	sand.u32 $0x1, s6;
	[sflag:s16] =	ssyncset.done $0x0  }
0x6c: {  	s0 =	sadd.s32 $0x1, s31;
	[sflag:s16] =	ssyncadd.s32 $0xFFFFC000  }
0x6d: {  	[tilespmem:s30], [sflag:s25] =	stream.indirect.gather [hbm4b:s1+s17], $0x80, s29, s17, $0xb8;
	[tilespmem:$0x1E0C0] =	vst v63  }
0x6e: {  	_ =	swait.ge [sflag:s0], $0x4000  }
0x6f: {  	s2 =	sshll.u32 s31, $0xE;
	[sflag:s0] =	ssyncset.done $0x0  }
0x70: {  	s2 =	sor.u32 $0x2800, s2;
	[sflag:s0] =	ssyncadd.s32 $0xFFFFC000  }
0x71: {  	[spmem:s3] =	stream.indirect.scatter.add.f32 [tilespmem:s2], [sflag:$0x3], $0x80, s28, s17, $0xb8;
	[tilespmem:$0x1E0C0] =	vst v63  }
0x72: {  	_ =	swait.ge [sflag:s16], $0x4000  }
0x73: {  	[sflag:s16] =	ssyncset.done $0x0  }
0x74: {  	[sflag:s16] =	ssyncadd.s32 $0xFFFFC000  }
0x75: {  	[tilespmem:s2], [sflag:s0] =	stream.indirect.gather [hbm4b:s1+s17], $0x80, s26, s17, $0xb8;
	[tilespmem:$0x1E0C0] =	vst v63  }
0x76: {  	_ =	swait.ge [sflag:s20], $0x4000  }
0x77: {  	[sflag:s20] =	ssyncset.done $0x0  }
0x78: {  	[sflag:s20] =	ssyncadd.s32 $0xFFFFC000  }
0x79: {  	[spmem:s3] =	stream.indirect.scatter.add.f32 [tilespmem:s18], [sflag:$0x3], $0x80, s21, s17, $0xb8;
	[tilespmem:$0x1E0C0] =	vst v63  }
0x7a: {  	_ =	swait.ge [sflag:s16], $0x4000  }
0x7b: {  	[sflag:s16] =	ssyncset.done $0x0  }
0x7c: {  	[sflag:s16] =	ssyncadd.s32 $0xFFFFC000  }
0x7d: {  	_ =	swait.ge [sflag:s22], $0x4000  }
0x7e: {  	[sflag:s22] =	ssyncset.done $0x0  }
0x7f: {  	[sflag:s22] =	ssyncadd.s32 $0xFFFFC000  }
0x80: {  	[spmem:s3] =	stream.indirect.scatter.add.f32 [tilespmem:s19], [sflag:$0x3], $0x80, s23, s17, $0xb8;
	[tilespmem:$0x1E0C0] =	vst v63  }
0x81: {  	_ =	swait.ge [sflag:s16], $0x4000  }
0x82: {  	[sflag:s16] =	ssyncset.done $0x0  }
0x83: {  	[sflag:s16] =	ssyncadd.s32 $0xFFFFC000  }
0x84: {  	s0 =	simm.s32 @p0 $0x1FC3;
	[bflag:$0x0] =	sbarrier.arrive $0xFFFF  }
0x85: {  	[hbm:s11], [sflag:s0] =	dma.local @p0 [spmem:s13], $0x2800  }
0x86: {  	s0 =	simm.s32 @p0 $0x3  }
0x87: {  	s24 =	sadd.s32 $0x1, s24;
	_ =	swait.ge @p0 [sflag:s0], $0x2800  }
0x88: {  	p1 =	sne.s32 s24, s12;
	[sflag:s0] =	ssyncset.done @p0 $0x0  }
.Ltmp2:
0x89: {  	[sflag:s0] =	ssyncadd.s32 @p0 $0xFFFFD800;
	s0 =	simm.s32 @!p0 $0x3;
	(pc) =	sbr.rel @p1 .LBB2_1-.Ltmp2, $4  }
0x8a: {  	[hbm:s10], [sflag:s14] =	dma.local @!p0 [spmem:s15], $0x2700  }
0x8b: {  	_ =	swait.ge @!p0 [sflag:s0], $0x2700  }
0x8c: {  	[sflag:s0] =	ssyncset.done @!p0 $0x0  }
0x8d: {  	[sflag:s0] =	ssyncadd.s32 @!p0 $0xFFFFD900  }
0x8e: {  	_ =	sfence.sel $0x180000  }
0x8f: {  	[bflag:$0x0] =	sbarrier.arrive $0xFFFF  }
0x90: {  	_ =	strace $0x9000004D  }
0x91: {  	s0 =	stileid.u32;
	[bflag:$0x2] =	sbarrier.arrive $0xFFFF  }
0x92: {  	p0 =	sne.s32 s0, $0x0;
	s0 =	rddreg [dreg:$0x3]  }
0x93: {  	s0 =	sadd.s32 @!p0 $0x100000, s0  }
0x94: {  	[sflag:s0] =	ssyncadd.tile.s32 @!p0 $0x1;
	_ =	shalt  }
.Lfunc_end2:
_tile_overlayer_lowered:
.L_overlay_start_2:
0x95: {  	(tag) =	ssettag $0x2  }
0x96: {  	s0 =	rddreg [dreg:$0x0];
	s2 =	stileid.u32  }
0x97: {  	s1 =	rddreg [dreg:$0x1];
	p0 =	sne.s32 s2, $0x0  }
0x98: {  	s3 =	rddreg [dreg:$0x2];
	[bflag:$0x3] =	sbarrier.arrive $0xFFFF;
	s2 =	simm.s32 @!p0 $0x1C03  }
0x99: {  	[timem:s3], [sflag:s2] =	dma.local @!p0 [hbm:s0], s1  }
0x9a: {  	s0 =	simm.s32 @!p0 $0x3  }
0x9b: {  	_ =	swait.ge @!p0 [sflag:s0], s1  }
0x9c: {  	s1 =	ssub.s32 @!p0 $0x0, s1;
	[sflag:s0] =	ssyncset.done @!p0 $0x0  }
0x9d: {  	[sflag:s0] =	ssyncadd.s32 @!p0 s1  }
0x9e: {  	[bflag:$0x3] =	sbarrier.arrive $0xFFFF  }
0x9f: {  	_ =	shalt  }

// kernel: kernel.19.cloned.1.call-start
scs
__scs_entry_jumppad:
0x0: {  	(pc) =	sbr.rel $0x88, $3  }
0x1: {  	(tag) =	ssettag $0x0;
	lr =	simm.s32 $0x1  }
0x2: {  	[smem:$0x3F99] =	sst lr;
	_ =	strace $0xD0000000  }
0x3: {  	_ = 	snop  }
0x4: {  	_ = 	snop  }
0x5: {  	_ = 	snop  }
0x6: {  	_ = 	snop  }
0x7: {  	_ = 	snop  }
__scs_overlays_trampoline_lowered:
0x8: {  	[smem:$0x3FA8] =	sst s0  }
0x9: {  	[smem:$0x3FA9] =	sst s1  }
0xa: {  	[smem:$0x3FAA] =	sst s2  }
0xb: {  	[smem:$0x3FAB] =	sst s3  }
0xc: {  	[smem:$0x3FAC] =	sst s4  }
0xd: {  	[smem:$0x3FAD] =	sst s5  }
0xe: {  	[smem:$0x3FAE] =	sst s6  }
0xf: {  	[smem:$0x3FAF] =	sst s7  }
0x10: {  	[smem:$0x3FB0] =	sst s8  }
0x11: {  	[smem:$0x3FB1] =	sst s9;
	s0 =	simm.s32 @!p0 $0x0  }
0x12: {  	s1 =	sld [smem:$0x3F97];
	s0 =	simm.s32 @p0 $0x1  }
0x13: {  	[smem:$0x3FB2] =	sst s0;
	s0 =	simm.s32 @!p1 $0x0  }
0x14: {  	s2 =	sld [smem:$0x3F96];
	s0 =	simm.s32 @p1 $0x1  }
0x15: {  	[smem:$0x3FB3] =	sst s0;
	s0 =	simm.s32 @!p2 $0x0  }
0x16: {  	s3 =	sld [smem:$0x3FDB];
	s0 =	simm.s32 @p2 $0x1  }
0x17: {  	s4 =	simm.s32 $0x1BF5;
	[smem:$0x3FB5] =	sst s0  }
0x18: {  	s0 =	sld [smem:$0x3F98];
	_ =	swait.ge [sflag:s4], $0x0  }
0x19: {  	s7 =	sld [smem:$0x3F99]  }
0x1a: {  	s8 =	sadd.s32 $0xFFFFE003, lr  }
0x1b: {  	s9 =	sadd.s32 $0xFFFFFEF7, lr;
	s5 =	simm.s32 $0xFFFFFFFF;
	p2 =	slt.u32 s8, $0xFFFFF086  }
0x1c: {  	p1 =	slt.u32 s9, $0xF7A;
	s5 =	simm.s32 @!p2 $0x0  }
0x1d: {  	s5 =	simm.s32 @p1 $0x1;
	p0 =	seq.s32 s7, s2  }
0x1e: {  	s7 =	smul.u32 @!p0 $0xF7A, s2;
	p2 =	seq.s32 @!p0 s5, $0x0  }
0x1f: {  	s9 =	smul.u32 $0xF7A, s1;
	s8 =	simm.s32 @!p0 $0x1BF5;
	p2 =	por !p2, p0  }
0x20: {  	[sflag:s8] =	ssyncset.s32 @!p0 $0xFFFFF086;
	s6 =	sadd.s32 @!p0 s3, s7;
	s7 =	simm.s32 @!p0 $0x108  }
0x21: {  	s3 =	sadd.s32 s3, s9;
	s6 =	sadd.s32 @!p0 $0x88, s6;
	s7 =	simm.s32 @p2 $0x1082  }
0x22: {  	[simem:s7], [sflag:s8] =	dma.local @!p0 [hbm:s6], $0xF7A  }
0x23: {  	s9 =	sor.u32 $0xD0000000, s2;
	s6 =	simm.s32 $0x108;
	_ =	swait.ge @!p0 [sflag:s8], $0x0  }
0x24: {  	s3 =	sadd.s32 $0x88, s3;
	s6 =	simm.s32 @!p1 $0x1082;
	[sflag:s4] =	ssyncset.s32 $0xFFFFF086  }
0x25: {  	[simem:s6], [sflag:s4] =	dma.local [hbm:s3], $0xF7A  }
0x26: {  	[smem:$0x3F99] =	sst s1;
	(tag) =	ssettag s2;
	_ =	strace s9  }
0x27: {  	s1 =	sld [smem:$0x3FA9]  }
0x28: {  	s2 =	sld [smem:$0x3FAA]  }
0x29: {  	s4 =	sld [smem:$0x3FAC]  }
0x2a: {  	p0 =	seq.s32 s5, $0x0;
	s5 =	sld [smem:$0x3FAD]  }
0x2b: {  	s6 =	sld [smem:$0x3FAE]  }
0x2c: {  	s7 =	sld [smem:$0x3FAF]  }
0x2d: {  	s3 =	simm.s32 $0x108;
	s8 =	sld [smem:$0x3FB0]  }
0x2e: {  	s3 =	simm.s32 @!p0 $0x1082;
	s9 =	sld [smem:$0x3FB1]  }
0x2f: {  	lr =	sadd.s32 s0, s3;
	s0 =	sld [smem:$0x3FA8]  }
0x30: {  	s3 =	sld [smem:$0x3FAB]  }
0x31: {  	[smem:$0x3FB4] =	sst s10  }
0x32: {  	s10 =	sld [smem:$0x3FB2];
	_ =	sdelay $0x3  }
0x33: {  	p0 =	seq.s32 s10, $0x1;
	s10 =	sld [smem:$0x3FB4];
	_ =	sdelay $0x3  }
0x34: {  	[smem:$0x3FB4] =	sst s10  }
0x35: {  	s10 =	sld [smem:$0x3FB3];
	_ =	sdelay $0x3  }
0x36: {  	p1 =	seq.s32 s10, $0x1;
	s10 =	sld [smem:$0x3FB4];
	_ =	sdelay $0x3  }
0x37: {  	[smem:$0x3FB4] =	sst s10  }
0x38: {  	s10 =	sld [smem:$0x3FB5]  }
0x39: {  	_ = 	snop;
	(pc) =	sbr.ind lr, $3  }
0x3a: {  	_ = 	snop  }
0x3b: {  	_ = 	snop  }
0x3c: {  	p2 =	seq.s32 s10, $0x1;
	s10 =	sld [smem:$0x3FB4]  }
0x3d: {  	_ =	shalt  }
0x3e: {  	_ =	shalt  }
0x3f: {  	_ =	shalt  }
0x40: {  	_ =	shalt  }
0x41: {  	_ =	shalt  }
0x42: {  	_ =	shalt  }
0x43: {  	_ =	shalt  }
0x44: {  	_ =	shalt  }
0x45: {  	_ =	shalt  }
0x46: {  	_ =	shalt  }
0x47: {  	_ =	shalt  }
0x48: {  	_ =	shalt  }
0x49: {  	_ =	shalt  }
0x4a: {  	_ =	shalt  }
0x4b: {  	_ =	shalt  }
0x4c: {  	_ =	shalt  }
0x4d: {  	_ =	shalt  }
0x4e: {  	_ =	shalt  }
0x4f: {  	_ =	shalt  }
0x50: {  	_ =	shalt  }
0x51: {  	_ =	shalt  }
0x52: {  	_ =	shalt  }
0x53: {  	_ =	shalt  }
0x54: {  	_ =	shalt  }
0x55: {  	_ =	shalt  }
0x56: {  	_ =	shalt  }
0x57: {  	_ =	shalt  }
0x58: {  	_ =	shalt  }
0x59: {  	_ =	shalt  }
0x5a: {  	_ =	shalt  }
0x5b: {  	_ =	shalt  }
0x5c: {  	_ =	shalt  }
0x5d: {  	_ =	shalt  }
0x5e: {  	_ =	shalt  }
0x5f: {  	_ =	shalt  }
0x60: {  	_ =	shalt  }
0x61: {  	_ =	shalt  }
0x62: {  	_ =	shalt  }
0x63: {  	_ =	shalt  }
0x64: {  	_ =	shalt  }
0x65: {  	_ =	shalt  }
0x66: {  	_ =	shalt  }
0x67: {  	_ =	shalt  }
0x68: {  	_ =	shalt  }
0x69: {  	_ =	shalt  }
0x6a: {  	_ =	shalt  }
0x6b: {  	_ =	shalt  }
0x6c: {  	_ =	shalt  }
0x6d: {  	_ =	shalt  }
0x6e: {  	_ =	shalt  }
0x6f: {  	_ =	shalt  }
0x70: {  	_ =	shalt  }
0x71: {  	_ =	shalt  }
0x72: {  	_ =	shalt  }
0x73: {  	_ =	shalt  }
0x74: {  	_ =	shalt  }
0x75: {  	_ =	shalt  }
0x76: {  	_ =	shalt  }
0x77: {  	_ =	shalt  }
0x78: {  	_ =	shalt  }
0x79: {  	_ =	shalt  }
0x7a: {  	_ =	shalt  }
0x7b: {  	_ =	shalt  }
0x7c: {  	_ =	shalt  }
0x7d: {  	_ =	shalt  }
0x7e: {  	_ =	shalt  }
0x7f: {  	_ =	shalt  }
0x80: {  	_ =	shalt  }
0x81: {  	_ =	shalt  }
0x82: {  	_ =	shalt  }
0x83: {  	_ =	shalt  }
0x84: {  	_ =	shalt  }
0x85: {  	_ =	shalt  }
0x86: {  	_ =	shalt  }
0x87: {  	_ =	shalt  }
.Lfunc_end0:
.L_simem_size_0:
called_computation.3_lowered:
.L_overlay_start_0:
0x88: {  	s2 =	sld [smem:$0x3FD9]  }
0x89: {  	s3 =	sld [smem:$0x3FFE];
	_ =	sdelay $0x1  }
0x8a: {  	s1 =	srdreg.scid  }
0x8b: {  	s0 =	sand.u32 $0x1, s1  }
0x8c: {  	s17 =	sshll.u32 s0, $0xA;
	s2 =	sadd.s32 s3, s2  }
0x8d: {  	s2 =	sadd.s32 s2, s17  }
0x8e: {  	[smem:$0x3FC0] =	sst s2  }
0x8f: {  	_ = 	snop  }
0x90: {  	s2 =	sld [smem:$0x3FD0];
	(tm) =	ssettm $0x1  }
0x91: {  	s18 =	sld [smem:$0x3FFB];
	_ =	sdelay $0x3  }
0x92: {  	_ =	strace s18  }
0x93: {  	s3 =	sld [smem:$0x3FFC];
	_ =	sdelay $0x3  }
0x94: {  	_ =	strace s3  }
0x95: {  	s3 =	sld [smem:$0x3FFD];
	_ =	sdelay $0x3  }
0x96: {  	_ =	strace s3  }
0x97: {  	_ =	strace $0x8FFFFFFF  }
0x98: {  	s19 =	sld [smem:$0x3FDB];
	_ =	sdelay $0x1  }
0x99: {  	s4 =	simm.s32 $_scs_section_size  }
0x9a: {  	s5 =	simm.s32 $_size__tile_overlayer_lowered;
	s6 =	simm.s32 $_tile_overlayer_lowered  }
0x9b: {  	s22 =	simm.s32 $0x1BFF;
	s21 =	sshll.u32 s6, $0x1;
	s3 =	sadd.s32 s4, s19  }
0x9c: {  	s7 =	simm.s32 $0x0;
	s20 =	sshll.u32 s5, $0x1;
	s5 =	sadd.s32 s21, s3  }
0x9d: {  	[timem:s7], [sflag:s22] =	dma.local [hbm:s5], s20  }
0x9e: {  	_ =	swait.ge [sflag:s22], s20  }
0x9f: {  	s4 =	ssub.s32 $0x0, s20;
	[sflag:s22] =	ssyncset.done $0x0  }
0xa0: {  	[sflag:s22] =	ssyncadd.s32 s4;
	_ =	sdelay $0x1  }
0xa1: {  	s23 =	simm.s32 $0x1B8B  }
0xa2: {  	_ =	swait.ge [sflag:s23], $0x1  }
0xa3: {  	[sflag:s23] =	ssyncset.done $0x0  }
0xa4: {  	s25 =	simm.s32 $0x1B8E;
	s24 =	sld [smem:$0x3FFE];
	[sflag:s23] =	ssyncadd.s32 $0xFFFFFFFF  }
0xa5: {  	s26 =	simm.s32 $execute0_lowered;
	[smem:$0x3FD2] =	sst s25  }
0xa6: {  	s5 =	sshll.u32 s26, $0x1;
	_ =	strace $0x8000004F;
	[dreg:$0x1] =	wrdreg $0xFFFFFFFF  }
0xa7: {  	s28 =	simm.s32 $_size_execute0_lowered;
	s3 =	sadd.s32 s3, s5;
	[dreg:$0x0] =	wrdreg $0x0  }
0xa8: {  	s5 =	sshll.u32 s28, $0x1;
	[dreg:$0x2] =	wrdreg s3  }
0xa9: {  	[dreg:$0x3] =	wrdreg s5  }
0xaa: {  	[dreg:$0x4] =	wrdreg $0xC0  }
0xab: {  	_ =	task [dreg:s7], $0x5FFFF  }
0xac: {  	[dreg:$0x1] =	wrdreg $0xFFFFFFFF  }
0xad: {  	[dreg:$0x0] =	wrdreg $0x60  }
0xae: {  	[dreg:$0x2] =	wrdreg s2  }
0xaf: {  	[dreg:$0x3] =	wrdreg s24  }
0xb0: {  	[dreg:$0x4] =	wrdreg $0xA8000  }
0xb1: {  	[dreg:$0x5] =	wrdreg $0x9  }
0xb2: {  	_ =	task.clear_ibuf [dreg:s7], $0x6FFFF;
	_ =	strace $0x9000004F  }
0xb3: {  	s29 =	simm.s32 $0x9;
	_ =	strace $0x80000051  }
0xb4: {  	_ =	swait.ge [sflag:s29], $0x1  }
0xb5: {  	[sflag:s29] =	ssyncadd.s32 $0xFFFFFFFF  }
0xb6: {  	_ =	strace $0x90000051  }
0xb7: {  	_ =	sfence  }
0xb8: {  	s30 =	sld [smem:$0x0];
	_ =	sdelay $0x2  }
0xb9: {  	s31 =	sshll.u32 s1, $0xD;
	s1 =	sshrl.u32 s1, $0x2  }
0xba: {  	s3 =	sand.u32 $0x4000, s31;
	s1 =	sadd.s32 s1, s30  }
0xbb: {  	s0 =	sor.u32 s3, s0;
	s1 =	sshll.u32 s1, $0x11  }
0xbc: {  	s0 =	sor.u32 s1, s0  }
0xbd: {  	s0 =	sadd.s32 $0x8F2B, s0  }
0xbe: {  	[sflag:s0] =	ssyncadd.remote.s32 $0x1  }
0xbf: {  	_ =	sfence.sel $0xFFFF  }
0xc0: {  	[dreg:$0x0] =	wrdreg $0xFFFFFFFF;
	(pc) =	sbr.abs _section_cstart, $3  }
0xc1: {  	[dreg:$0x1] =	wrdreg $0xFFFFFFFF  }
0xc2: {  	_ =	task.clear_ibuf [dreg:s7], $0x2FFFF;
	_ =	strace $0x9FFFFFFF  }
0xc3: {  	(tm) =	ssettm $0x7FFFFFFF  }
tec
execute0_lowered:
.L_overlay_start_1:
0x0: {  	(tag) =	ssettag $0x1  }
0x1: {  	s1 =	rddreg [dreg:$0x0]  }
0x2: {  	s0 =	srdreg.scid;
	s6 =	rddreg [dreg:$0x1]  }
0x3: {  	s3 =	rddreg [dreg:$0x2];
	s4 =	simm.s32 $0x0;
	s16 =	simm.s32 $0x3  }
0x4: {  	s17 =	simm.s32 $0x80;
	s18 =	simm.s32 $0x2800;
	s2 =	sand.u32 $0x1, s0  }
0x5: {  	s19 =	simm.s32 $0x6800;
	s0 =	stileid.u32;
	s5 =	smul.u32 $0x28000, s2  }
0x6: {  	s20 =	simm.s32 $0x1;
	s21 =	simm.s32 $0x2700;
	s7 =	smul.u32 $0x2800, s0  }
0x7: {  	s22 =	simm.s32 $0x2;
	s23 =	simm.s32 $0x2780;
	s10 =	smul.u32 $0x4E000, s0  }
0x8: {  	s24 =	simm.s32 $0x0;
	[smem:$0x7FF] =	sst s4;
	s12 =	smul.u32 $0x27100, s2  }
0x9: {  	s11 =	sadd.s32 $0x62000, s6;
	s14 =	sadd.s32 $0x124800, s3;
	s29 =	smul.u32 $0x2700, s0  }
0xa: {  	_ =	strace $0x80000050;
	s25 =	ssub.s32 $0x2, s2;
	s2 =	smul.u32 $0x138800, s2  }
0xb: {  	p0 =	seq.s32 s0, $0xF;
	s26 =	sshrl.u32 s25, $0x1;
	s5 =	sadd.s32 s7, s5  }
0xc: {  	s7 =	sshrl.u32 s7, $0x3;
	s13 =	ssub.s32 s25, s26;
	s28 =	sshrl.u32 s10, $0x2  }
0xd: {  	s10 =	sadd.s32 s29, s12;
	s2 =	sshrl.u32 s2, $0x3;
	s5 =	sshrl.u32 s5, $0x3  }
0xe: {  	s9 =	sadd.s32 s7, s6;
	s15 =	sadd.s32 s28, s3;
	s10 =	sadd.s32 s11, s10  }
0xf: {  	s2 =	sadd.s32 s11, s2;
	s12 =	smax.u32 s13, $0x1;
	s13 =	sshrl.u32 @p0 s14, $0x3  }
0x10: {  	s8 =	sadd.s32 s5, s6;
	s5 =	sadd.s32 $0x7600, s6;
	s31 =	sadd.s32 $0x2600, s9  }
0x11: {  	s9 =	sadd.s32 $0x2880, s9;
	s11 =	sadd.s32 $0x24900, s2;
	s2 =	sshll.u32 @!p0 s0, $0x6  }
0x12: {  	s15 =	sshrl.u32 @!p0 s15, $0x3;
	s30 =	sadd.s32 $0x58000, s8;
	[dreg:$0x5] =	wrdreg s31  }
0x13: {  	s8 =	sadd.s32 $0x58280, s8;
	s14 =	sor.u32 @!p0 $0x1C03, s2;
	[dreg:$0x4] =	wrdreg s30  }
.LBB2_1:
0x14: {  	s2 =	simm.s32 @p0 $0x1FC3  }
0x15: {  	[spmem:s13], [sflag:s2] =	dma.local @p0 [hbm:s5], $0x2800  }
0x16: {  	s2 =	simm.s32 @p0 $0x3  }
0x17: {  	_ =	swait.ge @p0 [sflag:s2], $0x2800  }
0x18: {  	[sflag:s2] =	ssyncset.done @p0 $0x0  }
0x19: {  	[sflag:s2] =	ssyncadd.s32 @p0 $0xFFFFD800;
	s2 =	simm.s32 @!p0 $0x3  }
0x1a: {  	[spmem:s15], [sflag:s14] =	dma.local @!p0 [hbm:s5], $0x2700  }
0x1b: {  	_ =	swait.ge @!p0 [sflag:s2], $0x2700  }
0x1c: {  	[sflag:s2] =	ssyncset.done @!p0 $0x0  }
0x1d: {  	[sflag:s2] =	ssyncadd.s32 @!p0 $0xFFFFD900  }
0x1e: {  	[bflag:$0x0] =	sbarrier.arrive $0xFFFF  }
0x1f: {  	s0 =	rddreg [dreg:$0x4]  }
0x20: {  	[tilespmem:s4], [sflag:$0x3] =	stream.linear.gather [hbm4b:s0+s4], $0x1400, $0x38;
	[tilespmem:$0x1E0C0] =	vst v63  }
0x21: {  	_ =	swait.ge [sflag:s16], $0x1400  }
0x22: {  	[sflag:s16] =	ssyncset.done $0x0  }
0x23: {  	s7 =	simm.s32 $0x1400;
	s26 =	rddreg [dreg:$0x5];
	[sflag:s16] =	ssyncadd.s32 $0xFFFFEC00  }
0x24: {  	[tilespmem:s7], [sflag:$0x3] =	stream.linear.gather [hbm4b:s26+s4], $0x1400, $0x38;
	[tilespmem:$0x1E0C0] =	vst v63  }
0x25: {  	_ =	swait.ge [sflag:s16], $0x1400  }
0x26: {  	[sflag:s16] =	ssyncset.done $0x0  }
0x27: {  	s26 =	sand.u32 $0x1, s4;
	[sflag:s16] =	ssyncadd.s32 $0xFFFFEC00  }
0x28: {  	[tilespmem:s18], [sflag:$0x1] =	stream.indirect.gather [hbm4b:s1+s17], $0x80, s4, s17, $0xb8;
	[tilespmem:$0x1E0C0] =	vst v63  }
0x29: {  	s25 =	sadd.s32 $0x1, s26  }
0x2a: {  	[tilespmem:s19], [sflag:$0x2] =	stream.indirect.gather [hbm4b:s1+s17], $0x80, s17, s17, $0xb8;
	[tilespmem:$0x1E0C0] =	vst v63  }
0x2b: {  	_ =	swait.ge [sflag:s25], $0x4000  }
0x2c: {  	s29 =	simm.s32 $0x100;
	s26 =	sshll.u32 s26, $0xE;
	[sflag:s25] =	ssyncset.done $0x0  }
0x2d: {  	s31 =	simm.s32 $0x1;
	s30 =	sor.u32 $0x2800, s26;
	[sflag:s25] =	ssyncadd.s32 $0xFFFFC000  }
0x2e: {  	[spmem:s3] =	stream.indirect.scatter.add.f32 [tilespmem:s30], [sflag:$0x3], $0x80, s7, s17, $0xb8;
	[tilespmem:$0x1E0C0] =	vst v63  }
0x2f: {  	s28 =	simm.s32 $0x1480;
	s31 =	sand.u32 $0x1, s31;
	_ =	swait.ge [sflag:s16], $0x4000  }
0x30: {  	s2 =	simm.s32 $0x2;
	s26 =	simm.s32 $0x180;
	[sflag:s16] =	ssyncset.done $0x0  }
.LBB2_2:
0x31: {  	s0 =	sadd.s32 $0x1, s31  }
0x32: {  	[sflag:s16] =	ssyncadd.s32 $0xFFFFC000;
	s6 =	smov.u32 s2;
	s7 =	sadd.s32 $0x1, s2  }
0x33: {  	[tilespmem:s30], [sflag:s25] =	stream.indirect.gather [hbm4b:s1+s17], $0x80, s29, s17, $0xb8;
	[tilespmem:$0x1E0C0] =	vst v63  }
0x34: {  	p1 =	sne.s32 s2, $0x25;
	s25 =	smov.u32 s0;
	_ =	swait.ge [sflag:s0], $0x4000  }
.Ltmp0:
0x35: {  	s0 =	sshll.u32 s31, $0xE;
	[sflag:s25] =	ssyncset.done $0x0;
	(pc) =	sbr.rel @p1 .LBB2_2-.Ltmp0, $4  }
0x36: {  	s29 =	smov.u32 s26;
	s30 =	sor.u32 $0x2800, s0;
	[sflag:s25] =	ssyncadd.s32 $0xFFFFC000  }
0x37: {  	[spmem:s3] =	stream.indirect.scatter.add.f32 [tilespmem:s30], [sflag:$0x3], $0x80, s28, s17, $0xb8;
	[tilespmem:$0x1E0C0] =	vst v63  }
0x38: {  	s26 =	sadd.s32 $0x80, s26;
	s28 =	sadd.s32 $0x80, s28;
	_ =	swait.ge [sflag:s16], $0x4000  }
0x39: {  	s2 =	smov.u32 s7;
	s31 =	sand.u32 $0x1, s6;
	[sflag:s16] =	ssyncset.done $0x0  }
0x3a: {  	s0 =	sadd.s32 $0x1, s31;
	[sflag:s16] =	ssyncadd.s32 $0xFFFFC000  }
0x3b: {  	[tilespmem:s30], [sflag:s25] =	stream.indirect.gather [hbm4b:s1+s17], $0x80, s29, s17, $0xb8;
	[tilespmem:$0x1E0C0] =	vst v63  }
0x3c: {  	_ =	swait.ge [sflag:s0], $0x4000  }
0x3d: {  	s2 =	sshll.u32 s31, $0xE;
	[sflag:s0] =	ssyncset.done $0x0  }
0x3e: {  	s2 =	sor.u32 $0x2800, s2;
	[sflag:s0] =	ssyncadd.s32 $0xFFFFC000  }
0x3f: {  	[spmem:s3] =	stream.indirect.scatter.add.f32 [tilespmem:s2], [sflag:$0x3], $0x80, s28, s17, $0xb8;
	[tilespmem:$0x1E0C0] =	vst v63  }
0x40: {  	_ =	swait.ge [sflag:s16], $0x4000  }
0x41: {  	[sflag:s16] =	ssyncset.done $0x0  }
0x42: {  	[sflag:s16] =	ssyncadd.s32 $0xFFFFC000  }
0x43: {  	[tilespmem:s2], [sflag:s0] =	stream.indirect.gather [hbm4b:s1+s17], $0x80, s26, s17, $0xb8;
	[tilespmem:$0x1E0C0] =	vst v63  }
0x44: {  	_ =	swait.ge [sflag:s20], $0x4000  }
0x45: {  	[sflag:s20] =	ssyncset.done $0x0  }
0x46: {  	[sflag:s20] =	ssyncadd.s32 $0xFFFFC000  }
0x47: {  	[spmem:s3] =	stream.indirect.scatter.add.f32 [tilespmem:s18], [sflag:$0x3], $0x80, s21, s17, $0xb8;
	[tilespmem:$0x1E0C0] =	vst v63  }
0x48: {  	_ =	swait.ge [sflag:s16], $0x4000  }
0x49: {  	[sflag:s16] =	ssyncset.done $0x0  }
0x4a: {  	[sflag:s16] =	ssyncadd.s32 $0xFFFFC000  }
0x4b: {  	_ =	swait.ge [sflag:s22], $0x4000  }
0x4c: {  	[sflag:s22] =	ssyncset.done $0x0  }
0x4d: {  	[sflag:s22] =	ssyncadd.s32 $0xFFFFC000  }
0x4e: {  	[spmem:s3] =	stream.indirect.scatter.add.f32 [tilespmem:s19], [sflag:$0x3], $0x80, s23, s17, $0xb8;
	[tilespmem:$0x1E0C0] =	vst v63  }
0x4f: {  	_ =	swait.ge [sflag:s16], $0x4000  }
0x50: {  	[sflag:s16] =	ssyncset.done $0x0  }
0x51: {  	s25 =	simm.s32 $0x0;
	[sflag:s16] =	ssyncadd.s32 $0xFFFFC000  }
0x52: {  	[tilespmem:s25], [sflag:$0x3] =	stream.linear.gather [hbm4b:s8+s25], $0x1400, $0x38;
	[tilespmem:$0x1E0C0] =	vst v63  }
0x53: {  	_ =	swait.ge [sflag:s16], $0x1400  }
0x54: {  	[sflag:s16] =	ssyncset.done $0x0  }
0x55: {  	s26 =	simm.s32 $0x1400;
	[sflag:s16] =	ssyncadd.s32 $0xFFFFEC00  }
0x56: {  	[tilespmem:s26], [sflag:$0x3] =	stream.linear.gather [hbm4b:s9+s25], $0x1400, $0x38;
	[tilespmem:$0x1E0C0] =	vst v63  }
0x57: {  	_ =	swait.ge [sflag:s16], $0x1400  }
0x58: {  	[sflag:s16] =	ssyncset.done $0x0  }
0x59: {  	s0 =	sand.u32 $0x1, s25;
	[sflag:s16] =	ssyncadd.s32 $0xFFFFEC00  }
0x5a: {  	[tilespmem:s18], [sflag:$0x1] =	stream.indirect.gather [hbm4b:s1+s17], $0x80, s25, s17, $0xb8;
	[tilespmem:$0x1E0C0] =	vst v63  }
0x5b: {  	s25 =	sadd.s32 $0x1, s0  }
0x5c: {  	[tilespmem:s19], [sflag:$0x2] =	stream.indirect.gather [hbm4b:s1+s17], $0x80, s17, s17, $0xb8;
	[tilespmem:$0x1E0C0] =	vst v63  }
0x5d: {  	_ =	swait.ge [sflag:s25], $0x4000  }
0x5e: {  	s6 =	simm.s32 $0x1;
	s0 =	sshll.u32 s0, $0xE;
	[sflag:s25] =	ssyncset.done $0x0  }
0x5f: {  	s29 =	simm.s32 $0x100;
	s30 =	sor.u32 $0x2800, s0;
	[sflag:s25] =	ssyncadd.s32 $0xFFFFC000  }
0x60: {  	[spmem:s3] =	stream.indirect.scatter.add.f32 [tilespmem:s30], [sflag:$0x3], $0x80, s26, s17, $0xb8;
	[tilespmem:$0x1E0C0] =	vst v63  }
0x61: {  	s31 =	sand.u32 $0x1, s6;
	s28 =	simm.s32 $0x1480;
	_ =	swait.ge [sflag:s16], $0x4000  }
0x62: {  	s2 =	simm.s32 $0x2;
	s26 =	simm.s32 $0x180;
	[sflag:s16] =	ssyncset.done $0x0  }
.LBB2_4:
0x63: {  	s0 =	sadd.s32 $0x1, s31  }
0x64: {  	[sflag:s16] =	ssyncadd.s32 $0xFFFFC000;
	s6 =	smov.u32 s2;
	s7 =	sadd.s32 $0x1, s2  }
0x65: {  	[tilespmem:s30], [sflag:s25] =	stream.indirect.gather [hbm4b:s1+s17], $0x80, s29, s17, $0xb8;
	[tilespmem:$0x1E0C0] =	vst v63  }
0x66: {  	p1 =	sne.s32 s2, $0x25;
	s25 =	smov.u32 s0;
	_ =	swait.ge [sflag:s0], $0x4000  }
.Ltmp1:
0x67: {  	s0 =	sshll.u32 s31, $0xE;
	[sflag:s25] =	ssyncset.done $0x0;
	(pc) =	sbr.rel @p1 .LBB2_4-.Ltmp1, $4  }
0x68: {  	s29 =	smov.u32 s26;
	s30 =	sor.u32 $0x2800, s0;
	[sflag:s25] =	ssyncadd.s32 $0xFFFFC000  }
0x69: {  	[spmem:s3] =	stream.indirect.scatter.add.f32 [tilespmem:s30], [sflag:$0x3], $0x80, s28, s17, $0xb8;
	[tilespmem:$0x1E0C0] =	vst v63  }
0x6a: {  	s26 =	sadd.s32 $0x80, s26;
	s28 =	sadd.s32 $0x80, s28;
	_ =	swait.ge [sflag:s16], $0x4000  }
0x6b: {  	s2 =	smov.u32 s7;
	s31 =	sand.u32 $0x1, s6;
	[sflag:s16] =	ssyncset.done $0x0  }
0x6c: {  	s0 =	sadd.s32 $0x1, s31;
	[sflag:s16] =	ssyncadd.s32 $0xFFFFC000  }
0x6d: {  	[tilespmem:s30], [sflag:s25] =	stream.indirect.gather [hbm4b:s1+s17], $0x80, s29, s17, $0xb8;
	[tilespmem:$0x1E0C0] =	vst v63  }
0x6e: {  	_ =	swait.ge [sflag:s0], $0x4000  }
0x6f: {  	s2 =	sshll.u32 s31, $0xE;
	[sflag:s0] =	ssyncset.done $0x0  }
0x70: {  	s2 =	sor.u32 $0x2800, s2;
	[sflag:s0] =	ssyncadd.s32 $0xFFFFC000  }
0x71: {  	[spmem:s3] =	stream.indirect.scatter.add.f32 [tilespmem:s2], [sflag:$0x3], $0x80, s28, s17, $0xb8;
	[tilespmem:$0x1E0C0] =	vst v63  }
0x72: {  	_ =	swait.ge [sflag:s16], $0x4000  }
0x73: {  	[sflag:s16] =	ssyncset.done $0x0  }
0x74: {  	[sflag:s16] =	ssyncadd.s32 $0xFFFFC000  }
0x75: {  	[tilespmem:s2], [sflag:s0] =	stream.indirect.gather [hbm4b:s1+s17], $0x80, s26, s17, $0xb8;
	[tilespmem:$0x1E0C0] =	vst v63  }
0x76: {  	_ =	swait.ge [sflag:s20], $0x4000  }
0x77: {  	[sflag:s20] =	ssyncset.done $0x0  }
0x78: {  	[sflag:s20] =	ssyncadd.s32 $0xFFFFC000  }
0x79: {  	[spmem:s3] =	stream.indirect.scatter.add.f32 [tilespmem:s18], [sflag:$0x3], $0x80, s21, s17, $0xb8;
	[tilespmem:$0x1E0C0] =	vst v63  }
0x7a: {  	_ =	swait.ge [sflag:s16], $0x4000  }
0x7b: {  	[sflag:s16] =	ssyncset.done $0x0  }
0x7c: {  	[sflag:s16] =	ssyncadd.s32 $0xFFFFC000  }
0x7d: {  	_ =	swait.ge [sflag:s22], $0x4000  }
0x7e: {  	[sflag:s22] =	ssyncset.done $0x0  }
0x7f: {  	[sflag:s22] =	ssyncadd.s32 $0xFFFFC000  }
0x80: {  	[spmem:s3] =	stream.indirect.scatter.add.f32 [tilespmem:s19], [sflag:$0x3], $0x80, s23, s17, $0xb8;
	[tilespmem:$0x1E0C0] =	vst v63  }
0x81: {  	_ =	swait.ge [sflag:s16], $0x4000  }
0x82: {  	[sflag:s16] =	ssyncset.done $0x0  }
0x83: {  	[sflag:s16] =	ssyncadd.s32 $0xFFFFC000  }
0x84: {  	s0 =	simm.s32 @p0 $0x1FC3;
	[bflag:$0x0] =	sbarrier.arrive $0xFFFF  }
0x85: {  	[hbm:s11], [sflag:s0] =	dma.local @p0 [spmem:s13], $0x2800  }
0x86: {  	s0 =	simm.s32 @p0 $0x3  }
0x87: {  	s24 =	sadd.s32 $0x1, s24;
	_ =	swait.ge @p0 [sflag:s0], $0x2800  }
0x88: {  	p1 =	sne.s32 s24, s12;
	[sflag:s0] =	ssyncset.done @p0 $0x0  }
.Ltmp2:
0x89: {  	[sflag:s0] =	ssyncadd.s32 @p0 $0xFFFFD800;
	s0 =	simm.s32 @!p0 $0x3;
	(pc) =	sbr.rel @p1 .LBB2_1-.Ltmp2, $4  }
0x8a: {  	[hbm:s10], [sflag:s14] =	dma.local @!p0 [spmem:s15], $0x2700  }
0x8b: {  	_ =	swait.ge @!p0 [sflag:s0], $0x2700  }
0x8c: {  	[sflag:s0] =	ssyncset.done @!p0 $0x0  }
0x8d: {  	[sflag:s0] =	ssyncadd.s32 @!p0 $0xFFFFD900  }
0x8e: {  	_ =	sfence.sel $0x180000  }
0x8f: {  	[bflag:$0x0] =	sbarrier.arrive $0xFFFF  }
0x90: {  	_ =	strace $0x90000050  }
0x91: {  	s0 =	stileid.u32;
	[bflag:$0x2] =	sbarrier.arrive $0xFFFF  }
0x92: {  	p0 =	sne.s32 s0, $0x0;
	s0 =	rddreg [dreg:$0x3]  }
0x93: {  	s0 =	sadd.s32 @!p0 $0x100000, s0  }
0x94: {  	[sflag:s0] =	ssyncadd.tile.s32 @!p0 $0x1;
	_ =	shalt  }
.Lfunc_end2:
_tile_overlayer_lowered:
.L_overlay_start_2:
0x95: {  	(tag) =	ssettag $0x2  }
0x96: {  	s0 =	rddreg [dreg:$0x0];
	s2 =	stileid.u32  }
0x97: {  	s1 =	rddreg [dreg:$0x1];
	p0 =	sne.s32 s2, $0x0  }
0x98: {  	s3 =	rddreg [dreg:$0x2];
	[bflag:$0x3] =	sbarrier.arrive $0xFFFF;
	s2 =	simm.s32 @!p0 $0x1C03  }
0x99: {  	[timem:s3], [sflag:s2] =	dma.local @!p0 [hbm:s0], s1  }
0x9a: {  	s0 =	simm.s32 @!p0 $0x3  }
0x9b: {  	_ =	swait.ge @!p0 [sflag:s0], s1  }
0x9c: {  	s1 =	ssub.s32 @!p0 $0x0, s1;
	[sflag:s0] =	ssyncset.done @!p0 $0x0  }
0x9d: {  	[sflag:s0] =	ssyncadd.s32 @!p0 s1  }
0x9e: {  	[bflag:$0x3] =	sbarrier.arrive $0xFFFF  }
0x9f: {  	_ =	shalt  }

</sc_bundles>
